<compile_context>
chip_gen: v7x
topology: tpu7x:2x2x1
jax: 0.10.2.dev20260603
libtpu: 0.0.44.dev20260713+nightly
codegen_flags: <defaults>
</compile_context>

<pallas_src>
import functools

import jax
import jax.numpy as jnp
from jax import lax
from jax.experimental import pallas as pl
from jax.experimental.pallas import tpu as pltpu
from jax.experimental.pallas import tpu_sc as plsc

N = 10000
E = 160000
D = 256
H = 512

NC = 2
NS = 16
K = 128

EP = 163840
NP = 10112
RPT = NP // NS
BN = 1000
NBLK = N // BN

_f32 = jnp.float32


def _make_edge_scatter(C):
  CPC = C // NC
  epw = EP // NS
  nb = epw // K

  nbh = nb // 2
  assert nbh % 2 == 0

  @functools.partial(
      pl.kernel,
      out_type=jax.ShapeDtypeStruct((C, NP, 128), _f32),
      mesh=plsc.VectorSubcoreMesh(core_axis_name="c", subcore_axis_name="s",
                                  num_cores=NC, num_subcores=NS),
      scratch_types=[
          pltpu.VMEM((nbh, K), jnp.int32),
          pltpu.VMEM((nbh, K), jnp.int32),
          pltpu.VMEM((K, 128), _f32),
          pltpu.VMEM((K, 128), _f32),
          pltpu.VMEM_SHARED((NP, 128), _f32),
          pltpu.SemaphoreType.DMA,
          pltpu.SemaphoreType.DMA,
      ],
  )
  def k(g_hbm, src_hbm, dst_hbm, zeros_hbm, p_hbm, sidx, didx,
        rows0, rows1, acc, gsem0, gsem1):
    c = lax.axis_index("c")
    s = lax.axis_index("s")
    row0 = s * RPT
    rows = (rows0, rows1)
    gsems = (gsem0, gsem1)
    for j in range(CPC):
      ci = c * CPC + j
      pltpu.sync_copy(zeros_hbm, acc.at[pl.ds(row0, RPT)])
      plsc.subcore_barrier()

      for p in range(2):
        pltpu.sync_copy(src_hbm.at[s].at[pl.ds(p * nbh, nbh)], sidx)
        pltpu.sync_copy(dst_hbm.at[s].at[pl.ds(p * nbh, nbh)], didx)

        for i in range(2):
          pltpu.async_copy(g_hbm.at[ci].at[sidx.at[i]], rows[i], gsems[i])

        @pl.loop(0, nbh // 2 - 1)
        def _(t):
          for i in range(2):
            b = 2 * t + i
            pltpu.make_async_copy(g_hbm.at[ci].at[sidx.at[b]],
                                  rows[i], gsems[i]).wait()
            pltpu.sync_copy(rows[i], acc.at[didx.at[b]], add=True)
            pltpu.async_copy(g_hbm.at[ci].at[sidx.at[b + 2]],
                             rows[i], gsems[i])

        for i in range(2):
          b = nbh - 2 + i
          pltpu.make_async_copy(g_hbm.at[ci].at[sidx.at[b]],
                                rows[i], gsems[i]).wait()
          pltpu.sync_copy(rows[i], acc.at[didx.at[b]], add=True)

      plsc.subcore_barrier()
      pltpu.sync_copy(acc.at[pl.ds(row0, RPT)],
                      p_hbm.at[ci].at[pl.ds(row0, RPT)])

  return k


def _make_degree():
  nbt = EP // NS // K
  nbc = nbt // NC

  @functools.partial(
      pl.kernel,
      out_type=jax.ShapeDtypeStruct((NC, NP, 128), _f32),
      mesh=plsc.VectorSubcoreMesh(core_axis_name="c", subcore_axis_name="s",
                                  num_cores=NC, num_subcores=NS),
      scratch_types=[
          pltpu.VMEM((EP // NS // K, K), jnp.int32),
          pltpu.VMEM((K, 128), _f32),
          pltpu.VMEM_SHARED((NP, 128), _f32),
          pltpu.SemaphoreType.DMA,
      ],
  )
  def k(dst_hbm, ones_hbm, zeros_hbm, deg_hbm, didx, msg, acc, dsem):
    c = lax.axis_index("c")
    s = lax.axis_index("s")
    row0 = s * RPT
    pltpu.sync_copy(dst_hbm.at[s], didx)
    pltpu.sync_copy(ones_hbm, msg)
    pltpu.sync_copy(zeros_hbm, acc.at[pl.ds(row0, RPT)])
    plsc.subcore_barrier()

    @pl.loop(0, nbc)
    def _(t):
      pltpu.async_copy(msg, acc.at[didx.at[c * nbc + t]], dsem, add=True)

    @pl.loop(0, nbc)
    def _(t):
      pltpu.make_async_copy(msg, acc.at[didx.at[0]], dsem).wait()

    plsc.subcore_barrier()
    pltpu.sync_copy(acc.at[pl.ds(row0, RPT)],
                    deg_hbm.at[c].at[pl.ds(row0, RPT)])

  return k


_edge_scatter = functools.lru_cache(_make_edge_scatter)
_degree = functools.lru_cache(_make_degree)


def _dinv_body(deg_ref, o_ref):
  deg = 1.0 + deg_ref[0, :, 0:1] + deg_ref[1, :, 0:1]
  o_ref[...] = jnp.broadcast_to(lax.rsqrt(deg), (BN, 128))


def _dinv_call(degp):
  return pl.pallas_call(
      _dinv_body,
      grid=(NBLK,),
      in_specs=[pl.BlockSpec((NC, BN, 128), lambda i: (0, i, 0))],
      out_specs=pl.BlockSpec((BN, 128), lambda i: (i, 0)),
      out_shape=jax.ShapeDtypeStruct((N, 128), _f32),
  )(degp)


def _mm1_body(x_ref, w_ref, dinv_ref, o_ref):
  h = jnp.dot(x_ref[...], w_ref[...], preferred_element_type=_f32)
  o_ref[0] = dinv_ref[...] * h


def _mm1_call(x, w, dinv_b, c_chunks):
  kdim = x.shape[1]
  return pl.pallas_call(
      _mm1_body,
      grid=(c_chunks, NBLK),
      in_specs=[
          pl.BlockSpec((BN, kdim), lambda c, j: (j, 0)),
          pl.BlockSpec((kdim, 128), lambda c, j: (0, c)),
          pl.BlockSpec((BN, 128), lambda c, j: (j, 0)),
      ],
      out_specs=pl.BlockSpec((1, BN, 128), lambda c, j: (c, j, 0)),
      out_shape=jax.ShapeDtypeStruct((c_chunks, N, 128), _f32),
  )(x, w, dinv_b)


def _mm2_body(p_ref, g_ref, w_ref, dinv_ref, b_ref, o_ref, *, kc):
  kk = pl.program_id(2)
  x = jnp.maximum(dinv_ref[...] * (p_ref[0] + g_ref[0]) + b_ref[0], 0.0)

  @pl.when(kk == 0)
  def _():
    o_ref[0] = jnp.zeros_like(o_ref[0])

  o_ref[0] += jnp.dot(x, w_ref[...], preferred_element_type=_f32)

  @pl.when(kk == kc - 1)
  def _():
    o_ref[0] = dinv_ref[...] * o_ref[0]


def _mm2_call(p, g, w, dinv_b, b_r, c_chunks):
  kc = g.shape[0]
  return pl.pallas_call(
      functools.partial(_mm2_body, kc=kc),
      grid=(c_chunks, NBLK, kc),
      in_specs=[
          pl.BlockSpec((1, BN, 128), lambda c, j, k: (k, j, 0)),
          pl.BlockSpec((1, BN, 128), lambda c, j, k: (k, j, 0)),
          pl.BlockSpec((128, 128), lambda c, j, k: (k, c)),
          pl.BlockSpec((BN, 128), lambda c, j, k: (j, 0)),
          pl.BlockSpec((1, 1, 128), lambda c, j, k: (k, 0, 0)),
      ],
      out_specs=pl.BlockSpec((1, BN, 128), lambda c, j, k: (c, j, 0)),
      out_shape=jax.ShapeDtypeStruct((c_chunks, N, 128), _f32),
  )(p, g, w, dinv_b, b_r)


def _final_body(p_ref, g_ref, dinv_ref, b_ref, o_ref):
  o_ref[...] = dinv_ref[...] * (p_ref[0] + g_ref[0]) + b_ref[0]


def _final_call(p, g, dinv_b, b_r, c_chunks):
  return pl.pallas_call(
      _final_body,
      grid=(c_chunks, NBLK),
      in_specs=[
          pl.BlockSpec((1, BN, 128), lambda c, j: (c, j, 0)),
          pl.BlockSpec((1, BN, 128), lambda c, j: (c, j, 0)),
          pl.BlockSpec((BN, 128), lambda c, j: (j, 0)),
          pl.BlockSpec((1, 1, 128), lambda c, j: (c, 0, 0)),
      ],
      out_specs=pl.BlockSpec((BN, 128), lambda c, j: (j, c)),
      out_shape=jax.ShapeDtypeStruct((N, c_chunks * 128), _f32),
  )(p, g, dinv_b, b_r)


def kernel(edge_index, emb, W1, b1, W2, b2):
  src = edge_index[0].astype(jnp.int32)
  dst = edge_index[1].astype(jnp.int32)
  pad = EP - E
  src_p = jnp.concatenate([src, jnp.zeros((pad,), jnp.int32)]).reshape(
      NS, EP // NS // K, K)
  dst_p = jnp.concatenate([dst, jnp.full((pad,), N, jnp.int32)]).reshape(
      NS, EP // NS // K, K)

  zeros128 = jnp.zeros((RPT, 128), _f32)
  ones_msg = jnp.zeros((K, 128), _f32).at[:, 0].set(1.0)

  degp = _degree()(dst_p, ones_msg, zeros128)
  dinv_b = _dinv_call(degp)

  g1 = _mm1_call(emb, W1, dinv_b, H // 128)
  p1 = _edge_scatter(H // 128)(g1, src_p, dst_p, zeros128)
  g2 = _mm2_call(p1, g1, W2, dinv_b, b1.reshape(H // 128, 1, 128), D // 128)
  p2 = _edge_scatter(D // 128)(g2, src_p, dst_p, zeros128)
  out = _final_call(p2, g2, dinv_b, b2.reshape(D // 128, 1, 128), D // 128)
  return out

# --- scband reference (transcript-rebuilt; emitter-appended) ---
"""Pipeline reference for scband-gcnencoder-58428735095021 (READ-ONLY COPY).

The authoritative reference and input builder live on the scoring server;
editing this copy changes nothing except your own understanding.
"""

import jax, jax.numpy as jnp
import numpy as np

N = 10000
E = 160000
D = 256   # embedding_dim
H = 512   # hidden_channels


def setup_inputs(seed: int = 0) -> dict:
    key = jax.random.key(seed)
    k1, k2, k3, k4 = jax.random.split(key, 4)
    edge_index = jax.random.randint(k1, (2, E), 0, N)
    emb = jax.random.normal(k2, (N, D), dtype=jnp.float32) * 0.1
    W1 = jax.random.normal(k3, (D, H), dtype=jnp.float32) / jnp.sqrt(D)
    b1 = jnp.zeros((H,), dtype=jnp.float32)
    W2 = jax.random.normal(k4, (H, D), dtype=jnp.float32) / jnp.sqrt(H)
    b2 = jnp.zeros((D,), dtype=jnp.float32)
    return {"edge_index": edge_index, "emb": emb, "W1": W1, "b1": b1, "W2": W2, "b2": b2}


def _gcn_conv(x, src, dst, W, b):
    # PyG GCNConv semantics: h = x @ W; symmetric normalization with self-loops
    # (self-loops already appended to src/dst by caller); out = scatter_add(norm * h[src] -> dst) + b
    n = x.shape[0]
    h = x @ W
    deg = jnp.zeros((n,), dtype=x.dtype).at[dst].add(1.0)
    dinv = jnp.where(deg > 0, 1.0 / jnp.sqrt(deg), 0.0)
    norm = dinv[src] * dinv[dst]
    msg = h[src] * norm[:, None]
    out = jnp.zeros((n, W.shape[1]), dtype=x.dtype).at[dst].add(msg)
    return out + b


def reference(edge_index, emb, W1, b1, W2, b2):
    n = emb.shape[0]
    loop = jnp.arange(n, dtype=edge_index.dtype)
    src = jnp.concatenate([edge_index[0], loop])
    dst = jnp.concatenate([edge_index[1], loop])
    # embedding(arange(num_nodes)) == full embedding table
    x = emb
    x = _gcn_conv(x, src, dst, W1, b1)
    x = jax.nn.relu(x)
    x = _gcn_conv(x, src, dst, W2, b2)
    return x

if __name__ == "__main__":
    import jax
    _d = setup_inputs()
    print(jax.jit(kernel)(*tuple(_d.values())))

</pallas_src>

<mosaic_0001>
#map = affine_map<(d0, d1) -> (0, 0, 0)>
#map1 = affine_map<(d0, d1) -> (0, 0)>
module attributes {stable_mosaic.version = 14 : i64} {
  func.func @k(%arg0: i32, %arg1: i32, %arg2: memref<4x10000x128xf32, #tpu.memory_space<hbm>>, %arg3: memref<16x80x128xi32, #tpu.memory_space<hbm>>, %arg4: memref<16x80x128xi32, #tpu.memory_space<hbm>>, %arg5: memref<632x128xf32, #tpu.memory_space<hbm>>, %arg6: memref<4x10112x128xf32, #tpu.memory_space<hbm>>, %arg7: memref<40x128xi32, #tpu.memory_space<vmem>>, %arg8: memref<40x128xi32, #tpu.memory_space<vmem>>, %arg9: memref<128x128xf32, #tpu.memory_space<vmem>>, %arg10: memref<128x128xf32, #tpu.memory_space<vmem>>, %arg11: memref<10112x128xf32, #tpu.memory_space<vmem_shared>>, %arg12: memref<!tpu.dma_semaphore, #tpu.memory_space<semaphore_mem>>, %arg13: memref<!tpu.dma_semaphore, #tpu.memory_space<semaphore_mem>>) attributes {dimension_semantics = [#tpu.dimension_semantics<core_parallel>, #tpu.dimension_semantics<subcore_parallel>], iteration_bounds = array<i64: 2, 16>, scalar_prefetch = 0 : i64, scratch_operands = 7 : i64, tpu.core_type = #tpu.core_type<sc_vector_subcore>, window_params = [{transform_indices = #map}, {transform_indices = #map}, {transform_indices = #map}, {transform_indices = #map1}, {transform_indices = #map}]} {
    %mul3A = arith.constant 632 : i32
    %mul3A_0 = arith.muli %arg1, %mul3A : i32
    %mul3A_1 = arith.constant 2 : i32
    %mul3A_2 = arith.muli %arg0, %mul3A_1 : i32
    %add3A = arith.constant 0 : i32
    %add3A_3 = arith.addi %mul3A_2, %add3A : i32
    "tpu.region"() ({
      %run_scoped3A_211 = tpu.sem_alloc : memref<!tpu.dma_semaphore, #tpu.memory_space<semaphore_mem>>
      %dma_start3A_212 = arith.constant 0 : i32
      %dma_start3A_213 = tpu.memref_slice %arg11[%mul3A_0, %dma_start3A_212] : memref<10112x128xf32, #tpu.memory_space<vmem_shared>> -> memref<632x128xf32, #tpu.memory_space<vmem_shared>>
      tpu.enqueue_dma source(%arg5 : memref<632x128xf32, #tpu.memory_space<hbm>>) target(%dma_start3A_213 : memref<632x128xf32, #tpu.memory_space<vmem_shared>>) target_semaphore(%run_scoped3A_211 : memref<!tpu.dma_semaphore, #tpu.memory_space<semaphore_mem>>)
      %dma_wait3A_214 = arith.constant 0 : i32
      %dma_wait3A_215 = tpu.memref_slice %arg11[%mul3A_0, %dma_wait3A_214] : memref<10112x128xf32, #tpu.memory_space<vmem_shared>> -> memref<632x128xf32, #tpu.memory_space<vmem_shared>>
      tpu.wait_dma2 semaphore(%run_scoped3A_211 : memref<!tpu.dma_semaphore, #tpu.memory_space<semaphore_mem>>) src(%arg5 : memref<632x128xf32, #tpu.memory_space<hbm>>) dst(%dma_wait3A_215 : memref<632x128xf32, #tpu.memory_space<vmem_shared>>)
      tpu.yield
    }) : () -> ()
    %barrier3A = arith.constant 0 : index
    tpu.barrier barrier_id(%barrier3A)
    "tpu.region"() ({
      %run_scoped3A_211 = tpu.sem_alloc : memref<!tpu.dma_semaphore, #tpu.memory_space<semaphore_mem>>
      %dma_start3A_212 = arith.constant 0 : i32
      %dma_start3A_213 = arith.constant 0 : i32
      %dma_start3A_214 = tpu.memref_slice %arg3[%arg1, %dma_start3A_212, %dma_start3A_213] : memref<16x80x128xi32, #tpu.memory_space<hbm>> -> memref<1x80x128xi32, #tpu.memory_space<hbm>>
      %dma_start3A_215 = tpu.memref_squeeze %dma_start3A_214 : memref<1x80x128xi32, #tpu.memory_space<hbm>> -> memref<80x128xi32, #tpu.memory_space<hbm>>
      %dma_start3A_216 = arith.constant 0 : i32
      %dma_start3A_217 = arith.constant 0 : i32
      %dma_start3A_218 = tpu.memref_slice %dma_start3A_215[%dma_start3A_216, %dma_start3A_217] : memref<80x128xi32, #tpu.memory_space<hbm>> -> memref<40x128xi32, #tpu.memory_space<hbm>>
      %dma_start3A_219 = arith.constant 0 : i32
      %dma_start3A_220 = arith.constant 0 : i32
      %dma_start3A_221 = tpu.memref_slice %arg3[%arg1, %dma_start3A_219, %dma_start3A_220] : memref<16x80x128xi32, #tpu.memory_space<hbm>> -> memref<1x80x128xi32, #tpu.memory_space<hbm>>
      %dma_start3A_222 = tpu.memref_squeeze %dma_start3A_221 : memref<1x80x128xi32, #tpu.memory_space<hbm>> -> memref<80x128xi32, #tpu.memory_space<hbm>>
      %dma_start3A_223 = arith.constant 0 : i32
      %dma_start3A_224 = arith.constant 0 : i32
      %dma_start3A_225 = tpu.memref_slice %dma_start3A_222[%dma_start3A_223, %dma_start3A_224] : memref<80x128xi32, #tpu.memory_space<hbm>> -> memref<40x128xi32, #tpu.memory_space<hbm>>
      tpu.enqueue_dma source(%dma_start3A_225 : memref<40x128xi32, #tpu.memory_space<hbm>>) target(%arg7 : memref<40x128xi32, #tpu.memory_space<vmem>>) target_semaphore(%run_scoped3A_211 : memref<!tpu.dma_semaphore, #tpu.memory_space<semaphore_mem>>)
      %dma_wait3A_226 = arith.constant 0 : i32
      %dma_wait3A_227 = arith.constant 0 : i32
      %dma_wait3A_228 = tpu.memref_slice %arg3[%arg1, %dma_wait3A_226, %dma_wait3A_227] : memref<16x80x128xi32, #tpu.memory_space<hbm>> -> memref<1x80x128xi32, #tpu.memory_space<hbm>>
      %dma_wait3A_229 = tpu.memref_squeeze %dma_wait3A_228 : memref<1x80x128xi32, #tpu.memory_space<hbm>> -> memref<80x128xi32, #tpu.memory_space<hbm>>
      %dma_wait3A_230 = arith.constant 0 : i32
      %dma_wait3A_231 = arith.constant 0 : i32
      %dma_wait3A_232 = tpu.memref_slice %dma_wait3A_229[%dma_wait3A_230, %dma_wait3A_231] : memref<80x128xi32, #tpu.memory_space<hbm>> -> memref<40x128xi32, #tpu.memory_space<hbm>>
      %dma_wait3A_233 = arith.constant 0 : i32
      %dma_wait3A_234 = arith.constant 0 : i32
      %dma_wait3A_235 = tpu.memref_slice %arg3[%arg1, %dma_wait3A_233, %dma_wait3A_234] : memref<16x80x128xi32, #tpu.memory_space<hbm>> -> memref<1x80x128xi32, #tpu.memory_space<hbm>>
      %dma_wait3A_236 = tpu.memref_squeeze %dma_wait3A_235 : memref<1x80x128xi32, #tpu.memory_space<hbm>> -> memref<80x128xi32, #tpu.memory_space<hbm>>
      %dma_wait3A_237 = arith.constant 0 : i32
      %dma_wait3A_238 = arith.constant 0 : i32
      %dma_wait3A_239 = tpu.memref_slice %dma_wait3A_236[%dma_wait3A_237, %dma_wait3A_238] : memref<80x128xi32, #tpu.memory_space<hbm>> -> memref<40x128xi32, #tpu.memory_space<hbm>>
      tpu.wait_dma2 semaphore(%run_scoped3A_211 : memref<!tpu.dma_semaphore, #tpu.memory_space<semaphore_mem>>) src(%dma_wait3A_239 : memref<40x128xi32, #tpu.memory_space<hbm>>) dst(%arg7 : memref<40x128xi32, #tpu.memory_space<vmem>>)
      tpu.yield
    }) : () -> ()
    "tpu.region"() ({
      %run_scoped3A_211 = tpu.sem_alloc : memref<!tpu.dma_semaphore, #tpu.memory_space<semaphore_mem>>
      %dma_start3A_212 = arith.constant 0 : i32
      %dma_start3A_213 = arith.constant 0 : i32
      %dma_start3A_214 = tpu.memref_slice %arg4[%arg1, %dma_start3A_212, %dma_start3A_213] : memref<16x80x128xi32, #tpu.memory_space<hbm>> -> memref<1x80x128xi32, #tpu.memory_space<hbm>>
      %dma_start3A_215 = tpu.memref_squeeze %dma_start3A_214 : memref<1x80x128xi32, #tpu.memory_space<hbm>> -> memref<80x128xi32, #tpu.memory_space<hbm>>
      %dma_start3A_216 = arith.constant 0 : i32
      %dma_start3A_217 = arith.constant 0 : i32
      %dma_start3A_218 = tpu.memref_slice %dma_start3A_215[%dma_start3A_216, %dma_start3A_217] : memref<80x128xi32, #tpu.memory_space<hbm>> -> memref<40x128xi32, #tpu.memory_space<hbm>>
      %dma_start3A_219 = arith.constant 0 : i32
      %dma_start3A_220 = arith.constant 0 : i32
      %dma_start3A_221 = tpu.memref_slice %arg4[%arg1, %dma_start3A_219, %dma_start3A_220] : memref<16x80x128xi32, #tpu.memory_space<hbm>> -> memref<1x80x128xi32, #tpu.memory_space<hbm>>
      %dma_start3A_222 = tpu.memref_squeeze %dma_start3A_221 : memref<1x80x128xi32, #tpu.memory_space<hbm>> -> memref<80x128xi32, #tpu.memory_space<hbm>>
      %dma_start3A_223 = arith.constant 0 : i32
      %dma_start3A_224 = arith.constant 0 : i32
      %dma_start3A_225 = tpu.memref_slice %dma_start3A_222[%dma_start3A_223, %dma_start3A_224] : memref<80x128xi32, #tpu.memory_space<hbm>> -> memref<40x128xi32, #tpu.memory_space<hbm>>
      tpu.enqueue_dma source(%dma_start3A_225 : memref<40x128xi32, #tpu.memory_space<hbm>>) target(%arg8 : memref<40x128xi32, #tpu.memory_space<vmem>>) target_semaphore(%run_scoped3A_211 : memref<!tpu.dma_semaphore, #tpu.memory_space<semaphore_mem>>)
      %dma_wait3A_226 = arith.constant 0 : i32
      %dma_wait3A_227 = arith.constant 0 : i32
      %dma_wait3A_228 = tpu.memref_slice %arg4[%arg1, %dma_wait3A_226, %dma_wait3A_227] : memref<16x80x128xi32, #tpu.memory_space<hbm>> -> memref<1x80x128xi32, #tpu.memory_space<hbm>>
      %dma_wait3A_229 = tpu.memref_squeeze %dma_wait3A_228 : memref<1x80x128xi32, #tpu.memory_space<hbm>> -> memref<80x128xi32, #tpu.memory_space<hbm>>
      %dma_wait3A_230 = arith.constant 0 : i32
      %dma_wait3A_231 = arith.constant 0 : i32
      %dma_wait3A_232 = tpu.memref_slice %dma_wait3A_229[%dma_wait3A_230, %dma_wait3A_231] : memref<80x128xi32, #tpu.memory_space<hbm>> -> memref<40x128xi32, #tpu.memory_space<hbm>>
      %dma_wait3A_233 = arith.constant 0 : i32
      %dma_wait3A_234 = arith.constant 0 : i32
      %dma_wait3A_235 = tpu.memref_slice %arg4[%arg1, %dma_wait3A_233, %dma_wait3A_234] : memref<16x80x128xi32, #tpu.memory_space<hbm>> -> memref<1x80x128xi32, #tpu.memory_space<hbm>>
      %dma_wait3A_236 = tpu.memref_squeeze %dma_wait3A_235 : memref<1x80x128xi32, #tpu.memory_space<hbm>> -> memref<80x128xi32, #tpu.memory_space<hbm>>
      %dma_wait3A_237 = arith.constant 0 : i32
      %dma_wait3A_238 = arith.constant 0 : i32
      %dma_wait3A_239 = tpu.memref_slice %dma_wait3A_236[%dma_wait3A_237, %dma_wait3A_238] : memref<80x128xi32, #tpu.memory_space<hbm>> -> memref<40x128xi32, #tpu.memory_space<hbm>>
      tpu.wait_dma2 semaphore(%run_scoped3A_211 : memref<!tpu.dma_semaphore, #tpu.memory_space<semaphore_mem>>) src(%dma_wait3A_239 : memref<40x128xi32, #tpu.memory_space<hbm>>) dst(%arg8 : memref<40x128xi32, #tpu.memory_space<vmem>>)
      tpu.yield
    }) : () -> ()
    %dma_start3A = arith.constant 0 : i32
    %dma_start3A_4 = arith.constant 0 : i32
    %dma_start3A_5 = tpu.memref_slice %arg7[%dma_start3A, %dma_start3A_4] : memref<40x128xi32, #tpu.memory_space<vmem>> -> memref<1x128xi32, #tpu.memory_space<vmem>>
    %dma_start3A_6 = tpu.memref_squeeze %dma_start3A_5 : memref<1x128xi32, #tpu.memory_space<vmem>> -> memref<128xi32, #tpu.memory_space<vmem>>
    %dma_start3A_7 = arith.constant 0 : i32
    %dma_start3A_8 = arith.constant 0 : i32
    %dma_start3A_9 = tpu.memref_slice %arg2[%add3A_3, %dma_start3A_7, %dma_start3A_8] : memref<4x10000x128xf32, #tpu.memory_space<hbm>> -> memref<1x10000x128xf32, #tpu.memory_space<hbm>>
    %dma_start3A_10 = tpu.memref_squeeze %dma_start3A_9 : memref<1x10000x128xf32, #tpu.memory_space<hbm>> -> memref<10000x128xf32, #tpu.memory_space<hbm>>
    %dma_start3A_11 = arith.constant 0 : i32
    %dma_start3A_12 = arith.constant 0 : i32
    %dma_start3A_13 = tpu.memref_slice %dma_start3A_10[%dma_start3A_11, %dma_start3A_12] : memref<10000x128xf32, #tpu.memory_space<hbm>> -> memref<10000x128xf32, #tpu.memory_space<hbm>>
    tpu.enqueue_indirect_dma source(%dma_start3A_13 : memref<10000x128xf32, #tpu.memory_space<hbm>>) target(%arg9 : memref<128x128xf32, #tpu.memory_space<vmem>>) offsets(%dma_start3A_6 : memref<128xi32, #tpu.memory_space<vmem>>) semaphore(%arg12 : memref<!tpu.dma_semaphore, #tpu.memory_space<semaphore_mem>>)
    %dma_start3A_14 = arith.constant 1 : i32
    %dma_start3A_15 = arith.constant 0 : i32
    %dma_start3A_16 = tpu.memref_slice %arg7[%dma_start3A_14, %dma_start3A_15] : memref<40x128xi32, #tpu.memory_space<vmem>> -> memref<1x128xi32, #tpu.memory_space<vmem>>
    %dma_start3A_17 = tpu.memref_squeeze %dma_start3A_16 : memref<1x128xi32, #tpu.memory_space<vmem>> -> memref<128xi32, #tpu.memory_space<vmem>>
    %dma_start3A_18 = arith.constant 0 : i32
    %dma_start3A_19 = arith.constant 0 : i32
    %dma_start3A_20 = tpu.memref_slice %arg2[%add3A_3, %dma_start3A_18, %dma_start3A_19] : memref<4x10000x128xf32, #tpu.memory_space<hbm>> -> memref<1x10000x128xf32, #tpu.memory_space<hbm>>
    %dma_start3A_21 = tpu.memref_squeeze %dma_start3A_20 : memref<1x10000x128xf32, #tpu.memory_space<hbm>> -> memref<10000x128xf32, #tpu.memory_space<hbm>>
    %dma_start3A_22 = arith.constant 0 : i32
    %dma_start3A_23 = arith.constant 0 : i32
    %dma_start3A_24 = tpu.memref_slice %dma_start3A_21[%dma_start3A_22, %dma_start3A_23] : memref<10000x128xf32, #tpu.memory_space<hbm>> -> memref<10000x128xf32, #tpu.memory_space<hbm>>
    tpu.enqueue_indirect_dma source(%dma_start3A_24 : memref<10000x128xf32, #tpu.memory_space<hbm>>) target(%arg10 : memref<128x128xf32, #tpu.memory_space<vmem>>) offsets(%dma_start3A_17 : memref<128xi32, #tpu.memory_space<vmem>>) semaphore(%arg13 : memref<!tpu.dma_semaphore, #tpu.memory_space<semaphore_mem>>)
    %scan3A = arith.constant 0 : i32
    %scan3A_25 = arith.constant 19 : i32
    %scan3A_26 = arith.addi %scan3A, %scan3A_25 : i32
    %scan3A_27 = arith.constant 1 : i32
    scf.for %scan3A_211 = %scan3A to %scan3A_26 step %scan3A_27  : i32 {
      %mul3A_212 = arith.constant 1 : i32
      %mul3A_213 = arith.muli %scan3A_211, %mul3A_212 : i32
      %add3A_214 = arith.constant 0 : i32
      %add3A_215 = arith.addi %add3A_214, %mul3A_213 : i32
      %mul3A_216 = arith.constant 2 : i32
      %mul3A_217 = arith.muli %mul3A_216, %add3A_215 : i32
      %add3A_218 = arith.constant 0 : i32
      %add3A_219 = arith.addi %mul3A_217, %add3A_218 : i32
      %dma_wait3A_220 = arith.constant 0 : i32
      %dma_wait3A_221 = tpu.memref_slice %arg7[%add3A_219, %dma_wait3A_220] : memref<40x128xi32, #tpu.memory_space<vmem>> -> memref<1x128xi32, #tpu.memory_space<vmem>>
      %dma_wait3A_222 = tpu.memref_squeeze %dma_wait3A_221 : memref<1x128xi32, #tpu.memory_space<vmem>> -> memref<128xi32, #tpu.memory_space<vmem>>
      %dma_wait3A_223 = arith.constant 0 : i32
      %dma_wait3A_224 = arith.constant 0 : i32
      %dma_wait3A_225 = tpu.memref_slice %arg2[%add3A_3, %dma_wait3A_223, %dma_wait3A_224] : memref<4x10000x128xf32, #tpu.memory_space<hbm>> -> memref<1x10000x128xf32, #tpu.memory_space<hbm>>
      %dma_wait3A_226 = tpu.memref_squeeze %dma_wait3A_225 : memref<1x10000x128xf32, #tpu.memory_space<hbm>> -> memref<10000x128xf32, #tpu.memory_space<hbm>>
      %dma_wait3A_227 = arith.constant 0 : i32
      %dma_wait3A_228 = arith.constant 0 : i32
      %dma_wait3A_229 = tpu.memref_slice %dma_wait3A_226[%dma_wait3A_227, %dma_wait3A_228] : memref<10000x128xf32, #tpu.memory_space<hbm>> -> memref<10000x128xf32, #tpu.memory_space<hbm>>
      tpu.wait_indirect_dma semaphore(%arg12 : memref<!tpu.dma_semaphore, #tpu.memory_space<semaphore_mem>>) src(%dma_wait3A_229 : memref<10000x128xf32, #tpu.memory_space<hbm>>) dst(%arg9 : memref<128x128xf32, #tpu.memory_space<vmem>>)
      "tpu.region"() ({
        %run_scoped3A_268 = tpu.sem_alloc : memref<!tpu.dma_semaphore, #tpu.memory_space<semaphore_mem>>
        %dma_start3A_269 = arith.constant 0 : i32
        %dma_start3A_270 = tpu.memref_slice %arg8[%add3A_219, %dma_start3A_269] : memref<40x128xi32, #tpu.memory_space<vmem>> -> memref<1x128xi32, #tpu.memory_space<vmem>>
        %dma_start3A_271 = tpu.memref_squeeze %dma_start3A_270 : memref<1x128xi32, #tpu.memory_space<vmem>> -> memref<128xi32, #tpu.memory_space<vmem>>
        %dma_start3A_272 = arith.constant 0 : i32
        %dma_start3A_273 = arith.constant 0 : i32
        %dma_start3A_274 = tpu.memref_slice %arg11[%dma_start3A_272, %dma_start3A_273] : memref<10112x128xf32, #tpu.memory_space<vmem_shared>> -> memref<10112x128xf32, #tpu.memory_space<vmem_shared>>
        tpu.enqueue_indirect_dma source(%arg9 : memref<128x128xf32, #tpu.memory_space<vmem>>) target(%dma_start3A_274 : memref<10112x128xf32, #tpu.memory_space<vmem_shared>>) offsets(%dma_start3A_271 : memref<128xi32, #tpu.memory_space<vmem>>) semaphore(%run_scoped3A_268 : memref<!tpu.dma_semaphore, #tpu.memory_space<semaphore_mem>>) {add = true}
        %dma_wait3A_275 = arith.constant 0 : i32
        %dma_wait3A_276 = tpu.memref_slice %arg8[%add3A_219, %dma_wait3A_275] : memref<40x128xi32, #tpu.memory_space<vmem>> -> memref<1x128xi32, #tpu.memory_space<vmem>>
        %dma_wait3A_277 = tpu.memref_squeeze %dma_wait3A_276 : memref<1x128xi32, #tpu.memory_space<vmem>> -> memref<128xi32, #tpu.memory_space<vmem>>
        %dma_wait3A_278 = arith.constant 0 : i32
        %dma_wait3A_279 = arith.constant 0 : i32
        %dma_wait3A_280 = tpu.memref_slice %arg11[%dma_wait3A_278, %dma_wait3A_279] : memref<10112x128xf32, #tpu.memory_space<vmem_shared>> -> memref<10112x128xf32, #tpu.memory_space<vmem_shared>>
        tpu.wait_indirect_dma semaphore(%run_scoped3A_268 : memref<!tpu.dma_semaphore, #tpu.memory_space<semaphore_mem>>) src(%arg9 : memref<128x128xf32, #tpu.memory_space<vmem>>) dst(%dma_wait3A_280 : memref<10112x128xf32, #tpu.memory_space<vmem_shared>>)
        tpu.yield
      }) : () -> ()
      %add3A_230 = arith.constant 2 : i32
      %add3A_231 = arith.addi %add3A_219, %add3A_230 : i32
      %dma_start3A_232 = arith.constant 0 : i32
      %dma_start3A_233 = tpu.memref_slice %arg7[%add3A_231, %dma_start3A_232] : memref<40x128xi32, #tpu.memory_space<vmem>> -> memref<1x128xi32, #tpu.memory_space<vmem>>
      %dma_start3A_234 = tpu.memref_squeeze %dma_start3A_233 : memref<1x128xi32, #tpu.memory_space<vmem>> -> memref<128xi32, #tpu.memory_space<vmem>>
      %dma_start3A_235 = arith.constant 0 : i32
      %dma_start3A_236 = arith.constant 0 : i32
      %dma_start3A_237 = tpu.memref_slice %arg2[%add3A_3, %dma_start3A_235, %dma_start3A_236] : memref<4x10000x128xf32, #tpu.memory_space<hbm>> -> memref<1x10000x128xf32, #tpu.memory_space<hbm>>
      %dma_start3A_238 = tpu.memref_squeeze %dma_start3A_237 : memref<1x10000x128xf32, #tpu.memory_space<hbm>> -> memref<10000x128xf32, #tpu.memory_space<hbm>>
      %dma_start3A_239 = arith.constant 0 : i32
      %dma_start3A_240 = arith.constant 0 : i32
      %dma_start3A_241 = tpu.memref_slice %dma_start3A_238[%dma_start3A_239, %dma_start3A_240] : memref<10000x128xf32, #tpu.memory_space<hbm>> -> memref<10000x128xf32, #tpu.memory_space<hbm>>
      tpu.enqueue_indirect_dma source(%dma_start3A_241 : memref<10000x128xf32, #tpu.memory_space<hbm>>) target(%arg9 : memref<128x128xf32, #tpu.memory_space<vmem>>) offsets(%dma_start3A_234 : memref<128xi32, #tpu.memory_space<vmem>>) semaphore(%arg12 : memref<!tpu.dma_semaphore, #tpu.memory_space<semaphore_mem>>)
      %mul3A_242 = arith.constant 2 : i32
      %mul3A_243 = arith.muli %mul3A_242, %add3A_215 : i32
      %add3A_244 = arith.constant 1 : i32
      %add3A_245 = arith.addi %mul3A_243, %add3A_244 : i32
      %dma_wait3A_246 = arith.constant 0 : i32
      %dma_wait3A_247 = tpu.memref_slice %arg7[%add3A_245, %dma_wait3A_246] : memref<40x128xi32, #tpu.memory_space<vmem>> -> memref<1x128xi32, #tpu.memory_space<vmem>>
      %dma_wait3A_248 = tpu.memref_squeeze %dma_wait3A_247 : memref<1x128xi32, #tpu.memory_space<vmem>> -> memref<128xi32, #tpu.memory_space<vmem>>
      %dma_wait3A_249 = arith.constant 0 : i32
      %dma_wait3A_250 = arith.constant 0 : i32
      %dma_wait3A_251 = tpu.memref_slice %arg2[%add3A_3, %dma_wait3A_249, %dma_wait3A_250] : memref<4x10000x128xf32, #tpu.memory_space<hbm>> -> memref<1x10000x128xf32, #tpu.memory_space<hbm>>
      %dma_wait3A_252 = tpu.memref_squeeze %dma_wait3A_251 : memref<1x10000x128xf32, #tpu.memory_space<hbm>> -> memref<10000x128xf32, #tpu.memory_space<hbm>>
      %dma_wait3A_253 = arith.constant 0 : i32
      %dma_wait3A_254 = arith.constant 0 : i32
      %dma_wait3A_255 = tpu.memref_slice %dma_wait3A_252[%dma_wait3A_253, %dma_wait3A_254] : memref<10000x128xf32, #tpu.memory_space<hbm>> -> memref<10000x128xf32, #tpu.memory_space<hbm>>
      tpu.wait_indirect_dma semaphore(%arg13 : memref<!tpu.dma_semaphore, #tpu.memory_space<semaphore_mem>>) src(%dma_wait3A_255 : memref<10000x128xf32, #tpu.memory_space<hbm>>) dst(%arg10 : memref<128x128xf32, #tpu.memory_space<vmem>>)
      "tpu.region"() ({
        %run_scoped3A_268 = tpu.sem_alloc : memref<!tpu.dma_semaphore, #tpu.memory_space<semaphore_mem>>
        %dma_start3A_269 = arith.constant 0 : i32
        %dma_start3A_270 = tpu.memref_slice %arg8[%add3A_245, %dma_start3A_269] : memref<40x128xi32, #tpu.memory_space<vmem>> -> memref<1x128xi32, #tpu.memory_space<vmem>>
        %dma_start3A_271 = tpu.memref_squeeze %dma_start3A_270 : memref<1x128xi32, #tpu.memory_space<vmem>> -> memref<128xi32, #tpu.memory_space<vmem>>
        %dma_start3A_272 = arith.constant 0 : i32
        %dma_start3A_273 = arith.constant 0 : i32
        %dma_start3A_274 = tpu.memref_slice %arg11[%dma_start3A_272, %dma_start3A_273] : memref<10112x128xf32, #tpu.memory_space<vmem_shared>> -> memref<10112x128xf32, #tpu.memory_space<vmem_shared>>
        tpu.enqueue_indirect_dma source(%arg10 : memref<128x128xf32, #tpu.memory_space<vmem>>) target(%dma_start3A_274 : memref<10112x128xf32, #tpu.memory_space<vmem_shared>>) offsets(%dma_start3A_271 : memref<128xi32, #tpu.memory_space<vmem>>) semaphore(%run_scoped3A_268 : memref<!tpu.dma_semaphore, #tpu.memory_space<semaphore_mem>>) {add = true}
        %dma_wait3A_275 = arith.constant 0 : i32
        %dma_wait3A_276 = tpu.memref_slice %arg8[%add3A_245, %dma_wait3A_275] : memref<40x128xi32, #tpu.memory_space<vmem>> -> memref<1x128xi32, #tpu.memory_space<vmem>>
        %dma_wait3A_277 = tpu.memref_squeeze %dma_wait3A_276 : memref<1x128xi32, #tpu.memory_space<vmem>> -> memref<128xi32, #tpu.memory_space<vmem>>
        %dma_wait3A_278 = arith.constant 0 : i32
        %dma_wait3A_279 = arith.constant 0 : i32
        %dma_wait3A_280 = tpu.memref_slice %arg11[%dma_wait3A_278, %dma_wait3A_279] : memref<10112x128xf32, #tpu.memory_space<vmem_shared>> -> memref<10112x128xf32, #tpu.memory_space<vmem_shared>>
        tpu.wait_indirect_dma semaphore(%run_scoped3A_268 : memref<!tpu.dma_semaphore, #tpu.memory_space<semaphore_mem>>) src(%arg10 : memref<128x128xf32, #tpu.memory_space<vmem>>) dst(%dma_wait3A_280 : memref<10112x128xf32, #tpu.memory_space<vmem_shared>>)
        tpu.yield
      }) : () -> ()
      %add3A_256 = arith.constant 2 : i32
      %add3A_257 = arith.addi %add3A_245, %add3A_256 : i32
      %dma_start3A_258 = arith.constant 0 : i32
      %dma_start3A_259 = tpu.memref_slice %arg7[%add3A_257, %dma_start3A_258] : memref<40x128xi32, #tpu.memory_space<vmem>> -> memref<1x128xi32, #tpu.memory_space<vmem>>
      %dma_start3A_260 = tpu.memref_squeeze %dma_start3A_259 : memref<1x128xi32, #tpu.memory_space<vmem>> -> memref<128xi32, #tpu.memory_space<vmem>>
      %dma_start3A_261 = arith.constant 0 : i32
      %dma_start3A_262 = arith.constant 0 : i32
      %dma_start3A_263 = tpu.memref_slice %arg2[%add3A_3, %dma_start3A_261, %dma_start3A_262] : memref<4x10000x128xf32, #tpu.memory_space<hbm>> -> memref<1x10000x128xf32, #tpu.memory_space<hbm>>
      %dma_start3A_264 = tpu.memref_squeeze %dma_start3A_263 : memref<1x10000x128xf32, #tpu.memory_space<hbm>> -> memref<10000x128xf32, #tpu.memory_space<hbm>>
      %dma_start3A_265 = arith.constant 0 : i32
      %dma_start3A_266 = arith.constant 0 : i32
      %dma_start3A_267 = tpu.memref_slice %dma_start3A_264[%dma_start3A_265, %dma_start3A_266] : memref<10000x128xf32, #tpu.memory_space<hbm>> -> memref<10000x128xf32, #tpu.memory_space<hbm>>
      tpu.enqueue_indirect_dma source(%dma_start3A_267 : memref<10000x128xf32, #tpu.memory_space<hbm>>) target(%arg10 : memref<128x128xf32, #tpu.memory_space<vmem>>) offsets(%dma_start3A_260 : memref<128xi32, #tpu.memory_space<vmem>>) semaphore(%arg13 : memref<!tpu.dma_semaphore, #tpu.memory_space<semaphore_mem>>)
    }
    %scan3A_28 = arith.constant 19 : i32
    %dma_wait3A = arith.constant 38 : i32
    %dma_wait3A_29 = arith.constant 0 : i32
    %dma_wait3A_30 = tpu.memref_slice %arg7[%dma_wait3A, %dma_wait3A_29] : memref<40x128xi32, #tpu.memory_space<vmem>> -> memref<1x128xi32, #tpu.memory_space<vmem>>
    %dma_wait3A_31 = tpu.memref_squeeze %dma_wait3A_30 : memref<1x128xi32, #tpu.memory_space<vmem>> -> memref<128xi32, #tpu.memory_space<vmem>>
    %dma_wait3A_32 = arith.constant 0 : i32
    %dma_wait3A_33 = arith.constant 0 : i32
    %dma_wait3A_34 = tpu.memref_slice %arg2[%add3A_3, %dma_wait3A_32, %dma_wait3A_33] : memref<4x10000x128xf32, #tpu.memory_space<hbm>> -> memref<1x10000x128xf32, #tpu.memory_space<hbm>>
    %dma_wait3A_35 = tpu.memref_squeeze %dma_wait3A_34 : memref<1x10000x128xf32, #tpu.memory_space<hbm>> -> memref<10000x128xf32, #tpu.memory_space<hbm>>
    %dma_wait3A_36 = arith.constant 0 : i32
    %dma_wait3A_37 = arith.constant 0 : i32
    %dma_wait3A_38 = tpu.memref_slice %dma_wait3A_35[%dma_wait3A_36, %dma_wait3A_37] : memref<10000x128xf32, #tpu.memory_space<hbm>> -> memref<10000x128xf32, #tpu.memory_space<hbm>>
    tpu.wait_indirect_dma semaphore(%arg12 : memref<!tpu.dma_semaphore, #tpu.memory_space<semaphore_mem>>) src(%dma_wait3A_38 : memref<10000x128xf32, #tpu.memory_space<hbm>>) dst(%arg9 : memref<128x128xf32, #tpu.memory_space<vmem>>)
    %run_scoped3A = arith.constant 38 : i32
    "tpu.region"() ({
      %run_scoped3A_211 = tpu.sem_alloc : memref<!tpu.dma_semaphore, #tpu.memory_space<semaphore_mem>>
      %dma_start3A_212 = arith.constant 0 : i32
      %dma_start3A_213 = tpu.memref_slice %arg8[%run_scoped3A, %dma_start3A_212] : memref<40x128xi32, #tpu.memory_space<vmem>> -> memref<1x128xi32, #tpu.memory_space<vmem>>
      %dma_start3A_214 = tpu.memref_squeeze %dma_start3A_213 : memref<1x128xi32, #tpu.memory_space<vmem>> -> memref<128xi32, #tpu.memory_space<vmem>>
      %dma_start3A_215 = arith.constant 0 : i32
      %dma_start3A_216 = arith.constant 0 : i32
      %dma_start3A_217 = tpu.memref_slice %arg11[%dma_start3A_215, %dma_start3A_216] : memref<10112x128xf32, #tpu.memory_space<vmem_shared>> -> memref<10112x128xf32, #tpu.memory_space<vmem_shared>>
      tpu.enqueue_indirect_dma source(%arg9 : memref<128x128xf32, #tpu.memory_space<vmem>>) target(%dma_start3A_217 : memref<10112x128xf32, #tpu.memory_space<vmem_shared>>) offsets(%dma_start3A_214 : memref<128xi32, #tpu.memory_space<vmem>>) semaphore(%run_scoped3A_211 : memref<!tpu.dma_semaphore, #tpu.memory_space<semaphore_mem>>) {add = true}
      %dma_wait3A_218 = arith.constant 0 : i32
      %dma_wait3A_219 = tpu.memref_slice %arg8[%run_scoped3A, %dma_wait3A_218] : memref<40x128xi32, #tpu.memory_space<vmem>> -> memref<1x128xi32, #tpu.memory_space<vmem>>
      %dma_wait3A_220 = tpu.memref_squeeze %dma_wait3A_219 : memref<1x128xi32, #tpu.memory_space<vmem>> -> memref<128xi32, #tpu.memory_space<vmem>>
      %dma_wait3A_221 = arith.constant 0 : i32
      %dma_wait3A_222 = arith.constant 0 : i32
      %dma_wait3A_223 = tpu.memref_slice %arg11[%dma_wait3A_221, %dma_wait3A_222] : memref<10112x128xf32, #tpu.memory_space<vmem_shared>> -> memref<10112x128xf32, #tpu.memory_space<vmem_shared>>
      tpu.wait_indirect_dma semaphore(%run_scoped3A_211 : memref<!tpu.dma_semaphore, #tpu.memory_space<semaphore_mem>>) src(%arg9 : memref<128x128xf32, #tpu.memory_space<vmem>>) dst(%dma_wait3A_223 : memref<10112x128xf32, #tpu.memory_space<vmem_shared>>)
      tpu.yield
    }) : () -> ()
    %dma_wait3A_39 = arith.constant 39 : i32
    %dma_wait3A_40 = arith.constant 0 : i32
    %dma_wait3A_41 = tpu.memref_slice %arg7[%dma_wait3A_39, %dma_wait3A_40] : memref<40x128xi32, #tpu.memory_space<vmem>> -> memref<1x128xi32, #tpu.memory_space<vmem>>
    %dma_wait3A_42 = tpu.memref_squeeze %dma_wait3A_41 : memref<1x128xi32, #tpu.memory_space<vmem>> -> memref<128xi32, #tpu.memory_space<vmem>>
    %dma_wait3A_43 = arith.constant 0 : i32
    %dma_wait3A_44 = arith.constant 0 : i32
    %dma_wait3A_45 = tpu.memref_slice %arg2[%add3A_3, %dma_wait3A_43, %dma_wait3A_44] : memref<4x10000x128xf32, #tpu.memory_space<hbm>> -> memref<1x10000x128xf32, #tpu.memory_space<hbm>>
    %dma_wait3A_46 = tpu.memref_squeeze %dma_wait3A_45 : memref<1x10000x128xf32, #tpu.memory_space<hbm>> -> memref<10000x128xf32, #tpu.memory_space<hbm>>
    %dma_wait3A_47 = arith.constant 0 : i32
    %dma_wait3A_48 = arith.constant 0 : i32
    %dma_wait3A_49 = tpu.memref_slice %dma_wait3A_46[%dma_wait3A_47, %dma_wait3A_48] : memref<10000x128xf32, #tpu.memory_space<hbm>> -> memref<10000x128xf32, #tpu.memory_space<hbm>>
    tpu.wait_indirect_dma semaphore(%arg13 : memref<!tpu.dma_semaphore, #tpu.memory_space<semaphore_mem>>) src(%dma_wait3A_49 : memref<10000x128xf32, #tpu.memory_space<hbm>>) dst(%arg10 : memref<128x128xf32, #tpu.memory_space<vmem>>)
    %run_scoped3A_50 = arith.constant 39 : i32
    "tpu.region"() ({
      %run_scoped3A_211 = tpu.sem_alloc : memref<!tpu.dma_semaphore, #tpu.memory_space<semaphore_mem>>
      %dma_start3A_212 = arith.constant 0 : i32
      %dma_start3A_213 = tpu.memref_slice %arg8[%run_scoped3A_50, %dma_start3A_212] : memref<40x128xi32, #tpu.memory_space<vmem>> -> memref<1x128xi32, #tpu.memory_space<vmem>>
      %dma_start3A_214 = tpu.memref_squeeze %dma_start3A_213 : memref<1x128xi32, #tpu.memory_space<vmem>> -> memref<128xi32, #tpu.memory_space<vmem>>
      %dma_start3A_215 = arith.constant 0 : i32
      %dma_start3A_216 = arith.constant 0 : i32
      %dma_start3A_217 = tpu.memref_slice %arg11[%dma_start3A_215, %dma_start3A_216] : memref<10112x128xf32, #tpu.memory_space<vmem_shared>> -> memref<10112x128xf32, #tpu.memory_space<vmem_shared>>
      tpu.enqueue_indirect_dma source(%arg10 : memref<128x128xf32, #tpu.memory_space<vmem>>) target(%dma_start3A_217 : memref<10112x128xf32, #tpu.memory_space<vmem_shared>>) offsets(%dma_start3A_214 : memref<128xi32, #tpu.memory_space<vmem>>) semaphore(%run_scoped3A_211 : memref<!tpu.dma_semaphore, #tpu.memory_space<semaphore_mem>>) {add = true}
      %dma_wait3A_218 = arith.constant 0 : i32
      %dma_wait3A_219 = tpu.memref_slice %arg8[%run_scoped3A_50, %dma_wait3A_218] : memref<40x128xi32, #tpu.memory_space<vmem>> -> memref<1x128xi32, #tpu.memory_space<vmem>>
      %dma_wait3A_220 = tpu.memref_squeeze %dma_wait3A_219 : memref<1x128xi32, #tpu.memory_space<vmem>> -> memref<128xi32, #tpu.memory_space<vmem>>
      %dma_wait3A_221 = arith.constant 0 : i32
      %dma_wait3A_222 = arith.constant 0 : i32
      %dma_wait3A_223 = tpu.memref_slice %arg11[%dma_wait3A_221, %dma_wait3A_222] : memref<10112x128xf32, #tpu.memory_space<vmem_shared>> -> memref<10112x128xf32, #tpu.memory_space<vmem_shared>>
      tpu.wait_indirect_dma semaphore(%run_scoped3A_211 : memref<!tpu.dma_semaphore, #tpu.memory_space<semaphore_mem>>) src(%arg10 : memref<128x128xf32, #tpu.memory_space<vmem>>) dst(%dma_wait3A_223 : memref<10112x128xf32, #tpu.memory_space<vmem_shared>>)
      tpu.yield
    }) : () -> ()
    "tpu.region"() ({
      %run_scoped3A_211 = tpu.sem_alloc : memref<!tpu.dma_semaphore, #tpu.memory_space<semaphore_mem>>
      %dma_start3A_212 = arith.constant 0 : i32
      %dma_start3A_213 = arith.constant 0 : i32
      %dma_start3A_214 = tpu.memref_slice %arg3[%arg1, %dma_start3A_212, %dma_start3A_213] : memref<16x80x128xi32, #tpu.memory_space<hbm>> -> memref<1x80x128xi32, #tpu.memory_space<hbm>>
      %dma_start3A_215 = tpu.memref_squeeze %dma_start3A_214 : memref<1x80x128xi32, #tpu.memory_space<hbm>> -> memref<80x128xi32, #tpu.memory_space<hbm>>
      %dma_start3A_216 = arith.constant 40 : i32
      %dma_start3A_217 = arith.constant 0 : i32
      %dma_start3A_218 = tpu.memref_slice %dma_start3A_215[%dma_start3A_216, %dma_start3A_217] : memref<80x128xi32, #tpu.memory_space<hbm>> -> memref<40x128xi32, #tpu.memory_space<hbm>>
      %dma_start3A_219 = arith.constant 0 : i32
      %dma_start3A_220 = arith.constant 0 : i32
      %dma_start3A_221 = tpu.memref_slice %arg3[%arg1, %dma_start3A_219, %dma_start3A_220] : memref<16x80x128xi32, #tpu.memory_space<hbm>> -> memref<1x80x128xi32, #tpu.memory_space<hbm>>
      %dma_start3A_222 = tpu.memref_squeeze %dma_start3A_221 : memref<1x80x128xi32, #tpu.memory_space<hbm>> -> memref<80x128xi32, #tpu.memory_space<hbm>>
      %dma_start3A_223 = arith.constant 40 : i32
      %dma_start3A_224 = arith.constant 0 : i32
      %dma_start3A_225 = tpu.memref_slice %dma_start3A_222[%dma_start3A_223, %dma_start3A_224] : memref<80x128xi32, #tpu.memory_space<hbm>> -> memref<40x128xi32, #tpu.memory_space<hbm>>
      tpu.enqueue_dma source(%dma_start3A_225 : memref<40x128xi32, #tpu.memory_space<hbm>>) target(%arg7 : memref<40x128xi32, #tpu.memory_space<vmem>>) target_semaphore(%run_scoped3A_211 : memref<!tpu.dma_semaphore, #tpu.memory_space<semaphore_mem>>)
      %dma_wait3A_226 = arith.constant 0 : i32
      %dma_wait3A_227 = arith.constant 0 : i32
      %dma_wait3A_228 = tpu.memref_slice %arg3[%arg1, %dma_wait3A_226, %dma_wait3A_227] : memref<16x80x128xi32, #tpu.memory_space<hbm>> -> memref<1x80x128xi32, #tpu.memory_space<hbm>>
      %dma_wait3A_229 = tpu.memref_squeeze %dma_wait3A_228 : memref<1x80x128xi32, #tpu.memory_space<hbm>> -> memref<80x128xi32, #tpu.memory_space<hbm>>
      %dma_wait3A_230 = arith.constant 40 : i32
      %dma_wait3A_231 = arith.constant 0 : i32
      %dma_wait3A_232 = tpu.memref_slice %dma_wait3A_229[%dma_wait3A_230, %dma_wait3A_231] : memref<80x128xi32, #tpu.memory_space<hbm>> -> memref<40x128xi32, #tpu.memory_space<hbm>>
      %dma_wait3A_233 = arith.constant 0 : i32
      %dma_wait3A_234 = arith.constant 0 : i32
      %dma_wait3A_235 = tpu.memref_slice %arg3[%arg1, %dma_wait3A_233, %dma_wait3A_234] : memref<16x80x128xi32, #tpu.memory_space<hbm>> -> memref<1x80x128xi32, #tpu.memory_space<hbm>>
      %dma_wait3A_236 = tpu.memref_squeeze %dma_wait3A_235 : memref<1x80x128xi32, #tpu.memory_space<hbm>> -> memref<80x128xi32, #tpu.memory_space<hbm>>
      %dma_wait3A_237 = arith.constant 40 : i32
      %dma_wait3A_238 = arith.constant 0 : i32
      %dma_wait3A_239 = tpu.memref_slice %dma_wait3A_236[%dma_wait3A_237, %dma_wait3A_238] : memref<80x128xi32, #tpu.memory_space<hbm>> -> memref<40x128xi32, #tpu.memory_space<hbm>>
      tpu.wait_dma2 semaphore(%run_scoped3A_211 : memref<!tpu.dma_semaphore, #tpu.memory_space<semaphore_mem>>) src(%dma_wait3A_239 : memref<40x128xi32, #tpu.memory_space<hbm>>) dst(%arg7 : memref<40x128xi32, #tpu.memory_space<vmem>>)
      tpu.yield
    }) : () -> ()
    "tpu.region"() ({
      %run_scoped3A_211 = tpu.sem_alloc : memref<!tpu.dma_semaphore, #tpu.memory_space<semaphore_mem>>
      %dma_start3A_212 = arith.constant 0 : i32
      %dma_start3A_213 = arith.constant 0 : i32
      %dma_start3A_214 = tpu.memref_slice %arg4[%arg1, %dma_start3A_212, %dma_start3A_213] : memref<16x80x128xi32, #tpu.memory_space<hbm>> -> memref<1x80x128xi32, #tpu.memory_space<hbm>>
      %dma_start3A_215 = tpu.memref_squeeze %dma_start3A_214 : memref<1x80x128xi32, #tpu.memory_space<hbm>> -> memref<80x128xi32, #tpu.memory_space<hbm>>
      %dma_start3A_216 = arith.constant 40 : i32
      %dma_start3A_217 = arith.constant 0 : i32
      %dma_start3A_218 = tpu.memref_slice %dma_start3A_215[%dma_start3A_216, %dma_start3A_217] : memref<80x128xi32, #tpu.memory_space<hbm>> -> memref<40x128xi32, #tpu.memory_space<hbm>>
      %dma_start3A_219 = arith.constant 0 : i32
      %dma_start3A_220 = arith.constant 0 : i32
      %dma_start3A_221 = tpu.memref_slice %arg4[%arg1, %dma_start3A_219, %dma_start3A_220] : memref<16x80x128xi32, #tpu.memory_space<hbm>> -> memref<1x80x128xi32, #tpu.memory_space<hbm>>
      %dma_start3A_222 = tpu.memref_squeeze %dma_start3A_221 : memref<1x80x128xi32, #tpu.memory_space<hbm>> -> memref<80x128xi32, #tpu.memory_space<hbm>>
      %dma_start3A_223 = arith.constant 40 : i32
      %dma_start3A_224 = arith.constant 0 : i32
      %dma_start3A_225 = tpu.memref_slice %dma_start3A_222[%dma_start3A_223, %dma_start3A_224] : memref<80x128xi32, #tpu.memory_space<hbm>> -> memref<40x128xi32, #tpu.memory_space<hbm>>
      tpu.enqueue_dma source(%dma_start3A_225 : memref<40x128xi32, #tpu.memory_space<hbm>>) target(%arg8 : memref<40x128xi32, #tpu.memory_space<vmem>>) target_semaphore(%run_scoped3A_211 : memref<!tpu.dma_semaphore, #tpu.memory_space<semaphore_mem>>)
      %dma_wait3A_226 = arith.constant 0 : i32
      %dma_wait3A_227 = arith.constant 0 : i32
      %dma_wait3A_228 = tpu.memref_slice %arg4[%arg1, %dma_wait3A_226, %dma_wait3A_227] : memref<16x80x128xi32, #tpu.memory_space<hbm>> -> memref<1x80x128xi32, #tpu.memory_space<hbm>>
      %dma_wait3A_229 = tpu.memref_squeeze %dma_wait3A_228 : memref<1x80x128xi32, #tpu.memory_space<hbm>> -> memref<80x128xi32, #tpu.memory_space<hbm>>
      %dma_wait3A_230 = arith.constant 40 : i32
      %dma_wait3A_231 = arith.constant 0 : i32
      %dma_wait3A_232 = tpu.memref_slice %dma_wait3A_229[%dma_wait3A_230, %dma_wait3A_231] : memref<80x128xi32, #tpu.memory_space<hbm>> -> memref<40x128xi32, #tpu.memory_space<hbm>>
      %dma_wait3A_233 = arith.constant 0 : i32
      %dma_wait3A_234 = arith.constant 0 : i32
      %dma_wait3A_235 = tpu.memref_slice %arg4[%arg1, %dma_wait3A_233, %dma_wait3A_234] : memref<16x80x128xi32, #tpu.memory_space<hbm>> -> memref<1x80x128xi32, #tpu.memory_space<hbm>>
      %dma_wait3A_236 = tpu.memref_squeeze %dma_wait3A_235 : memref<1x80x128xi32, #tpu.memory_space<hbm>> -> memref<80x128xi32, #tpu.memory_space<hbm>>
      %dma_wait3A_237 = arith.constant 40 : i32
      %dma_wait3A_238 = arith.constant 0 : i32
      %dma_wait3A_239 = tpu.memref_slice %dma_wait3A_236[%dma_wait3A_237, %dma_wait3A_238] : memref<80x128xi32, #tpu.memory_space<hbm>> -> memref<40x128xi32, #tpu.memory_space<hbm>>
      tpu.wait_dma2 semaphore(%run_scoped3A_211 : memref<!tpu.dma_semaphore, #tpu.memory_space<semaphore_mem>>) src(%dma_wait3A_239 : memref<40x128xi32, #tpu.memory_space<hbm>>) dst(%arg8 : memref<40x128xi32, #tpu.memory_space<vmem>>)
      tpu.yield
    }) : () -> ()
    %dma_start3A_51 = arith.constant 0 : i32
    %dma_start3A_52 = arith.constant 0 : i32
    %dma_start3A_53 = tpu.memref_slice %arg7[%dma_start3A_51, %dma_start3A_52] : memref<40x128xi32, #tpu.memory_space<vmem>> -> memref<1x128xi32, #tpu.memory_space<vmem>>
    %dma_start3A_54 = tpu.memref_squeeze %dma_start3A_53 : memref<1x128xi32, #tpu.memory_space<vmem>> -> memref<128xi32, #tpu.memory_space<vmem>>
    %dma_start3A_55 = arith.constant 0 : i32
    %dma_start3A_56 = arith.constant 0 : i32
    %dma_start3A_57 = tpu.memref_slice %arg2[%add3A_3, %dma_start3A_55, %dma_start3A_56] : memref<4x10000x128xf32, #tpu.memory_space<hbm>> -> memref<1x10000x128xf32, #tpu.memory_space<hbm>>
    %dma_start3A_58 = tpu.memref_squeeze %dma_start3A_57 : memref<1x10000x128xf32, #tpu.memory_space<hbm>> -> memref<10000x128xf32, #tpu.memory_space<hbm>>
    %dma_start3A_59 = arith.constant 0 : i32
    %dma_start3A_60 = arith.constant 0 : i32
    %dma_start3A_61 = tpu.memref_slice %dma_start3A_58[%dma_start3A_59, %dma_start3A_60] : memref<10000x128xf32, #tpu.memory_space<hbm>> -> memref<10000x128xf32, #tpu.memory_space<hbm>>
    tpu.enqueue_indirect_dma source(%dma_start3A_61 : memref<10000x128xf32, #tpu.memory_space<hbm>>) target(%arg9 : memref<128x128xf32, #tpu.memory_space<vmem>>) offsets(%dma_start3A_54 : memref<128xi32, #tpu.memory_space<vmem>>) semaphore(%arg12 : memref<!tpu.dma_semaphore, #tpu.memory_space<semaphore_mem>>)
    %dma_start3A_62 = arith.constant 1 : i32
    %dma_start3A_63 = arith.constant 0 : i32
    %dma_start3A_64 = tpu.memref_slice %arg7[%dma_start3A_62, %dma_start3A_63] : memref<40x128xi32, #tpu.memory_space<vmem>> -> memref<1x128xi32, #tpu.memory_space<vmem>>
    %dma_start3A_65 = tpu.memref_squeeze %dma_start3A_64 : memref<1x128xi32, #tpu.memory_space<vmem>> -> memref<128xi32, #tpu.memory_space<vmem>>
    %dma_start3A_66 = arith.constant 0 : i32
    %dma_start3A_67 = arith.constant 0 : i32
    %dma_start3A_68 = tpu.memref_slice %arg2[%add3A_3, %dma_start3A_66, %dma_start3A_67] : memref<4x10000x128xf32, #tpu.memory_space<hbm>> -> memref<1x10000x128xf32, #tpu.memory_space<hbm>>
    %dma_start3A_69 = tpu.memref_squeeze %dma_start3A_68 : memref<1x10000x128xf32, #tpu.memory_space<hbm>> -> memref<10000x128xf32, #tpu.memory_space<hbm>>
    %dma_start3A_70 = arith.constant 0 : i32
    %dma_start3A_71 = arith.constant 0 : i32
    %dma_start3A_72 = tpu.memref_slice %dma_start3A_69[%dma_start3A_70, %dma_start3A_71] : memref<10000x128xf32, #tpu.memory_space<hbm>> -> memref<10000x128xf32, #tpu.memory_space<hbm>>
    tpu.enqueue_indirect_dma source(%dma_start3A_72 : memref<10000x128xf32, #tpu.memory_space<hbm>>) target(%arg10 : memref<128x128xf32, #tpu.memory_space<vmem>>) offsets(%dma_start3A_65 : memref<128xi32, #tpu.memory_space<vmem>>) semaphore(%arg13 : memref<!tpu.dma_semaphore, #tpu.memory_space<semaphore_mem>>)
    %scan3A_73 = arith.constant 0 : i32
    %scan3A_74 = arith.constant 19 : i32
    %scan3A_75 = arith.addi %scan3A_73, %scan3A_74 : i32
    %scan3A_76 = arith.constant 1 : i32
    scf.for %scan3A_211 = %scan3A_73 to %scan3A_75 step %scan3A_76  : i32 {
      %mul3A_212 = arith.constant 1 : i32
      %mul3A_213 = arith.muli %scan3A_211, %mul3A_212 : i32
      %add3A_214 = arith.constant 0 : i32
      %add3A_215 = arith.addi %add3A_214, %mul3A_213 : i32
      %mul3A_216 = arith.constant 2 : i32
      %mul3A_217 = arith.muli %mul3A_216, %add3A_215 : i32
      %add3A_218 = arith.constant 0 : i32
      %add3A_219 = arith.addi %mul3A_217, %add3A_218 : i32
      %dma_wait3A_220 = arith.constant 0 : i32
      %dma_wait3A_221 = tpu.memref_slice %arg7[%add3A_219, %dma_wait3A_220] : memref<40x128xi32, #tpu.memory_space<vmem>> -> memref<1x128xi32, #tpu.memory_space<vmem>>
      %dma_wait3A_222 = tpu.memref_squeeze %dma_wait3A_221 : memref<1x128xi32, #tpu.memory_space<vmem>> -> memref<128xi32, #tpu.memory_space<vmem>>
      %dma_wait3A_223 = arith.constant 0 : i32
      %dma_wait3A_224 = arith.constant 0 : i32
      %dma_wait3A_225 = tpu.memref_slice %arg2[%add3A_3, %dma_wait3A_223, %dma_wait3A_224] : memref<4x10000x128xf32, #tpu.memory_space<hbm>> -> memref<1x10000x128xf32, #tpu.memory_space<hbm>>
      %dma_wait3A_226 = tpu.memref_squeeze %dma_wait3A_225 : memref<1x10000x128xf32, #tpu.memory_space<hbm>> -> memref<10000x128xf32, #tpu.memory_space<hbm>>
      %dma_wait3A_227 = arith.constant 0 : i32
      %dma_wait3A_228 = arith.constant 0 : i32
      %dma_wait3A_229 = tpu.memref_slice %dma_wait3A_226[%dma_wait3A_227, %dma_wait3A_228] : memref<10000x128xf32, #tpu.memory_space<hbm>> -> memref<10000x128xf32, #tpu.memory_space<hbm>>
      tpu.wait_indirect_dma semaphore(%arg12 : memref<!tpu.dma_semaphore, #tpu.memory_space<semaphore_mem>>) src(%dma_wait3A_229 : memref<10000x128xf32, #tpu.memory_space<hbm>>) dst(%arg9 : memref<128x128xf32, #tpu.memory_space<vmem>>)
      "tpu.region"() ({
        %run_scoped3A_268 = tpu.sem_alloc : memref<!tpu.dma_semaphore, #tpu.memory_space<semaphore_mem>>
        %dma_start3A_269 = arith.constant 0 : i32
        %dma_start3A_270 = tpu.memref_slice %arg8[%add3A_219, %dma_start3A_269] : memref<40x128xi32, #tpu.memory_space<vmem>> -> memref<1x128xi32, #tpu.memory_space<vmem>>
        %dma_start3A_271 = tpu.memref_squeeze %dma_start3A_270 : memref<1x128xi32, #tpu.memory_space<vmem>> -> memref<128xi32, #tpu.memory_space<vmem>>
        %dma_start3A_272 = arith.constant 0 : i32
        %dma_start3A_273 = arith.constant 0 : i32
        %dma_start3A_274 = tpu.memref_slice %arg11[%dma_start3A_272, %dma_start3A_273] : memref<10112x128xf32, #tpu.memory_space<vmem_shared>> -> memref<10112x128xf32, #tpu.memory_space<vmem_shared>>
        tpu.enqueue_indirect_dma source(%arg9 : memref<128x128xf32, #tpu.memory_space<vmem>>) target(%dma_start3A_274 : memref<10112x128xf32, #tpu.memory_space<vmem_shared>>) offsets(%dma_start3A_271 : memref<128xi32, #tpu.memory_space<vmem>>) semaphore(%run_scoped3A_268 : memref<!tpu.dma_semaphore, #tpu.memory_space<semaphore_mem>>) {add = true}
        %dma_wait3A_275 = arith.constant 0 : i32
        %dma_wait3A_276 = tpu.memref_slice %arg8[%add3A_219, %dma_wait3A_275] : memref<40x128xi32, #tpu.memory_space<vmem>> -> memref<1x128xi32, #tpu.memory_space<vmem>>
        %dma_wait3A_277 = tpu.memref_squeeze %dma_wait3A_276 : memref<1x128xi32, #tpu.memory_space<vmem>> -> memref<128xi32, #tpu.memory_space<vmem>>
        %dma_wait3A_278 = arith.constant 0 : i32
        %dma_wait3A_279 = arith.constant 0 : i32
        %dma_wait3A_280 = tpu.memref_slice %arg11[%dma_wait3A_278, %dma_wait3A_279] : memref<10112x128xf32, #tpu.memory_space<vmem_shared>> -> memref<10112x128xf32, #tpu.memory_space<vmem_shared>>
        tpu.wait_indirect_dma semaphore(%run_scoped3A_268 : memref<!tpu.dma_semaphore, #tpu.memory_space<semaphore_mem>>) src(%arg9 : memref<128x128xf32, #tpu.memory_space<vmem>>) dst(%dma_wait3A_280 : memref<10112x128xf32, #tpu.memory_space<vmem_shared>>)
        tpu.yield
      }) : () -> ()
      %add3A_230 = arith.constant 2 : i32
      %add3A_231 = arith.addi %add3A_219, %add3A_230 : i32
      %dma_start3A_232 = arith.constant 0 : i32
      %dma_start3A_233 = tpu.memref_slice %arg7[%add3A_231, %dma_start3A_232] : memref<40x128xi32, #tpu.memory_space<vmem>> -> memref<1x128xi32, #tpu.memory_space<vmem>>
      %dma_start3A_234 = tpu.memref_squeeze %dma_start3A_233 : memref<1x128xi32, #tpu.memory_space<vmem>> -> memref<128xi32, #tpu.memory_space<vmem>>
      %dma_start3A_235 = arith.constant 0 : i32
      %dma_start3A_236 = arith.constant 0 : i32
      %dma_start3A_237 = tpu.memref_slice %arg2[%add3A_3, %dma_start3A_235, %dma_start3A_236] : memref<4x10000x128xf32, #tpu.memory_space<hbm>> -> memref<1x10000x128xf32, #tpu.memory_space<hbm>>
      %dma_start3A_238 = tpu.memref_squeeze %dma_start3A_237 : memref<1x10000x128xf32, #tpu.memory_space<hbm>> -> memref<10000x128xf32, #tpu.memory_space<hbm>>
      %dma_start3A_239 = arith.constant 0 : i32
      %dma_start3A_240 = arith.constant 0 : i32
      %dma_start3A_241 = tpu.memref_slice %dma_start3A_238[%dma_start3A_239, %dma_start3A_240] : memref<10000x128xf32, #tpu.memory_space<hbm>> -> memref<10000x128xf32, #tpu.memory_space<hbm>>
      tpu.enqueue_indirect_dma source(%dma_start3A_241 : memref<10000x128xf32, #tpu.memory_space<hbm>>) target(%arg9 : memref<128x128xf32, #tpu.memory_space<vmem>>) offsets(%dma_start3A_234 : memref<128xi32, #tpu.memory_space<vmem>>) semaphore(%arg12 : memref<!tpu.dma_semaphore, #tpu.memory_space<semaphore_mem>>)
      %mul3A_242 = arith.constant 2 : i32
      %mul3A_243 = arith.muli %mul3A_242, %add3A_215 : i32
      %add3A_244 = arith.constant 1 : i32
      %add3A_245 = arith.addi %mul3A_243, %add3A_244 : i32
      %dma_wait3A_246 = arith.constant 0 : i32
      %dma_wait3A_247 = tpu.memref_slice %arg7[%add3A_245, %dma_wait3A_246] : memref<40x128xi32, #tpu.memory_space<vmem>> -> memref<1x128xi32, #tpu.memory_space<vmem>>
      %dma_wait3A_248 = tpu.memref_squeeze %dma_wait3A_247 : memref<1x128xi32, #tpu.memory_space<vmem>> -> memref<128xi32, #tpu.memory_space<vmem>>
      %dma_wait3A_249 = arith.constant 0 : i32
      %dma_wait3A_250 = arith.constant 0 : i32
      %dma_wait3A_251 = tpu.memref_slice %arg2[%add3A_3, %dma_wait3A_249, %dma_wait3A_250] : memref<4x10000x128xf32, #tpu.memory_space<hbm>> -> memref<1x10000x128xf32, #tpu.memory_space<hbm>>
      %dma_wait3A_252 = tpu.memref_squeeze %dma_wait3A_251 : memref<1x10000x128xf32, #tpu.memory_space<hbm>> -> memref<10000x128xf32, #tpu.memory_space<hbm>>
      %dma_wait3A_253 = arith.constant 0 : i32
      %dma_wait3A_254 = arith.constant 0 : i32
      %dma_wait3A_255 = tpu.memref_slice %dma_wait3A_252[%dma_wait3A_253, %dma_wait3A_254] : memref<10000x128xf32, #tpu.memory_space<hbm>> -> memref<10000x128xf32, #tpu.memory_space<hbm>>
      tpu.wait_indirect_dma semaphore(%arg13 : memref<!tpu.dma_semaphore, #tpu.memory_space<semaphore_mem>>) src(%dma_wait3A_255 : memref<10000x128xf32, #tpu.memory_space<hbm>>) dst(%arg10 : memref<128x128xf32, #tpu.memory_space<vmem>>)
      "tpu.region"() ({
        %run_scoped3A_268 = tpu.sem_alloc : memref<!tpu.dma_semaphore, #tpu.memory_space<semaphore_mem>>
        %dma_start3A_269 = arith.constant 0 : i32
        %dma_start3A_270 = tpu.memref_slice %arg8[%add3A_245, %dma_start3A_269] : memref<40x128xi32, #tpu.memory_space<vmem>> -> memref<1x128xi32, #tpu.memory_space<vmem>>
        %dma_start3A_271 = tpu.memref_squeeze %dma_start3A_270 : memref<1x128xi32, #tpu.memory_space<vmem>> -> memref<128xi32, #tpu.memory_space<vmem>>
        %dma_start3A_272 = arith.constant 0 : i32
        %dma_start3A_273 = arith.constant 0 : i32
        %dma_start3A_274 = tpu.memref_slice %arg11[%dma_start3A_272, %dma_start3A_273] : memref<10112x128xf32, #tpu.memory_space<vmem_shared>> -> memref<10112x128xf32, #tpu.memory_space<vmem_shared>>
        tpu.enqueue_indirect_dma source(%arg10 : memref<128x128xf32, #tpu.memory_space<vmem>>) target(%dma_start3A_274 : memref<10112x128xf32, #tpu.memory_space<vmem_shared>>) offsets(%dma_start3A_271 : memref<128xi32, #tpu.memory_space<vmem>>) semaphore(%run_scoped3A_268 : memref<!tpu.dma_semaphore, #tpu.memory_space<semaphore_mem>>) {add = true}
        %dma_wait3A_275 = arith.constant 0 : i32
        %dma_wait3A_276 = tpu.memref_slice %arg8[%add3A_245, %dma_wait3A_275] : memref<40x128xi32, #tpu.memory_space<vmem>> -> memref<1x128xi32, #tpu.memory_space<vmem>>
        %dma_wait3A_277 = tpu.memref_squeeze %dma_wait3A_276 : memref<1x128xi32, #tpu.memory_space<vmem>> -> memref<128xi32, #tpu.memory_space<vmem>>
        %dma_wait3A_278 = arith.constant 0 : i32
        %dma_wait3A_279 = arith.constant 0 : i32
        %dma_wait3A_280 = tpu.memref_slice %arg11[%dma_wait3A_278, %dma_wait3A_279] : memref<10112x128xf32, #tpu.memory_space<vmem_shared>> -> memref<10112x128xf32, #tpu.memory_space<vmem_shared>>
        tpu.wait_indirect_dma semaphore(%run_scoped3A_268 : memref<!tpu.dma_semaphore, #tpu.memory_space<semaphore_mem>>) src(%arg10 : memref<128x128xf32, #tpu.memory_space<vmem>>) dst(%dma_wait3A_280 : memref<10112x128xf32, #tpu.memory_space<vmem_shared>>)
        tpu.yield
      }) : () -> ()
      %add3A_256 = arith.constant 2 : i32
      %add3A_257 = arith.addi %add3A_245, %add3A_256 : i32
      %dma_start3A_258 = arith.constant 0 : i32
      %dma_start3A_259 = tpu.memref_slice %arg7[%add3A_257, %dma_start3A_258] : memref<40x128xi32, #tpu.memory_space<vmem>> -> memref<1x128xi32, #tpu.memory_space<vmem>>
      %dma_start3A_260 = tpu.memref_squeeze %dma_start3A_259 : memref<1x128xi32, #tpu.memory_space<vmem>> -> memref<128xi32, #tpu.memory_space<vmem>>
      %dma_start3A_261 = arith.constant 0 : i32
      %dma_start3A_262 = arith.constant 0 : i32
      %dma_start3A_263 = tpu.memref_slice %arg2[%add3A_3, %dma_start3A_261, %dma_start3A_262] : memref<4x10000x128xf32, #tpu.memory_space<hbm>> -> memref<1x10000x128xf32, #tpu.memory_space<hbm>>
      %dma_start3A_264 = tpu.memref_squeeze %dma_start3A_263 : memref<1x10000x128xf32, #tpu.memory_space<hbm>> -> memref<10000x128xf32, #tpu.memory_space<hbm>>
      %dma_start3A_265 = arith.constant 0 : i32
      %dma_start3A_266 = arith.constant 0 : i32
      %dma_start3A_267 = tpu.memref_slice %dma_start3A_264[%dma_start3A_265, %dma_start3A_266] : memref<10000x128xf32, #tpu.memory_space<hbm>> -> memref<10000x128xf32, #tpu.memory_space<hbm>>
      tpu.enqueue_indirect_dma source(%dma_start3A_267 : memref<10000x128xf32, #tpu.memory_space<hbm>>) target(%arg10 : memref<128x128xf32, #tpu.memory_space<vmem>>) offsets(%dma_start3A_260 : memref<128xi32, #tpu.memory_space<vmem>>) semaphore(%arg13 : memref<!tpu.dma_semaphore, #tpu.memory_space<semaphore_mem>>)
    }
    %scan3A_77 = arith.constant 19 : i32
    %dma_wait3A_78 = arith.constant 38 : i32
    %dma_wait3A_79 = arith.constant 0 : i32
    %dma_wait3A_80 = tpu.memref_slice %arg7[%dma_wait3A_78, %dma_wait3A_79] : memref<40x128xi32, #tpu.memory_space<vmem>> -> memref<1x128xi32, #tpu.memory_space<vmem>>
    %dma_wait3A_81 = tpu.memref_squeeze %dma_wait3A_80 : memref<1x128xi32, #tpu.memory_space<vmem>> -> memref<128xi32, #tpu.memory_space<vmem>>
    %dma_wait3A_82 = arith.constant 0 : i32
    %dma_wait3A_83 = arith.constant 0 : i32
    %dma_wait3A_84 = tpu.memref_slice %arg2[%add3A_3, %dma_wait3A_82, %dma_wait3A_83] : memref<4x10000x128xf32, #tpu.memory_space<hbm>> -> memref<1x10000x128xf32, #tpu.memory_space<hbm>>
    %dma_wait3A_85 = tpu.memref_squeeze %dma_wait3A_84 : memref<1x10000x128xf32, #tpu.memory_space<hbm>> -> memref<10000x128xf32, #tpu.memory_space<hbm>>
    %dma_wait3A_86 = arith.constant 0 : i32
    %dma_wait3A_87 = arith.constant 0 : i32
    %dma_wait3A_88 = tpu.memref_slice %dma_wait3A_85[%dma_wait3A_86, %dma_wait3A_87] : memref<10000x128xf32, #tpu.memory_space<hbm>> -> memref<10000x128xf32, #tpu.memory_space<hbm>>
    tpu.wait_indirect_dma semaphore(%arg12 : memref<!tpu.dma_semaphore, #tpu.memory_space<semaphore_mem>>) src(%dma_wait3A_88 : memref<10000x128xf32, #tpu.memory_space<hbm>>) dst(%arg9 : memref<128x128xf32, #tpu.memory_space<vmem>>)
    %run_scoped3A_89 = arith.constant 38 : i32
    "tpu.region"() ({
      %run_scoped3A_211 = tpu.sem_alloc : memref<!tpu.dma_semaphore, #tpu.memory_space<semaphore_mem>>
      %dma_start3A_212 = arith.constant 0 : i32
      %dma_start3A_213 = tpu.memref_slice %arg8[%run_scoped3A_89, %dma_start3A_212] : memref<40x128xi32, #tpu.memory_space<vmem>> -> memref<1x128xi32, #tpu.memory_space<vmem>>
      %dma_start3A_214 = tpu.memref_squeeze %dma_start3A_213 : memref<1x128xi32, #tpu.memory_space<vmem>> -> memref<128xi32, #tpu.memory_space<vmem>>
      %dma_start3A_215 = arith.constant 0 : i32
      %dma_start3A_216 = arith.constant 0 : i32
      %dma_start3A_217 = tpu.memref_slice %arg11[%dma_start3A_215, %dma_start3A_216] : memref<10112x128xf32, #tpu.memory_space<vmem_shared>> -> memref<10112x128xf32, #tpu.memory_space<vmem_shared>>
      tpu.enqueue_indirect_dma source(%arg9 : memref<128x128xf32, #tpu.memory_space<vmem>>) target(%dma_start3A_217 : memref<10112x128xf32, #tpu.memory_space<vmem_shared>>) offsets(%dma_start3A_214 : memref<128xi32, #tpu.memory_space<vmem>>) semaphore(%run_scoped3A_211 : memref<!tpu.dma_semaphore, #tpu.memory_space<semaphore_mem>>) {add = true}
      %dma_wait3A_218 = arith.constant 0 : i32
      %dma_wait3A_219 = tpu.memref_slice %arg8[%run_scoped3A_89, %dma_wait3A_218] : memref<40x128xi32, #tpu.memory_space<vmem>> -> memref<1x128xi32, #tpu.memory_space<vmem>>
      %dma_wait3A_220 = tpu.memref_squeeze %dma_wait3A_219 : memref<1x128xi32, #tpu.memory_space<vmem>> -> memref<128xi32, #tpu.memory_space<vmem>>
      %dma_wait3A_221 = arith.constant 0 : i32
      %dma_wait3A_222 = arith.constant 0 : i32
      %dma_wait3A_223 = tpu.memref_slice %arg11[%dma_wait3A_221, %dma_wait3A_222] : memref<10112x128xf32, #tpu.memory_space<vmem_shared>> -> memref<10112x128xf32, #tpu.memory_space<vmem_shared>>
      tpu.wait_indirect_dma semaphore(%run_scoped3A_211 : memref<!tpu.dma_semaphore, #tpu.memory_space<semaphore_mem>>) src(%arg9 : memref<128x128xf32, #tpu.memory_space<vmem>>) dst(%dma_wait3A_223 : memref<10112x128xf32, #tpu.memory_space<vmem_shared>>)
      tpu.yield
    }) : () -> ()
    %dma_wait3A_90 = arith.constant 39 : i32
    %dma_wait3A_91 = arith.constant 0 : i32
    %dma_wait3A_92 = tpu.memref_slice %arg7[%dma_wait3A_90, %dma_wait3A_91] : memref<40x128xi32, #tpu.memory_space<vmem>> -> memref<1x128xi32, #tpu.memory_space<vmem>>
    %dma_wait3A_93 = tpu.memref_squeeze %dma_wait3A_92 : memref<1x128xi32, #tpu.memory_space<vmem>> -> memref<128xi32, #tpu.memory_space<vmem>>
    %dma_wait3A_94 = arith.constant 0 : i32
    %dma_wait3A_95 = arith.constant 0 : i32
    %dma_wait3A_96 = tpu.memref_slice %arg2[%add3A_3, %dma_wait3A_94, %dma_wait3A_95] : memref<4x10000x128xf32, #tpu.memory_space<hbm>> -> memref<1x10000x128xf32, #tpu.memory_space<hbm>>
    %dma_wait3A_97 = tpu.memref_squeeze %dma_wait3A_96 : memref<1x10000x128xf32, #tpu.memory_space<hbm>> -> memref<10000x128xf32, #tpu.memory_space<hbm>>
    %dma_wait3A_98 = arith.constant 0 : i32
    %dma_wait3A_99 = arith.constant 0 : i32
    %dma_wait3A_100 = tpu.memref_slice %dma_wait3A_97[%dma_wait3A_98, %dma_wait3A_99] : memref<10000x128xf32, #tpu.memory_space<hbm>> -> memref<10000x128xf32, #tpu.memory_space<hbm>>
    tpu.wait_indirect_dma semaphore(%arg13 : memref<!tpu.dma_semaphore, #tpu.memory_space<semaphore_mem>>) src(%dma_wait3A_100 : memref<10000x128xf32, #tpu.memory_space<hbm>>) dst(%arg10 : memref<128x128xf32, #tpu.memory_space<vmem>>)
    %run_scoped3A_101 = arith.constant 39 : i32
    "tpu.region"() ({
      %run_scoped3A_211 = tpu.sem_alloc : memref<!tpu.dma_semaphore, #tpu.memory_space<semaphore_mem>>
      %dma_start3A_212 = arith.constant 0 : i32
      %dma_start3A_213 = tpu.memref_slice %arg8[%run_scoped3A_101, %dma_start3A_212] : memref<40x128xi32, #tpu.memory_space<vmem>> -> memref<1x128xi32, #tpu.memory_space<vmem>>
      %dma_start3A_214 = tpu.memref_squeeze %dma_start3A_213 : memref<1x128xi32, #tpu.memory_space<vmem>> -> memref<128xi32, #tpu.memory_space<vmem>>
      %dma_start3A_215 = arith.constant 0 : i32
      %dma_start3A_216 = arith.constant 0 : i32
      %dma_start3A_217 = tpu.memref_slice %arg11[%dma_start3A_215, %dma_start3A_216] : memref<10112x128xf32, #tpu.memory_space<vmem_shared>> -> memref<10112x128xf32, #tpu.memory_space<vmem_shared>>
      tpu.enqueue_indirect_dma source(%arg10 : memref<128x128xf32, #tpu.memory_space<vmem>>) target(%dma_start3A_217 : memref<10112x128xf32, #tpu.memory_space<vmem_shared>>) offsets(%dma_start3A_214 : memref<128xi32, #tpu.memory_space<vmem>>) semaphore(%run_scoped3A_211 : memref<!tpu.dma_semaphore, #tpu.memory_space<semaphore_mem>>) {add = true}
      %dma_wait3A_218 = arith.constant 0 : i32
      %dma_wait3A_219 = tpu.memref_slice %arg8[%run_scoped3A_101, %dma_wait3A_218] : memref<40x128xi32, #tpu.memory_space<vmem>> -> memref<1x128xi32, #tpu.memory_space<vmem>>
      %dma_wait3A_220 = tpu.memref_squeeze %dma_wait3A_219 : memref<1x128xi32, #tpu.memory_space<vmem>> -> memref<128xi32, #tpu.memory_space<vmem>>
      %dma_wait3A_221 = arith.constant 0 : i32
      %dma_wait3A_222 = arith.constant 0 : i32
      %dma_wait3A_223 = tpu.memref_slice %arg11[%dma_wait3A_221, %dma_wait3A_222] : memref<10112x128xf32, #tpu.memory_space<vmem_shared>> -> memref<10112x128xf32, #tpu.memory_space<vmem_shared>>
      tpu.wait_indirect_dma semaphore(%run_scoped3A_211 : memref<!tpu.dma_semaphore, #tpu.memory_space<semaphore_mem>>) src(%arg10 : memref<128x128xf32, #tpu.memory_space<vmem>>) dst(%dma_wait3A_223 : memref<10112x128xf32, #tpu.memory_space<vmem_shared>>)
      tpu.yield
    }) : () -> ()
    %barrier3A_102 = arith.constant 0 : index
    tpu.barrier barrier_id(%barrier3A_102)
    "tpu.region"() ({
      %run_scoped3A_211 = tpu.sem_alloc : memref<!tpu.dma_semaphore, #tpu.memory_space<semaphore_mem>>
      %dma_start3A_212 = arith.constant 0 : i32
      %dma_start3A_213 = arith.constant 0 : i32
      %dma_start3A_214 = tpu.memref_slice %arg6[%add3A_3, %dma_start3A_212, %dma_start3A_213] : memref<4x10112x128xf32, #tpu.memory_space<hbm>> -> memref<1x10112x128xf32, #tpu.memory_space<hbm>>
      %dma_start3A_215 = tpu.memref_squeeze %dma_start3A_214 : memref<1x10112x128xf32, #tpu.memory_space<hbm>> -> memref<10112x128xf32, #tpu.memory_space<hbm>>
      %dma_start3A_216 = arith.constant 0 : i32
      %dma_start3A_217 = tpu.memref_slice %dma_start3A_215[%mul3A_0, %dma_start3A_216] : memref<10112x128xf32, #tpu.memory_space<hbm>> -> memref<632x128xf32, #tpu.memory_space<hbm>>
      %dma_start3A_218 = arith.constant 0 : i32
      %dma_start3A_219 = tpu.memref_slice %arg11[%mul3A_0, %dma_start3A_218] : memref<10112x128xf32, #tpu.memory_space<vmem_shared>> -> memref<632x128xf32, #tpu.memory_space<vmem_shared>>
      tpu.enqueue_dma source(%dma_start3A_219 : memref<632x128xf32, #tpu.memory_space<vmem_shared>>) target(%dma_start3A_217 : memref<632x128xf32, #tpu.memory_space<hbm>>) target_semaphore(%run_scoped3A_211 : memref<!tpu.dma_semaphore, #tpu.memory_space<semaphore_mem>>)
      %dma_wait3A_220 = arith.constant 0 : i32
      %dma_wait3A_221 = arith.constant 0 : i32
      %dma_wait3A_222 = tpu.memref_slice %arg6[%add3A_3, %dma_wait3A_220, %dma_wait3A_221] : memref<4x10112x128xf32, #tpu.memory_space<hbm>> -> memref<1x10112x128xf32, #tpu.memory_space<hbm>>
      %dma_wait3A_223 = tpu.memref_squeeze %dma_wait3A_222 : memref<1x10112x128xf32, #tpu.memory_space<hbm>> -> memref<10112x128xf32, #tpu.memory_space<hbm>>
      %dma_wait3A_224 = arith.constant 0 : i32
      %dma_wait3A_225 = tpu.memref_slice %dma_wait3A_223[%mul3A_0, %dma_wait3A_224] : memref<10112x128xf32, #tpu.memory_space<hbm>> -> memref<632x128xf32, #tpu.memory_space<hbm>>
      %dma_wait3A_226 = arith.constant 0 : i32
      %dma_wait3A_227 = tpu.memref_slice %arg11[%mul3A_0, %dma_wait3A_226] : memref<10112x128xf32, #tpu.memory_space<vmem_shared>> -> memref<632x128xf32, #tpu.memory_space<vmem_shared>>
      tpu.wait_dma2 semaphore(%run_scoped3A_211 : memref<!tpu.dma_semaphore, #tpu.memory_space<semaphore_mem>>) src(%dma_wait3A_227 : memref<632x128xf32, #tpu.memory_space<vmem_shared>>) dst(%dma_wait3A_225 : memref<632x128xf32, #tpu.memory_space<hbm>>)
      tpu.yield
    }) : () -> ()
    %mul3A_103 = arith.constant 2 : i32
    %mul3A_104 = arith.muli %arg0, %mul3A_103 : i32
    %add3A_105 = arith.constant 1 : i32
    %add3A_106 = arith.addi %mul3A_104, %add3A_105 : i32
    "tpu.region"() ({
      %run_scoped3A_211 = tpu.sem_alloc : memref<!tpu.dma_semaphore, #tpu.memory_space<semaphore_mem>>
      %dma_start3A_212 = arith.constant 0 : i32
      %dma_start3A_213 = tpu.memref_slice %arg11[%mul3A_0, %dma_start3A_212] : memref<10112x128xf32, #tpu.memory_space<vmem_shared>> -> memref<632x128xf32, #tpu.memory_space<vmem_shared>>
      tpu.enqueue_dma source(%arg5 : memref<632x128xf32, #tpu.memory_space<hbm>>) target(%dma_start3A_213 : memref<632x128xf32, #tpu.memory_space<vmem_shared>>) target_semaphore(%run_scoped3A_211 : memref<!tpu.dma_semaphore, #tpu.memory_space<semaphore_mem>>)
      %dma_wait3A_214 = arith.constant 0 : i32
      %dma_wait3A_215 = tpu.memref_slice %arg11[%mul3A_0, %dma_wait3A_214] : memref<10112x128xf32, #tpu.memory_space<vmem_shared>> -> memref<632x128xf32, #tpu.memory_space<vmem_shared>>
      tpu.wait_dma2 semaphore(%run_scoped3A_211 : memref<!tpu.dma_semaphore, #tpu.memory_space<semaphore_mem>>) src(%arg5 : memref<632x128xf32, #tpu.memory_space<hbm>>) dst(%dma_wait3A_215 : memref<632x128xf32, #tpu.memory_space<vmem_shared>>)
      tpu.yield
    }) : () -> ()
    %barrier3A_107 = arith.constant 0 : index
    tpu.barrier barrier_id(%barrier3A_107)
    "tpu.region"() ({
      %run_scoped3A_211 = tpu.sem_alloc : memref<!tpu.dma_semaphore, #tpu.memory_space<semaphore_mem>>
      %dma_start3A_212 = arith.constant 0 : i32
      %dma_start3A_213 = arith.constant 0 : i32
      %dma_start3A_214 = tpu.memref_slice %arg3[%arg1, %dma_start3A_212, %dma_start3A_213] : memref<16x80x128xi32, #tpu.memory_space<hbm>> -> memref<1x80x128xi32, #tpu.memory_space<hbm>>
      %dma_start3A_215 = tpu.memref_squeeze %dma_start3A_214 : memref<1x80x128xi32, #tpu.memory_space<hbm>> -> memref<80x128xi32, #tpu.memory_space<hbm>>
      %dma_start3A_216 = arith.constant 0 : i32
      %dma_start3A_217 = arith.constant 0 : i32
      %dma_start3A_218 = tpu.memref_slice %dma_start3A_215[%dma_start3A_216, %dma_start3A_217] : memref<80x128xi32, #tpu.memory_space<hbm>> -> memref<40x128xi32, #tpu.memory_space<hbm>>
      %dma_start3A_219 = arith.constant 0 : i32
      %dma_start3A_220 = arith.constant 0 : i32
      %dma_start3A_221 = tpu.memref_slice %arg3[%arg1, %dma_start3A_219, %dma_start3A_220] : memref<16x80x128xi32, #tpu.memory_space<hbm>> -> memref<1x80x128xi32, #tpu.memory_space<hbm>>
      %dma_start3A_222 = tpu.memref_squeeze %dma_start3A_221 : memref<1x80x128xi32, #tpu.memory_space<hbm>> -> memref<80x128xi32, #tpu.memory_space<hbm>>
      %dma_start3A_223 = arith.constant 0 : i32
      %dma_start3A_224 = arith.constant 0 : i32
      %dma_start3A_225 = tpu.memref_slice %dma_start3A_222[%dma_start3A_223, %dma_start3A_224] : memref<80x128xi32, #tpu.memory_space<hbm>> -> memref<40x128xi32, #tpu.memory_space<hbm>>
      tpu.enqueue_dma source(%dma_start3A_225 : memref<40x128xi32, #tpu.memory_space<hbm>>) target(%arg7 : memref<40x128xi32, #tpu.memory_space<vmem>>) target_semaphore(%run_scoped3A_211 : memref<!tpu.dma_semaphore, #tpu.memory_space<semaphore_mem>>)
      %dma_wait3A_226 = arith.constant 0 : i32
      %dma_wait3A_227 = arith.constant 0 : i32
      %dma_wait3A_228 = tpu.memref_slice %arg3[%arg1, %dma_wait3A_226, %dma_wait3A_227] : memref<16x80x128xi32, #tpu.memory_space<hbm>> -> memref<1x80x128xi32, #tpu.memory_space<hbm>>
      %dma_wait3A_229 = tpu.memref_squeeze %dma_wait3A_228 : memref<1x80x128xi32, #tpu.memory_space<hbm>> -> memref<80x128xi32, #tpu.memory_space<hbm>>
      %dma_wait3A_230 = arith.constant 0 : i32
      %dma_wait3A_231 = arith.constant 0 : i32
      %dma_wait3A_232 = tpu.memref_slice %dma_wait3A_229[%dma_wait3A_230, %dma_wait3A_231] : memref<80x128xi32, #tpu.memory_space<hbm>> -> memref<40x128xi32, #tpu.memory_space<hbm>>
      %dma_wait3A_233 = arith.constant 0 : i32
      %dma_wait3A_234 = arith.constant 0 : i32
      %dma_wait3A_235 = tpu.memref_slice %arg3[%arg1, %dma_wait3A_233, %dma_wait3A_234] : memref<16x80x128xi32, #tpu.memory_space<hbm>> -> memref<1x80x128xi32, #tpu.memory_space<hbm>>
      %dma_wait3A_236 = tpu.memref_squeeze %dma_wait3A_235 : memref<1x80x128xi32, #tpu.memory_space<hbm>> -> memref<80x128xi32, #tpu.memory_space<hbm>>
      %dma_wait3A_237 = arith.constant 0 : i32
      %dma_wait3A_238 = arith.constant 0 : i32
      %dma_wait3A_239 = tpu.memref_slice %dma_wait3A_236[%dma_wait3A_237, %dma_wait3A_238] : memref<80x128xi32, #tpu.memory_space<hbm>> -> memref<40x128xi32, #tpu.memory_space<hbm>>
      tpu.wait_dma2 semaphore(%run_scoped3A_211 : memref<!tpu.dma_semaphore, #tpu.memory_space<semaphore_mem>>) src(%dma_wait3A_239 : memref<40x128xi32, #tpu.memory_space<hbm>>) dst(%arg7 : memref<40x128xi32, #tpu.memory_space<vmem>>)
      tpu.yield
    }) : () -> ()
    "tpu.region"() ({
      %run_scoped3A_211 = tpu.sem_alloc : memref<!tpu.dma_semaphore, #tpu.memory_space<semaphore_mem>>
      %dma_start3A_212 = arith.constant 0 : i32
      %dma_start3A_213 = arith.constant 0 : i32
      %dma_start3A_214 = tpu.memref_slice %arg4[%arg1, %dma_start3A_212, %dma_start3A_213] : memref<16x80x128xi32, #tpu.memory_space<hbm>> -> memref<1x80x128xi32, #tpu.memory_space<hbm>>
      %dma_start3A_215 = tpu.memref_squeeze %dma_start3A_214 : memref<1x80x128xi32, #tpu.memory_space<hbm>> -> memref<80x128xi32, #tpu.memory_space<hbm>>
      %dma_start3A_216 = arith.constant 0 : i32
      %dma_start3A_217 = arith.constant 0 : i32
      %dma_start3A_218 = tpu.memref_slice %dma_start3A_215[%dma_start3A_216, %dma_start3A_217] : memref<80x128xi32, #tpu.memory_space<hbm>> -> memref<40x128xi32, #tpu.memory_space<hbm>>
      %dma_start3A_219 = arith.constant 0 : i32
      %dma_start3A_220 = arith.constant 0 : i32
      %dma_start3A_221 = tpu.memref_slice %arg4[%arg1, %dma_start3A_219, %dma_start3A_220] : memref<16x80x128xi32, #tpu.memory_space<hbm>> -> memref<1x80x128xi32, #tpu.memory_space<hbm>>
      %dma_start3A_222 = tpu.memref_squeeze %dma_start3A_221 : memref<1x80x128xi32, #tpu.memory_space<hbm>> -> memref<80x128xi32, #tpu.memory_space<hbm>>
      %dma_start3A_223 = arith.constant 0 : i32
      %dma_start3A_224 = arith.constant 0 : i32
      %dma_start3A_225 = tpu.memref_slice %dma_start3A_222[%dma_start3A_223, %dma_start3A_224] : memref<80x128xi32, #tpu.memory_space<hbm>> -> memref<40x128xi32, #tpu.memory_space<hbm>>
      tpu.enqueue_dma source(%dma_start3A_225 : memref<40x128xi32, #tpu.memory_space<hbm>>) target(%arg8 : memref<40x128xi32, #tpu.memory_space<vmem>>) target_semaphore(%run_scoped3A_211 : memref<!tpu.dma_semaphore, #tpu.memory_space<semaphore_mem>>)
      %dma_wait3A_226 = arith.constant 0 : i32
      %dma_wait3A_227 = arith.constant 0 : i32
      %dma_wait3A_228 = tpu.memref_slice %arg4[%arg1, %dma_wait3A_226, %dma_wait3A_227] : memref<16x80x128xi32, #tpu.memory_space<hbm>> -> memref<1x80x128xi32, #tpu.memory_space<hbm>>
      %dma_wait3A_229 = tpu.memref_squeeze %dma_wait3A_228 : memref<1x80x128xi32, #tpu.memory_space<hbm>> -> memref<80x128xi32, #tpu.memory_space<hbm>>
      %dma_wait3A_230 = arith.constant 0 : i32
      %dma_wait3A_231 = arith.constant 0 : i32
      %dma_wait3A_232 = tpu.memref_slice %dma_wait3A_229[%dma_wait3A_230, %dma_wait3A_231] : memref<80x128xi32, #tpu.memory_space<hbm>> -> memref<40x128xi32, #tpu.memory_space<hbm>>
      %dma_wait3A_233 = arith.constant 0 : i32
      %dma_wait3A_234 = arith.constant 0 : i32
      %dma_wait3A_235 = tpu.memref_slice %arg4[%arg1, %dma_wait3A_233, %dma_wait3A_234] : memref<16x80x128xi32, #tpu.memory_space<hbm>> -> memref<1x80x128xi32, #tpu.memory_space<hbm>>
      %dma_wait3A_236 = tpu.memref_squeeze %dma_wait3A_235 : memref<1x80x128xi32, #tpu.memory_space<hbm>> -> memref<80x128xi32, #tpu.memory_space<hbm>>
      %dma_wait3A_237 = arith.constant 0 : i32
      %dma_wait3A_238 = arith.constant 0 : i32
      %dma_wait3A_239 = tpu.memref_slice %dma_wait3A_236[%dma_wait3A_237, %dma_wait3A_238] : memref<80x128xi32, #tpu.memory_space<hbm>> -> memref<40x128xi32, #tpu.memory_space<hbm>>
      tpu.wait_dma2 semaphore(%run_scoped3A_211 : memref<!tpu.dma_semaphore, #tpu.memory_space<semaphore_mem>>) src(%dma_wait3A_239 : memref<40x128xi32, #tpu.memory_space<hbm>>) dst(%arg8 : memref<40x128xi32, #tpu.memory_space<vmem>>)
      tpu.yield
    }) : () -> ()
    %dma_start3A_108 = arith.constant 0 : i32
    %dma_start3A_109 = arith.constant 0 : i32
    %dma_start3A_110 = tpu.memref_slice %arg7[%dma_start3A_108, %dma_start3A_109] : memref<40x128xi32, #tpu.memory_space<vmem>> -> memref<1x128xi32, #tpu.memory_space<vmem>>
    %dma_start3A_111 = tpu.memref_squeeze %dma_start3A_110 : memref<1x128xi32, #tpu.memory_space<vmem>> -> memref<128xi32, #tpu.memory_space<vmem>>
    %dma_start3A_112 = arith.constant 0 : i32
    %dma_start3A_113 = arith.constant 0 : i32
    %dma_start3A_114 = tpu.memref_slice %arg2[%add3A_106, %dma_start3A_112, %dma_start3A_113] : memref<4x10000x128xf32, #tpu.memory_space<hbm>> -> memref<1x10000x128xf32, #tpu.memory_space<hbm>>
    %dma_start3A_115 = tpu.memref_squeeze %dma_start3A_114 : memref<1x10000x128xf32, #tpu.memory_space<hbm>> -> memref<10000x128xf32, #tpu.memory_space<hbm>>
    %dma_start3A_116 = arith.constant 0 : i32
    %dma_start3A_117 = arith.constant 0 : i32
    %dma_start3A_118 = tpu.memref_slice %dma_start3A_115[%dma_start3A_116, %dma_start3A_117] : memref<10000x128xf32, #tpu.memory_space<hbm>> -> memref<10000x128xf32, #tpu.memory_space<hbm>>
    tpu.enqueue_indirect_dma source(%dma_start3A_118 : memref<10000x128xf32, #tpu.memory_space<hbm>>) target(%arg9 : memref<128x128xf32, #tpu.memory_space<vmem>>) offsets(%dma_start3A_111 : memref<128xi32, #tpu.memory_space<vmem>>) semaphore(%arg12 : memref<!tpu.dma_semaphore, #tpu.memory_space<semaphore_mem>>)
    %dma_start3A_119 = arith.constant 1 : i32
    %dma_start3A_120 = arith.constant 0 : i32
    %dma_start3A_121 = tpu.memref_slice %arg7[%dma_start3A_119, %dma_start3A_120] : memref<40x128xi32, #tpu.memory_space<vmem>> -> memref<1x128xi32, #tpu.memory_space<vmem>>
    %dma_start3A_122 = tpu.memref_squeeze %dma_start3A_121 : memref<1x128xi32, #tpu.memory_space<vmem>> -> memref<128xi32, #tpu.memory_space<vmem>>
    %dma_start3A_123 = arith.constant 0 : i32
    %dma_start3A_124 = arith.constant 0 : i32
    %dma_start3A_125 = tpu.memref_slice %arg2[%add3A_106, %dma_start3A_123, %dma_start3A_124] : memref<4x10000x128xf32, #tpu.memory_space<hbm>> -> memref<1x10000x128xf32, #tpu.memory_space<hbm>>
    %dma_start3A_126 = tpu.memref_squeeze %dma_start3A_125 : memref<1x10000x128xf32, #tpu.memory_space<hbm>> -> memref<10000x128xf32, #tpu.memory_space<hbm>>
    %dma_start3A_127 = arith.constant 0 : i32
    %dma_start3A_128 = arith.constant 0 : i32
    %dma_start3A_129 = tpu.memref_slice %dma_start3A_126[%dma_start3A_127, %dma_start3A_128] : memref<10000x128xf32, #tpu.memory_space<hbm>> -> memref<10000x128xf32, #tpu.memory_space<hbm>>
    tpu.enqueue_indirect_dma source(%dma_start3A_129 : memref<10000x128xf32, #tpu.memory_space<hbm>>) target(%arg10 : memref<128x128xf32, #tpu.memory_space<vmem>>) offsets(%dma_start3A_122 : memref<128xi32, #tpu.memory_space<vmem>>) semaphore(%arg13 : memref<!tpu.dma_semaphore, #tpu.memory_space<semaphore_mem>>)
    %scan3A_130 = arith.constant 0 : i32
    %scan3A_131 = arith.constant 19 : i32
    %scan3A_132 = arith.addi %scan3A_130, %scan3A_131 : i32
    %scan3A_133 = arith.constant 1 : i32
    scf.for %scan3A_211 = %scan3A_130 to %scan3A_132 step %scan3A_133  : i32 {
      %mul3A_212 = arith.constant 1 : i32
      %mul3A_213 = arith.muli %scan3A_211, %mul3A_212 : i32
      %add3A_214 = arith.constant 0 : i32
      %add3A_215 = arith.addi %add3A_214, %mul3A_213 : i32
      %mul3A_216 = arith.constant 2 : i32
      %mul3A_217 = arith.muli %mul3A_216, %add3A_215 : i32
      %add3A_218 = arith.constant 0 : i32
      %add3A_219 = arith.addi %mul3A_217, %add3A_218 : i32
      %dma_wait3A_220 = arith.constant 0 : i32
      %dma_wait3A_221 = tpu.memref_slice %arg7[%add3A_219, %dma_wait3A_220] : memref<40x128xi32, #tpu.memory_space<vmem>> -> memref<1x128xi32, #tpu.memory_space<vmem>>
      %dma_wait3A_222 = tpu.memref_squeeze %dma_wait3A_221 : memref<1x128xi32, #tpu.memory_space<vmem>> -> memref<128xi32, #tpu.memory_space<vmem>>
      %dma_wait3A_223 = arith.constant 0 : i32
      %dma_wait3A_224 = arith.constant 0 : i32
      %dma_wait3A_225 = tpu.memref_slice %arg2[%add3A_106, %dma_wait3A_223, %dma_wait3A_224] : memref<4x10000x128xf32, #tpu.memory_space<hbm>> -> memref<1x10000x128xf32, #tpu.memory_space<hbm>>
      %dma_wait3A_226 = tpu.memref_squeeze %dma_wait3A_225 : memref<1x10000x128xf32, #tpu.memory_space<hbm>> -> memref<10000x128xf32, #tpu.memory_space<hbm>>
      %dma_wait3A_227 = arith.constant 0 : i32
      %dma_wait3A_228 = arith.constant 0 : i32
      %dma_wait3A_229 = tpu.memref_slice %dma_wait3A_226[%dma_wait3A_227, %dma_wait3A_228] : memref<10000x128xf32, #tpu.memory_space<hbm>> -> memref<10000x128xf32, #tpu.memory_space<hbm>>
      tpu.wait_indirect_dma semaphore(%arg12 : memref<!tpu.dma_semaphore, #tpu.memory_space<semaphore_mem>>) src(%dma_wait3A_229 : memref<10000x128xf32, #tpu.memory_space<hbm>>) dst(%arg9 : memref<128x128xf32, #tpu.memory_space<vmem>>)
      "tpu.region"() ({
        %run_scoped3A_268 = tpu.sem_alloc : memref<!tpu.dma_semaphore, #tpu.memory_space<semaphore_mem>>
        %dma_start3A_269 = arith.constant 0 : i32
        %dma_start3A_270 = tpu.memref_slice %arg8[%add3A_219, %dma_start3A_269] : memref<40x128xi32, #tpu.memory_space<vmem>> -> memref<1x128xi32, #tpu.memory_space<vmem>>
        %dma_start3A_271 = tpu.memref_squeeze %dma_start3A_270 : memref<1x128xi32, #tpu.memory_space<vmem>> -> memref<128xi32, #tpu.memory_space<vmem>>
        %dma_start3A_272 = arith.constant 0 : i32
        %dma_start3A_273 = arith.constant 0 : i32
        %dma_start3A_274 = tpu.memref_slice %arg11[%dma_start3A_272, %dma_start3A_273] : memref<10112x128xf32, #tpu.memory_space<vmem_shared>> -> memref<10112x128xf32, #tpu.memory_space<vmem_shared>>
        tpu.enqueue_indirect_dma source(%arg9 : memref<128x128xf32, #tpu.memory_space<vmem>>) target(%dma_start3A_274 : memref<10112x128xf32, #tpu.memory_space<vmem_shared>>) offsets(%dma_start3A_271 : memref<128xi32, #tpu.memory_space<vmem>>) semaphore(%run_scoped3A_268 : memref<!tpu.dma_semaphore, #tpu.memory_space<semaphore_mem>>) {add = true}
        %dma_wait3A_275 = arith.constant 0 : i32
        %dma_wait3A_276 = tpu.memref_slice %arg8[%add3A_219, %dma_wait3A_275] : memref<40x128xi32, #tpu.memory_space<vmem>> -> memref<1x128xi32, #tpu.memory_space<vmem>>
        %dma_wait3A_277 = tpu.memref_squeeze %dma_wait3A_276 : memref<1x128xi32, #tpu.memory_space<vmem>> -> memref<128xi32, #tpu.memory_space<vmem>>
        %dma_wait3A_278 = arith.constant 0 : i32
        %dma_wait3A_279 = arith.constant 0 : i32
        %dma_wait3A_280 = tpu.memref_slice %arg11[%dma_wait3A_278, %dma_wait3A_279] : memref<10112x128xf32, #tpu.memory_space<vmem_shared>> -> memref<10112x128xf32, #tpu.memory_space<vmem_shared>>
        tpu.wait_indirect_dma semaphore(%run_scoped3A_268 : memref<!tpu.dma_semaphore, #tpu.memory_space<semaphore_mem>>) src(%arg9 : memref<128x128xf32, #tpu.memory_space<vmem>>) dst(%dma_wait3A_280 : memref<10112x128xf32, #tpu.memory_space<vmem_shared>>)
        tpu.yield
      }) : () -> ()
      %add3A_230 = arith.constant 2 : i32
      %add3A_231 = arith.addi %add3A_219, %add3A_230 : i32
      %dma_start3A_232 = arith.constant 0 : i32
      %dma_start3A_233 = tpu.memref_slice %arg7[%add3A_231, %dma_start3A_232] : memref<40x128xi32, #tpu.memory_space<vmem>> -> memref<1x128xi32, #tpu.memory_space<vmem>>
      %dma_start3A_234 = tpu.memref_squeeze %dma_start3A_233 : memref<1x128xi32, #tpu.memory_space<vmem>> -> memref<128xi32, #tpu.memory_space<vmem>>
      %dma_start3A_235 = arith.constant 0 : i32
      %dma_start3A_236 = arith.constant 0 : i32
      %dma_start3A_237 = tpu.memref_slice %arg2[%add3A_106, %dma_start3A_235, %dma_start3A_236] : memref<4x10000x128xf32, #tpu.memory_space<hbm>> -> memref<1x10000x128xf32, #tpu.memory_space<hbm>>
      %dma_start3A_238 = tpu.memref_squeeze %dma_start3A_237 : memref<1x10000x128xf32, #tpu.memory_space<hbm>> -> memref<10000x128xf32, #tpu.memory_space<hbm>>
      %dma_start3A_239 = arith.constant 0 : i32
      %dma_start3A_240 = arith.constant 0 : i32
      %dma_start3A_241 = tpu.memref_slice %dma_start3A_238[%dma_start3A_239, %dma_start3A_240] : memref<10000x128xf32, #tpu.memory_space<hbm>> -> memref<10000x128xf32, #tpu.memory_space<hbm>>
      tpu.enqueue_indirect_dma source(%dma_start3A_241 : memref<10000x128xf32, #tpu.memory_space<hbm>>) target(%arg9 : memref<128x128xf32, #tpu.memory_space<vmem>>) offsets(%dma_start3A_234 : memref<128xi32, #tpu.memory_space<vmem>>) semaphore(%arg12 : memref<!tpu.dma_semaphore, #tpu.memory_space<semaphore_mem>>)
      %mul3A_242 = arith.constant 2 : i32
      %mul3A_243 = arith.muli %mul3A_242, %add3A_215 : i32
      %add3A_244 = arith.constant 1 : i32
      %add3A_245 = arith.addi %mul3A_243, %add3A_244 : i32
      %dma_wait3A_246 = arith.constant 0 : i32
      %dma_wait3A_247 = tpu.memref_slice %arg7[%add3A_245, %dma_wait3A_246] : memref<40x128xi32, #tpu.memory_space<vmem>> -> memref<1x128xi32, #tpu.memory_space<vmem>>
      %dma_wait3A_248 = tpu.memref_squeeze %dma_wait3A_247 : memref<1x128xi32, #tpu.memory_space<vmem>> -> memref<128xi32, #tpu.memory_space<vmem>>
      %dma_wait3A_249 = arith.constant 0 : i32
      %dma_wait3A_250 = arith.constant 0 : i32
      %dma_wait3A_251 = tpu.memref_slice %arg2[%add3A_106, %dma_wait3A_249, %dma_wait3A_250] : memref<4x10000x128xf32, #tpu.memory_space<hbm>> -> memref<1x10000x128xf32, #tpu.memory_space<hbm>>
      %dma_wait3A_252 = tpu.memref_squeeze %dma_wait3A_251 : memref<1x10000x128xf32, #tpu.memory_space<hbm>> -> memref<10000x128xf32, #tpu.memory_space<hbm>>
      %dma_wait3A_253 = arith.constant 0 : i32
      %dma_wait3A_254 = arith.constant 0 : i32
      %dma_wait3A_255 = tpu.memref_slice %dma_wait3A_252[%dma_wait3A_253, %dma_wait3A_254] : memref<10000x128xf32, #tpu.memory_space<hbm>> -> memref<10000x128xf32, #tpu.memory_space<hbm>>
      tpu.wait_indirect_dma semaphore(%arg13 : memref<!tpu.dma_semaphore, #tpu.memory_space<semaphore_mem>>) src(%dma_wait3A_255 : memref<10000x128xf32, #tpu.memory_space<hbm>>) dst(%arg10 : memref<128x128xf32, #tpu.memory_space<vmem>>)
      "tpu.region"() ({
        %run_scoped3A_268 = tpu.sem_alloc : memref<!tpu.dma_semaphore, #tpu.memory_space<semaphore_mem>>
        %dma_start3A_269 = arith.constant 0 : i32
        %dma_start3A_270 = tpu.memref_slice %arg8[%add3A_245, %dma_start3A_269] : memref<40x128xi32, #tpu.memory_space<vmem>> -> memref<1x128xi32, #tpu.memory_space<vmem>>
        %dma_start3A_271 = tpu.memref_squeeze %dma_start3A_270 : memref<1x128xi32, #tpu.memory_space<vmem>> -> memref<128xi32, #tpu.memory_space<vmem>>
        %dma_start3A_272 = arith.constant 0 : i32
        %dma_start3A_273 = arith.constant 0 : i32
        %dma_start3A_274 = tpu.memref_slice %arg11[%dma_start3A_272, %dma_start3A_273] : memref<10112x128xf32, #tpu.memory_space<vmem_shared>> -> memref<10112x128xf32, #tpu.memory_space<vmem_shared>>
        tpu.enqueue_indirect_dma source(%arg10 : memref<128x128xf32, #tpu.memory_space<vmem>>) target(%dma_start3A_274 : memref<10112x128xf32, #tpu.memory_space<vmem_shared>>) offsets(%dma_start3A_271 : memref<128xi32, #tpu.memory_space<vmem>>) semaphore(%run_scoped3A_268 : memref<!tpu.dma_semaphore, #tpu.memory_space<semaphore_mem>>) {add = true}
        %dma_wait3A_275 = arith.constant 0 : i32
        %dma_wait3A_276 = tpu.memref_slice %arg8[%add3A_245, %dma_wait3A_275] : memref<40x128xi32, #tpu.memory_space<vmem>> -> memref<1x128xi32, #tpu.memory_space<vmem>>
        %dma_wait3A_277 = tpu.memref_squeeze %dma_wait3A_276 : memref<1x128xi32, #tpu.memory_space<vmem>> -> memref<128xi32, #tpu.memory_space<vmem>>
        %dma_wait3A_278 = arith.constant 0 : i32
        %dma_wait3A_279 = arith.constant 0 : i32
        %dma_wait3A_280 = tpu.memref_slice %arg11[%dma_wait3A_278, %dma_wait3A_279] : memref<10112x128xf32, #tpu.memory_space<vmem_shared>> -> memref<10112x128xf32, #tpu.memory_space<vmem_shared>>
        tpu.wait_indirect_dma semaphore(%run_scoped3A_268 : memref<!tpu.dma_semaphore, #tpu.memory_space<semaphore_mem>>) src(%arg10 : memref<128x128xf32, #tpu.memory_space<vmem>>) dst(%dma_wait3A_280 : memref<10112x128xf32, #tpu.memory_space<vmem_shared>>)
        tpu.yield
      }) : () -> ()
      %add3A_256 = arith.constant 2 : i32
      %add3A_257 = arith.addi %add3A_245, %add3A_256 : i32
      %dma_start3A_258 = arith.constant 0 : i32
      %dma_start3A_259 = tpu.memref_slice %arg7[%add3A_257, %dma_start3A_258] : memref<40x128xi32, #tpu.memory_space<vmem>> -> memref<1x128xi32, #tpu.memory_space<vmem>>
      %dma_start3A_260 = tpu.memref_squeeze %dma_start3A_259 : memref<1x128xi32, #tpu.memory_space<vmem>> -> memref<128xi32, #tpu.memory_space<vmem>>
      %dma_start3A_261 = arith.constant 0 : i32
      %dma_start3A_262 = arith.constant 0 : i32
      %dma_start3A_263 = tpu.memref_slice %arg2[%add3A_106, %dma_start3A_261, %dma_start3A_262] : memref<4x10000x128xf32, #tpu.memory_space<hbm>> -> memref<1x10000x128xf32, #tpu.memory_space<hbm>>
      %dma_start3A_264 = tpu.memref_squeeze %dma_start3A_263 : memref<1x10000x128xf32, #tpu.memory_space<hbm>> -> memref<10000x128xf32, #tpu.memory_space<hbm>>
      %dma_start3A_265 = arith.constant 0 : i32
      %dma_start3A_266 = arith.constant 0 : i32
      %dma_start3A_267 = tpu.memref_slice %dma_start3A_264[%dma_start3A_265, %dma_start3A_266] : memref<10000x128xf32, #tpu.memory_space<hbm>> -> memref<10000x128xf32, #tpu.memory_space<hbm>>
      tpu.enqueue_indirect_dma source(%dma_start3A_267 : memref<10000x128xf32, #tpu.memory_space<hbm>>) target(%arg10 : memref<128x128xf32, #tpu.memory_space<vmem>>) offsets(%dma_start3A_260 : memref<128xi32, #tpu.memory_space<vmem>>) semaphore(%arg13 : memref<!tpu.dma_semaphore, #tpu.memory_space<semaphore_mem>>)
    }
    %scan3A_134 = arith.constant 19 : i32
    %dma_wait3A_135 = arith.constant 38 : i32
    %dma_wait3A_136 = arith.constant 0 : i32
    %dma_wait3A_137 = tpu.memref_slice %arg7[%dma_wait3A_135, %dma_wait3A_136] : memref<40x128xi32, #tpu.memory_space<vmem>> -> memref<1x128xi32, #tpu.memory_space<vmem>>
    %dma_wait3A_138 = tpu.memref_squeeze %dma_wait3A_137 : memref<1x128xi32, #tpu.memory_space<vmem>> -> memref<128xi32, #tpu.memory_space<vmem>>
    %dma_wait3A_139 = arith.constant 0 : i32
    %dma_wait3A_140 = arith.constant 0 : i32
    %dma_wait3A_141 = tpu.memref_slice %arg2[%add3A_106, %dma_wait3A_139, %dma_wait3A_140] : memref<4x10000x128xf32, #tpu.memory_space<hbm>> -> memref<1x10000x128xf32, #tpu.memory_space<hbm>>
    %dma_wait3A_142 = tpu.memref_squeeze %dma_wait3A_141 : memref<1x10000x128xf32, #tpu.memory_space<hbm>> -> memref<10000x128xf32, #tpu.memory_space<hbm>>
    %dma_wait3A_143 = arith.constant 0 : i32
    %dma_wait3A_144 = arith.constant 0 : i32
    %dma_wait3A_145 = tpu.memref_slice %dma_wait3A_142[%dma_wait3A_143, %dma_wait3A_144] : memref<10000x128xf32, #tpu.memory_space<hbm>> -> memref<10000x128xf32, #tpu.memory_space<hbm>>
    tpu.wait_indirect_dma semaphore(%arg12 : memref<!tpu.dma_semaphore, #tpu.memory_space<semaphore_mem>>) src(%dma_wait3A_145 : memref<10000x128xf32, #tpu.memory_space<hbm>>) dst(%arg9 : memref<128x128xf32, #tpu.memory_space<vmem>>)
    %run_scoped3A_146 = arith.constant 38 : i32
    "tpu.region"() ({
      %run_scoped3A_211 = tpu.sem_alloc : memref<!tpu.dma_semaphore, #tpu.memory_space<semaphore_mem>>
      %dma_start3A_212 = arith.constant 0 : i32
      %dma_start3A_213 = tpu.memref_slice %arg8[%run_scoped3A_146, %dma_start3A_212] : memref<40x128xi32, #tpu.memory_space<vmem>> -> memref<1x128xi32, #tpu.memory_space<vmem>>
      %dma_start3A_214 = tpu.memref_squeeze %dma_start3A_213 : memref<1x128xi32, #tpu.memory_space<vmem>> -> memref<128xi32, #tpu.memory_space<vmem>>
      %dma_start3A_215 = arith.constant 0 : i32
      %dma_start3A_216 = arith.constant 0 : i32
      %dma_start3A_217 = tpu.memref_slice %arg11[%dma_start3A_215, %dma_start3A_216] : memref<10112x128xf32, #tpu.memory_space<vmem_shared>> -> memref<10112x128xf32, #tpu.memory_space<vmem_shared>>
      tpu.enqueue_indirect_dma source(%arg9 : memref<128x128xf32, #tpu.memory_space<vmem>>) target(%dma_start3A_217 : memref<10112x128xf32, #tpu.memory_space<vmem_shared>>) offsets(%dma_start3A_214 : memref<128xi32, #tpu.memory_space<vmem>>) semaphore(%run_scoped3A_211 : memref<!tpu.dma_semaphore, #tpu.memory_space<semaphore_mem>>) {add = true}
      %dma_wait3A_218 = arith.constant 0 : i32
      %dma_wait3A_219 = tpu.memref_slice %arg8[%run_scoped3A_146, %dma_wait3A_218] : memref<40x128xi32, #tpu.memory_space<vmem>> -> memref<1x128xi32, #tpu.memory_space<vmem>>
      %dma_wait3A_220 = tpu.memref_squeeze %dma_wait3A_219 : memref<1x128xi32, #tpu.memory_space<vmem>> -> memref<128xi32, #tpu.memory_space<vmem>>
      %dma_wait3A_221 = arith.constant 0 : i32
      %dma_wait3A_222 = arith.constant 0 : i32
      %dma_wait3A_223 = tpu.memref_slice %arg11[%dma_wait3A_221, %dma_wait3A_222] : memref<10112x128xf32, #tpu.memory_space<vmem_shared>> -> memref<10112x128xf32, #tpu.memory_space<vmem_shared>>
      tpu.wait_indirect_dma semaphore(%run_scoped3A_211 : memref<!tpu.dma_semaphore, #tpu.memory_space<semaphore_mem>>) src(%arg9 : memref<128x128xf32, #tpu.memory_space<vmem>>) dst(%dma_wait3A_223 : memref<10112x128xf32, #tpu.memory_space<vmem_shared>>)
      tpu.yield
    }) : () -> ()
    %dma_wait3A_147 = arith.constant 39 : i32
    %dma_wait3A_148 = arith.constant 0 : i32
    %dma_wait3A_149 = tpu.memref_slice %arg7[%dma_wait3A_147, %dma_wait3A_148] : memref<40x128xi32, #tpu.memory_space<vmem>> -> memref<1x128xi32, #tpu.memory_space<vmem>>
    %dma_wait3A_150 = tpu.memref_squeeze %dma_wait3A_149 : memref<1x128xi32, #tpu.memory_space<vmem>> -> memref<128xi32, #tpu.memory_space<vmem>>
    %dma_wait3A_151 = arith.constant 0 : i32
    %dma_wait3A_152 = arith.constant 0 : i32
    %dma_wait3A_153 = tpu.memref_slice %arg2[%add3A_106, %dma_wait3A_151, %dma_wait3A_152] : memref<4x10000x128xf32, #tpu.memory_space<hbm>> -> memref<1x10000x128xf32, #tpu.memory_space<hbm>>
    %dma_wait3A_154 = tpu.memref_squeeze %dma_wait3A_153 : memref<1x10000x128xf32, #tpu.memory_space<hbm>> -> memref<10000x128xf32, #tpu.memory_space<hbm>>
    %dma_wait3A_155 = arith.constant 0 : i32
    %dma_wait3A_156 = arith.constant 0 : i32
    %dma_wait3A_157 = tpu.memref_slice %dma_wait3A_154[%dma_wait3A_155, %dma_wait3A_156] : memref<10000x128xf32, #tpu.memory_space<hbm>> -> memref<10000x128xf32, #tpu.memory_space<hbm>>
    tpu.wait_indirect_dma semaphore(%arg13 : memref<!tpu.dma_semaphore, #tpu.memory_space<semaphore_mem>>) src(%dma_wait3A_157 : memref<10000x128xf32, #tpu.memory_space<hbm>>) dst(%arg10 : memref<128x128xf32, #tpu.memory_space<vmem>>)
    %run_scoped3A_158 = arith.constant 39 : i32
    "tpu.region"() ({
      %run_scoped3A_211 = tpu.sem_alloc : memref<!tpu.dma_semaphore, #tpu.memory_space<semaphore_mem>>
      %dma_start3A_212 = arith.constant 0 : i32
      %dma_start3A_213 = tpu.memref_slice %arg8[%run_scoped3A_158, %dma_start3A_212] : memref<40x128xi32, #tpu.memory_space<vmem>> -> memref<1x128xi32, #tpu.memory_space<vmem>>
      %dma_start3A_214 = tpu.memref_squeeze %dma_start3A_213 : memref<1x128xi32, #tpu.memory_space<vmem>> -> memref<128xi32, #tpu.memory_space<vmem>>
      %dma_start3A_215 = arith.constant 0 : i32
      %dma_start3A_216 = arith.constant 0 : i32
      %dma_start3A_217 = tpu.memref_slice %arg11[%dma_start3A_215, %dma_start3A_216] : memref<10112x128xf32, #tpu.memory_space<vmem_shared>> -> memref<10112x128xf32, #tpu.memory_space<vmem_shared>>
      tpu.enqueue_indirect_dma source(%arg10 : memref<128x128xf32, #tpu.memory_space<vmem>>) target(%dma_start3A_217 : memref<10112x128xf32, #tpu.memory_space<vmem_shared>>) offsets(%dma_start3A_214 : memref<128xi32, #tpu.memory_space<vmem>>) semaphore(%run_scoped3A_211 : memref<!tpu.dma_semaphore, #tpu.memory_space<semaphore_mem>>) {add = true}
      %dma_wait3A_218 = arith.constant 0 : i32
      %dma_wait3A_219 = tpu.memref_slice %arg8[%run_scoped3A_158, %dma_wait3A_218] : memref<40x128xi32, #tpu.memory_space<vmem>> -> memref<1x128xi32, #tpu.memory_space<vmem>>
      %dma_wait3A_220 = tpu.memref_squeeze %dma_wait3A_219 : memref<1x128xi32, #tpu.memory_space<vmem>> -> memref<128xi32, #tpu.memory_space<vmem>>
      %dma_wait3A_221 = arith.constant 0 : i32
      %dma_wait3A_222 = arith.constant 0 : i32
      %dma_wait3A_223 = tpu.memref_slice %arg11[%dma_wait3A_221, %dma_wait3A_222] : memref<10112x128xf32, #tpu.memory_space<vmem_shared>> -> memref<10112x128xf32, #tpu.memory_space<vmem_shared>>
      tpu.wait_indirect_dma semaphore(%run_scoped3A_211 : memref<!tpu.dma_semaphore, #tpu.memory_space<semaphore_mem>>) src(%arg10 : memref<128x128xf32, #tpu.memory_space<vmem>>) dst(%dma_wait3A_223 : memref<10112x128xf32, #tpu.memory_space<vmem_shared>>)
      tpu.yield
    }) : () -> ()
    "tpu.region"() ({
      %run_scoped3A_211 = tpu.sem_alloc : memref<!tpu.dma_semaphore, #tpu.memory_space<semaphore_mem>>
      %dma_start3A_212 = arith.constant 0 : i32
      %dma_start3A_213 = arith.constant 0 : i32
      %dma_start3A_214 = tpu.memref_slice %arg3[%arg1, %dma_start3A_212, %dma_start3A_213] : memref<16x80x128xi32, #tpu.memory_space<hbm>> -> memref<1x80x128xi32, #tpu.memory_space<hbm>>
      %dma_start3A_215 = tpu.memref_squeeze %dma_start3A_214 : memref<1x80x128xi32, #tpu.memory_space<hbm>> -> memref<80x128xi32, #tpu.memory_space<hbm>>
      %dma_start3A_216 = arith.constant 40 : i32
      %dma_start3A_217 = arith.constant 0 : i32
      %dma_start3A_218 = tpu.memref_slice %dma_start3A_215[%dma_start3A_216, %dma_start3A_217] : memref<80x128xi32, #tpu.memory_space<hbm>> -> memref<40x128xi32, #tpu.memory_space<hbm>>
      %dma_start3A_219 = arith.constant 0 : i32
      %dma_start3A_220 = arith.constant 0 : i32
      %dma_start3A_221 = tpu.memref_slice %arg3[%arg1, %dma_start3A_219, %dma_start3A_220] : memref<16x80x128xi32, #tpu.memory_space<hbm>> -> memref<1x80x128xi32, #tpu.memory_space<hbm>>
      %dma_start3A_222 = tpu.memref_squeeze %dma_start3A_221 : memref<1x80x128xi32, #tpu.memory_space<hbm>> -> memref<80x128xi32, #tpu.memory_space<hbm>>
      %dma_start3A_223 = arith.constant 40 : i32
      %dma_start3A_224 = arith.constant 0 : i32
      %dma_start3A_225 = tpu.memref_slice %dma_start3A_222[%dma_start3A_223, %dma_start3A_224] : memref<80x128xi32, #tpu.memory_space<hbm>> -> memref<40x128xi32, #tpu.memory_space<hbm>>
      tpu.enqueue_dma source(%dma_start3A_225 : memref<40x128xi32, #tpu.memory_space<hbm>>) target(%arg7 : memref<40x128xi32, #tpu.memory_space<vmem>>) target_semaphore(%run_scoped3A_211 : memref<!tpu.dma_semaphore, #tpu.memory_space<semaphore_mem>>)
      %dma_wait3A_226 = arith.constant 0 : i32
      %dma_wait3A_227 = arith.constant 0 : i32
      %dma_wait3A_228 = tpu.memref_slice %arg3[%arg1, %dma_wait3A_226, %dma_wait3A_227] : memref<16x80x128xi32, #tpu.memory_space<hbm>> -> memref<1x80x128xi32, #tpu.memory_space<hbm>>
      %dma_wait3A_229 = tpu.memref_squeeze %dma_wait3A_228 : memref<1x80x128xi32, #tpu.memory_space<hbm>> -> memref<80x128xi32, #tpu.memory_space<hbm>>
      %dma_wait3A_230 = arith.constant 40 : i32
      %dma_wait3A_231 = arith.constant 0 : i32
      %dma_wait3A_232 = tpu.memref_slice %dma_wait3A_229[%dma_wait3A_230, %dma_wait3A_231] : memref<80x128xi32, #tpu.memory_space<hbm>> -> memref<40x128xi32, #tpu.memory_space<hbm>>
      %dma_wait3A_233 = arith.constant 0 : i32
      %dma_wait3A_234 = arith.constant 0 : i32
      %dma_wait3A_235 = tpu.memref_slice %arg3[%arg1, %dma_wait3A_233, %dma_wait3A_234] : memref<16x80x128xi32, #tpu.memory_space<hbm>> -> memref<1x80x128xi32, #tpu.memory_space<hbm>>
      %dma_wait3A_236 = tpu.memref_squeeze %dma_wait3A_235 : memref<1x80x128xi32, #tpu.memory_space<hbm>> -> memref<80x128xi32, #tpu.memory_space<hbm>>
      %dma_wait3A_237 = arith.constant 40 : i32
      %dma_wait3A_238 = arith.constant 0 : i32
      %dma_wait3A_239 = tpu.memref_slice %dma_wait3A_236[%dma_wait3A_237, %dma_wait3A_238] : memref<80x128xi32, #tpu.memory_space<hbm>> -> memref<40x128xi32, #tpu.memory_space<hbm>>
      tpu.wait_dma2 semaphore(%run_scoped3A_211 : memref<!tpu.dma_semaphore, #tpu.memory_space<semaphore_mem>>) src(%dma_wait3A_239 : memref<40x128xi32, #tpu.memory_space<hbm>>) dst(%arg7 : memref<40x128xi32, #tpu.memory_space<vmem>>)
      tpu.yield
    }) : () -> ()
    "tpu.region"() ({
      %run_scoped3A_211 = tpu.sem_alloc : memref<!tpu.dma_semaphore, #tpu.memory_space<semaphore_mem>>
      %dma_start3A_212 = arith.constant 0 : i32
      %dma_start3A_213 = arith.constant 0 : i32
      %dma_start3A_214 = tpu.memref_slice %arg4[%arg1, %dma_start3A_212, %dma_start3A_213] : memref<16x80x128xi32, #tpu.memory_space<hbm>> -> memref<1x80x128xi32, #tpu.memory_space<hbm>>
      %dma_start3A_215 = tpu.memref_squeeze %dma_start3A_214 : memref<1x80x128xi32, #tpu.memory_space<hbm>> -> memref<80x128xi32, #tpu.memory_space<hbm>>
      %dma_start3A_216 = arith.constant 40 : i32
      %dma_start3A_217 = arith.constant 0 : i32
      %dma_start3A_218 = tpu.memref_slice %dma_start3A_215[%dma_start3A_216, %dma_start3A_217] : memref<80x128xi32, #tpu.memory_space<hbm>> -> memref<40x128xi32, #tpu.memory_space<hbm>>
      %dma_start3A_219 = arith.constant 0 : i32
      %dma_start3A_220 = arith.constant 0 : i32
      %dma_start3A_221 = tpu.memref_slice %arg4[%arg1, %dma_start3A_219, %dma_start3A_220] : memref<16x80x128xi32, #tpu.memory_space<hbm>> -> memref<1x80x128xi32, #tpu.memory_space<hbm>>
      %dma_start3A_222 = tpu.memref_squeeze %dma_start3A_221 : memref<1x80x128xi32, #tpu.memory_space<hbm>> -> memref<80x128xi32, #tpu.memory_space<hbm>>
      %dma_start3A_223 = arith.constant 40 : i32
      %dma_start3A_224 = arith.constant 0 : i32
      %dma_start3A_225 = tpu.memref_slice %dma_start3A_222[%dma_start3A_223, %dma_start3A_224] : memref<80x128xi32, #tpu.memory_space<hbm>> -> memref<40x128xi32, #tpu.memory_space<hbm>>
      tpu.enqueue_dma source(%dma_start3A_225 : memref<40x128xi32, #tpu.memory_space<hbm>>) target(%arg8 : memref<40x128xi32, #tpu.memory_space<vmem>>) target_semaphore(%run_scoped3A_211 : memref<!tpu.dma_semaphore, #tpu.memory_space<semaphore_mem>>)
      %dma_wait3A_226 = arith.constant 0 : i32
      %dma_wait3A_227 = arith.constant 0 : i32
      %dma_wait3A_228 = tpu.memref_slice %arg4[%arg1, %dma_wait3A_226, %dma_wait3A_227] : memref<16x80x128xi32, #tpu.memory_space<hbm>> -> memref<1x80x128xi32, #tpu.memory_space<hbm>>
      %dma_wait3A_229 = tpu.memref_squeeze %dma_wait3A_228 : memref<1x80x128xi32, #tpu.memory_space<hbm>> -> memref<80x128xi32, #tpu.memory_space<hbm>>
      %dma_wait3A_230 = arith.constant 40 : i32
      %dma_wait3A_231 = arith.constant 0 : i32
      %dma_wait3A_232 = tpu.memref_slice %dma_wait3A_229[%dma_wait3A_230, %dma_wait3A_231] : memref<80x128xi32, #tpu.memory_space<hbm>> -> memref<40x128xi32, #tpu.memory_space<hbm>>
      %dma_wait3A_233 = arith.constant 0 : i32
      %dma_wait3A_234 = arith.constant 0 : i32
      %dma_wait3A_235 = tpu.memref_slice %arg4[%arg1, %dma_wait3A_233, %dma_wait3A_234] : memref<16x80x128xi32, #tpu.memory_space<hbm>> -> memref<1x80x128xi32, #tpu.memory_space<hbm>>
      %dma_wait3A_236 = tpu.memref_squeeze %dma_wait3A_235 : memref<1x80x128xi32, #tpu.memory_space<hbm>> -> memref<80x128xi32, #tpu.memory_space<hbm>>
      %dma_wait3A_237 = arith.constant 40 : i32
      %dma_wait3A_238 = arith.constant 0 : i32
      %dma_wait3A_239 = tpu.memref_slice %dma_wait3A_236[%dma_wait3A_237, %dma_wait3A_238] : memref<80x128xi32, #tpu.memory_space<hbm>> -> memref<40x128xi32, #tpu.memory_space<hbm>>
      tpu.wait_dma2 semaphore(%run_scoped3A_211 : memref<!tpu.dma_semaphore, #tpu.memory_space<semaphore_mem>>) src(%dma_wait3A_239 : memref<40x128xi32, #tpu.memory_space<hbm>>) dst(%arg8 : memref<40x128xi32, #tpu.memory_space<vmem>>)
      tpu.yield
    }) : () -> ()
    %dma_start3A_159 = arith.constant 0 : i32
    %dma_start3A_160 = arith.constant 0 : i32
    %dma_start3A_161 = tpu.memref_slice %arg7[%dma_start3A_159, %dma_start3A_160] : memref<40x128xi32, #tpu.memory_space<vmem>> -> memref<1x128xi32, #tpu.memory_space<vmem>>
    %dma_start3A_162 = tpu.memref_squeeze %dma_start3A_161 : memref<1x128xi32, #tpu.memory_space<vmem>> -> memref<128xi32, #tpu.memory_space<vmem>>
    %dma_start3A_163 = arith.constant 0 : i32
    %dma_start3A_164 = arith.constant 0 : i32
    %dma_start3A_165 = tpu.memref_slice %arg2[%add3A_106, %dma_start3A_163, %dma_start3A_164] : memref<4x10000x128xf32, #tpu.memory_space<hbm>> -> memref<1x10000x128xf32, #tpu.memory_space<hbm>>
    %dma_start3A_166 = tpu.memref_squeeze %dma_start3A_165 : memref<1x10000x128xf32, #tpu.memory_space<hbm>> -> memref<10000x128xf32, #tpu.memory_space<hbm>>
    %dma_start3A_167 = arith.constant 0 : i32
    %dma_start3A_168 = arith.constant 0 : i32
    %dma_start3A_169 = tpu.memref_slice %dma_start3A_166[%dma_start3A_167, %dma_start3A_168] : memref<10000x128xf32, #tpu.memory_space<hbm>> -> memref<10000x128xf32, #tpu.memory_space<hbm>>
    tpu.enqueue_indirect_dma source(%dma_start3A_169 : memref<10000x128xf32, #tpu.memory_space<hbm>>) target(%arg9 : memref<128x128xf32, #tpu.memory_space<vmem>>) offsets(%dma_start3A_162 : memref<128xi32, #tpu.memory_space<vmem>>) semaphore(%arg12 : memref<!tpu.dma_semaphore, #tpu.memory_space<semaphore_mem>>)
    %dma_start3A_170 = arith.constant 1 : i32
    %dma_start3A_171 = arith.constant 0 : i32
    %dma_start3A_172 = tpu.memref_slice %arg7[%dma_start3A_170, %dma_start3A_171] : memref<40x128xi32, #tpu.memory_space<vmem>> -> memref<1x128xi32, #tpu.memory_space<vmem>>
    %dma_start3A_173 = tpu.memref_squeeze %dma_start3A_172 : memref<1x128xi32, #tpu.memory_space<vmem>> -> memref<128xi32, #tpu.memory_space<vmem>>
    %dma_start3A_174 = arith.constant 0 : i32
    %dma_start3A_175 = arith.constant 0 : i32
    %dma_start3A_176 = tpu.memref_slice %arg2[%add3A_106, %dma_start3A_174, %dma_start3A_175] : memref<4x10000x128xf32, #tpu.memory_space<hbm>> -> memref<1x10000x128xf32, #tpu.memory_space<hbm>>
    %dma_start3A_177 = tpu.memref_squeeze %dma_start3A_176 : memref<1x10000x128xf32, #tpu.memory_space<hbm>> -> memref<10000x128xf32, #tpu.memory_space<hbm>>
    %dma_start3A_178 = arith.constant 0 : i32
    %dma_start3A_179 = arith.constant 0 : i32
    %dma_start3A_180 = tpu.memref_slice %dma_start3A_177[%dma_start3A_178, %dma_start3A_179] : memref<10000x128xf32, #tpu.memory_space<hbm>> -> memref<10000x128xf32, #tpu.memory_space<hbm>>
    tpu.enqueue_indirect_dma source(%dma_start3A_180 : memref<10000x128xf32, #tpu.memory_space<hbm>>) target(%arg10 : memref<128x128xf32, #tpu.memory_space<vmem>>) offsets(%dma_start3A_173 : memref<128xi32, #tpu.memory_space<vmem>>) semaphore(%arg13 : memref<!tpu.dma_semaphore, #tpu.memory_space<semaphore_mem>>)
    %scan3A_181 = arith.constant 0 : i32
    %scan3A_182 = arith.constant 19 : i32
    %scan3A_183 = arith.addi %scan3A_181, %scan3A_182 : i32
    %scan3A_184 = arith.constant 1 : i32
    scf.for %scan3A_211 = %scan3A_181 to %scan3A_183 step %scan3A_184  : i32 {
      %mul3A_212 = arith.constant 1 : i32
      %mul3A_213 = arith.muli %scan3A_211, %mul3A_212 : i32
      %add3A_214 = arith.constant 0 : i32
      %add3A_215 = arith.addi %add3A_214, %mul3A_213 : i32
      %mul3A_216 = arith.constant 2 : i32
      %mul3A_217 = arith.muli %mul3A_216, %add3A_215 : i32
      %add3A_218 = arith.constant 0 : i32
      %add3A_219 = arith.addi %mul3A_217, %add3A_218 : i32
      %dma_wait3A_220 = arith.constant 0 : i32
      %dma_wait3A_221 = tpu.memref_slice %arg7[%add3A_219, %dma_wait3A_220] : memref<40x128xi32, #tpu.memory_space<vmem>> -> memref<1x128xi32, #tpu.memory_space<vmem>>
      %dma_wait3A_222 = tpu.memref_squeeze %dma_wait3A_221 : memref<1x128xi32, #tpu.memory_space<vmem>> -> memref<128xi32, #tpu.memory_space<vmem>>
      %dma_wait3A_223 = arith.constant 0 : i32
      %dma_wait3A_224 = arith.constant 0 : i32
      %dma_wait3A_225 = tpu.memref_slice %arg2[%add3A_106, %dma_wait3A_223, %dma_wait3A_224] : memref<4x10000x128xf32, #tpu.memory_space<hbm>> -> memref<1x10000x128xf32, #tpu.memory_space<hbm>>
      %dma_wait3A_226 = tpu.memref_squeeze %dma_wait3A_225 : memref<1x10000x128xf32, #tpu.memory_space<hbm>> -> memref<10000x128xf32, #tpu.memory_space<hbm>>
      %dma_wait3A_227 = arith.constant 0 : i32
      %dma_wait3A_228 = arith.constant 0 : i32
      %dma_wait3A_229 = tpu.memref_slice %dma_wait3A_226[%dma_wait3A_227, %dma_wait3A_228] : memref<10000x128xf32, #tpu.memory_space<hbm>> -> memref<10000x128xf32, #tpu.memory_space<hbm>>
      tpu.wait_indirect_dma semaphore(%arg12 : memref<!tpu.dma_semaphore, #tpu.memory_space<semaphore_mem>>) src(%dma_wait3A_229 : memref<10000x128xf32, #tpu.memory_space<hbm>>) dst(%arg9 : memref<128x128xf32, #tpu.memory_space<vmem>>)
      "tpu.region"() ({
        %run_scoped3A_268 = tpu.sem_alloc : memref<!tpu.dma_semaphore, #tpu.memory_space<semaphore_mem>>
        %dma_start3A_269 = arith.constant 0 : i32
        %dma_start3A_270 = tpu.memref_slice %arg8[%add3A_219, %dma_start3A_269] : memref<40x128xi32, #tpu.memory_space<vmem>> -> memref<1x128xi32, #tpu.memory_space<vmem>>
        %dma_start3A_271 = tpu.memref_squeeze %dma_start3A_270 : memref<1x128xi32, #tpu.memory_space<vmem>> -> memref<128xi32, #tpu.memory_space<vmem>>
        %dma_start3A_272 = arith.constant 0 : i32
        %dma_start3A_273 = arith.constant 0 : i32
        %dma_start3A_274 = tpu.memref_slice %arg11[%dma_start3A_272, %dma_start3A_273] : memref<10112x128xf32, #tpu.memory_space<vmem_shared>> -> memref<10112x128xf32, #tpu.memory_space<vmem_shared>>
        tpu.enqueue_indirect_dma source(%arg9 : memref<128x128xf32, #tpu.memory_space<vmem>>) target(%dma_start3A_274 : memref<10112x128xf32, #tpu.memory_space<vmem_shared>>) offsets(%dma_start3A_271 : memref<128xi32, #tpu.memory_space<vmem>>) semaphore(%run_scoped3A_268 : memref<!tpu.dma_semaphore, #tpu.memory_space<semaphore_mem>>) {add = true}
        %dma_wait3A_275 = arith.constant 0 : i32
        %dma_wait3A_276 = tpu.memref_slice %arg8[%add3A_219, %dma_wait3A_275] : memref<40x128xi32, #tpu.memory_space<vmem>> -> memref<1x128xi32, #tpu.memory_space<vmem>>
        %dma_wait3A_277 = tpu.memref_squeeze %dma_wait3A_276 : memref<1x128xi32, #tpu.memory_space<vmem>> -> memref<128xi32, #tpu.memory_space<vmem>>
        %dma_wait3A_278 = arith.constant 0 : i32
        %dma_wait3A_279 = arith.constant 0 : i32
        %dma_wait3A_280 = tpu.memref_slice %arg11[%dma_wait3A_278, %dma_wait3A_279] : memref<10112x128xf32, #tpu.memory_space<vmem_shared>> -> memref<10112x128xf32, #tpu.memory_space<vmem_shared>>
        tpu.wait_indirect_dma semaphore(%run_scoped3A_268 : memref<!tpu.dma_semaphore, #tpu.memory_space<semaphore_mem>>) src(%arg9 : memref<128x128xf32, #tpu.memory_space<vmem>>) dst(%dma_wait3A_280 : memref<10112x128xf32, #tpu.memory_space<vmem_shared>>)
        tpu.yield
      }) : () -> ()
      %add3A_230 = arith.constant 2 : i32
      %add3A_231 = arith.addi %add3A_219, %add3A_230 : i32
      %dma_start3A_232 = arith.constant 0 : i32
      %dma_start3A_233 = tpu.memref_slice %arg7[%add3A_231, %dma_start3A_232] : memref<40x128xi32, #tpu.memory_space<vmem>> -> memref<1x128xi32, #tpu.memory_space<vmem>>
      %dma_start3A_234 = tpu.memref_squeeze %dma_start3A_233 : memref<1x128xi32, #tpu.memory_space<vmem>> -> memref<128xi32, #tpu.memory_space<vmem>>
      %dma_start3A_235 = arith.constant 0 : i32
      %dma_start3A_236 = arith.constant 0 : i32
      %dma_start3A_237 = tpu.memref_slice %arg2[%add3A_106, %dma_start3A_235, %dma_start3A_236] : memref<4x10000x128xf32, #tpu.memory_space<hbm>> -> memref<1x10000x128xf32, #tpu.memory_space<hbm>>
      %dma_start3A_238 = tpu.memref_squeeze %dma_start3A_237 : memref<1x10000x128xf32, #tpu.memory_space<hbm>> -> memref<10000x128xf32, #tpu.memory_space<hbm>>
      %dma_start3A_239 = arith.constant 0 : i32
      %dma_start3A_240 = arith.constant 0 : i32
      %dma_start3A_241 = tpu.memref_slice %dma_start3A_238[%dma_start3A_239, %dma_start3A_240] : memref<10000x128xf32, #tpu.memory_space<hbm>> -> memref<10000x128xf32, #tpu.memory_space<hbm>>
      tpu.enqueue_indirect_dma source(%dma_start3A_241 : memref<10000x128xf32, #tpu.memory_space<hbm>>) target(%arg9 : memref<128x128xf32, #tpu.memory_space<vmem>>) offsets(%dma_start3A_234 : memref<128xi32, #tpu.memory_space<vmem>>) semaphore(%arg12 : memref<!tpu.dma_semaphore, #tpu.memory_space<semaphore_mem>>)
      %mul3A_242 = arith.constant 2 : i32
      %mul3A_243 = arith.muli %mul3A_242, %add3A_215 : i32
      %add3A_244 = arith.constant 1 : i32
      %add3A_245 = arith.addi %mul3A_243, %add3A_244 : i32
      %dma_wait3A_246 = arith.constant 0 : i32
      %dma_wait3A_247 = tpu.memref_slice %arg7[%add3A_245, %dma_wait3A_246] : memref<40x128xi32, #tpu.memory_space<vmem>> -> memref<1x128xi32, #tpu.memory_space<vmem>>
      %dma_wait3A_248 = tpu.memref_squeeze %dma_wait3A_247 : memref<1x128xi32, #tpu.memory_space<vmem>> -> memref<128xi32, #tpu.memory_space<vmem>>
      %dma_wait3A_249 = arith.constant 0 : i32
      %dma_wait3A_250 = arith.constant 0 : i32
      %dma_wait3A_251 = tpu.memref_slice %arg2[%add3A_106, %dma_wait3A_249, %dma_wait3A_250] : memref<4x10000x128xf32, #tpu.memory_space<hbm>> -> memref<1x10000x128xf32, #tpu.memory_space<hbm>>
      %dma_wait3A_252 = tpu.memref_squeeze %dma_wait3A_251 : memref<1x10000x128xf32, #tpu.memory_space<hbm>> -> memref<10000x128xf32, #tpu.memory_space<hbm>>
      %dma_wait3A_253 = arith.constant 0 : i32
      %dma_wait3A_254 = arith.constant 0 : i32
      %dma_wait3A_255 = tpu.memref_slice %dma_wait3A_252[%dma_wait3A_253, %dma_wait3A_254] : memref<10000x128xf32, #tpu.memory_space<hbm>> -> memref<10000x128xf32, #tpu.memory_space<hbm>>
      tpu.wait_indirect_dma semaphore(%arg13 : memref<!tpu.dma_semaphore, #tpu.memory_space<semaphore_mem>>) src(%dma_wait3A_255 : memref<10000x128xf32, #tpu.memory_space<hbm>>) dst(%arg10 : memref<128x128xf32, #tpu.memory_space<vmem>>)
      "tpu.region"() ({
        %run_scoped3A_268 = tpu.sem_alloc : memref<!tpu.dma_semaphore, #tpu.memory_space<semaphore_mem>>
        %dma_start3A_269 = arith.constant 0 : i32
        %dma_start3A_270 = tpu.memref_slice %arg8[%add3A_245, %dma_start3A_269] : memref<40x128xi32, #tpu.memory_space<vmem>> -> memref<1x128xi32, #tpu.memory_space<vmem>>
        %dma_start3A_271 = tpu.memref_squeeze %dma_start3A_270 : memref<1x128xi32, #tpu.memory_space<vmem>> -> memref<128xi32, #tpu.memory_space<vmem>>
        %dma_start3A_272 = arith.constant 0 : i32
        %dma_start3A_273 = arith.constant 0 : i32
        %dma_start3A_274 = tpu.memref_slice %arg11[%dma_start3A_272, %dma_start3A_273] : memref<10112x128xf32, #tpu.memory_space<vmem_shared>> -> memref<10112x128xf32, #tpu.memory_space<vmem_shared>>
        tpu.enqueue_indirect_dma source(%arg10 : memref<128x128xf32, #tpu.memory_space<vmem>>) target(%dma_start3A_274 : memref<10112x128xf32, #tpu.memory_space<vmem_shared>>) offsets(%dma_start3A_271 : memref<128xi32, #tpu.memory_space<vmem>>) semaphore(%run_scoped3A_268 : memref<!tpu.dma_semaphore, #tpu.memory_space<semaphore_mem>>) {add = true}
        %dma_wait3A_275 = arith.constant 0 : i32
        %dma_wait3A_276 = tpu.memref_slice %arg8[%add3A_245, %dma_wait3A_275] : memref<40x128xi32, #tpu.memory_space<vmem>> -> memref<1x128xi32, #tpu.memory_space<vmem>>
        %dma_wait3A_277 = tpu.memref_squeeze %dma_wait3A_276 : memref<1x128xi32, #tpu.memory_space<vmem>> -> memref<128xi32, #tpu.memory_space<vmem>>
        %dma_wait3A_278 = arith.constant 0 : i32
        %dma_wait3A_279 = arith.constant 0 : i32
        %dma_wait3A_280 = tpu.memref_slice %arg11[%dma_wait3A_278, %dma_wait3A_279] : memref<10112x128xf32, #tpu.memory_space<vmem_shared>> -> memref<10112x128xf32, #tpu.memory_space<vmem_shared>>
        tpu.wait_indirect_dma semaphore(%run_scoped3A_268 : memref<!tpu.dma_semaphore, #tpu.memory_space<semaphore_mem>>) src(%arg10 : memref<128x128xf32, #tpu.memory_space<vmem>>) dst(%dma_wait3A_280 : memref<10112x128xf32, #tpu.memory_space<vmem_shared>>)
        tpu.yield
      }) : () -> ()
      %add3A_256 = arith.constant 2 : i32
      %add3A_257 = arith.addi %add3A_245, %add3A_256 : i32
      %dma_start3A_258 = arith.constant 0 : i32
      %dma_start3A_259 = tpu.memref_slice %arg7[%add3A_257, %dma_start3A_258] : memref<40x128xi32, #tpu.memory_space<vmem>> -> memref<1x128xi32, #tpu.memory_space<vmem>>
      %dma_start3A_260 = tpu.memref_squeeze %dma_start3A_259 : memref<1x128xi32, #tpu.memory_space<vmem>> -> memref<128xi32, #tpu.memory_space<vmem>>
      %dma_start3A_261 = arith.constant 0 : i32
      %dma_start3A_262 = arith.constant 0 : i32
      %dma_start3A_263 = tpu.memref_slice %arg2[%add3A_106, %dma_start3A_261, %dma_start3A_262] : memref<4x10000x128xf32, #tpu.memory_space<hbm>> -> memref<1x10000x128xf32, #tpu.memory_space<hbm>>
      %dma_start3A_264 = tpu.memref_squeeze %dma_start3A_263 : memref<1x10000x128xf32, #tpu.memory_space<hbm>> -> memref<10000x128xf32, #tpu.memory_space<hbm>>
      %dma_start3A_265 = arith.constant 0 : i32
      %dma_start3A_266 = arith.constant 0 : i32
      %dma_start3A_267 = tpu.memref_slice %dma_start3A_264[%dma_start3A_265, %dma_start3A_266] : memref<10000x128xf32, #tpu.memory_space<hbm>> -> memref<10000x128xf32, #tpu.memory_space<hbm>>
      tpu.enqueue_indirect_dma source(%dma_start3A_267 : memref<10000x128xf32, #tpu.memory_space<hbm>>) target(%arg10 : memref<128x128xf32, #tpu.memory_space<vmem>>) offsets(%dma_start3A_260 : memref<128xi32, #tpu.memory_space<vmem>>) semaphore(%arg13 : memref<!tpu.dma_semaphore, #tpu.memory_space<semaphore_mem>>)
    }
    %scan3A_185 = arith.constant 19 : i32
    %dma_wait3A_186 = arith.constant 38 : i32
    %dma_wait3A_187 = arith.constant 0 : i32
    %dma_wait3A_188 = tpu.memref_slice %arg7[%dma_wait3A_186, %dma_wait3A_187] : memref<40x128xi32, #tpu.memory_space<vmem>> -> memref<1x128xi32, #tpu.memory_space<vmem>>
    %dma_wait3A_189 = tpu.memref_squeeze %dma_wait3A_188 : memref<1x128xi32, #tpu.memory_space<vmem>> -> memref<128xi32, #tpu.memory_space<vmem>>
    %dma_wait3A_190 = arith.constant 0 : i32
    %dma_wait3A_191 = arith.constant 0 : i32
    %dma_wait3A_192 = tpu.memref_slice %arg2[%add3A_106, %dma_wait3A_190, %dma_wait3A_191] : memref<4x10000x128xf32, #tpu.memory_space<hbm>> -> memref<1x10000x128xf32, #tpu.memory_space<hbm>>
    %dma_wait3A_193 = tpu.memref_squeeze %dma_wait3A_192 : memref<1x10000x128xf32, #tpu.memory_space<hbm>> -> memref<10000x128xf32, #tpu.memory_space<hbm>>
    %dma_wait3A_194 = arith.constant 0 : i32
    %dma_wait3A_195 = arith.constant 0 : i32
    %dma_wait3A_196 = tpu.memref_slice %dma_wait3A_193[%dma_wait3A_194, %dma_wait3A_195] : memref<10000x128xf32, #tpu.memory_space<hbm>> -> memref<10000x128xf32, #tpu.memory_space<hbm>>
    tpu.wait_indirect_dma semaphore(%arg12 : memref<!tpu.dma_semaphore, #tpu.memory_space<semaphore_mem>>) src(%dma_wait3A_196 : memref<10000x128xf32, #tpu.memory_space<hbm>>) dst(%arg9 : memref<128x128xf32, #tpu.memory_space<vmem>>)
    %run_scoped3A_197 = arith.constant 38 : i32
    "tpu.region"() ({
      %run_scoped3A_211 = tpu.sem_alloc : memref<!tpu.dma_semaphore, #tpu.memory_space<semaphore_mem>>
      %dma_start3A_212 = arith.constant 0 : i32
      %dma_start3A_213 = tpu.memref_slice %arg8[%run_scoped3A_197, %dma_start3A_212] : memref<40x128xi32, #tpu.memory_space<vmem>> -> memref<1x128xi32, #tpu.memory_space<vmem>>
      %dma_start3A_214 = tpu.memref_squeeze %dma_start3A_213 : memref<1x128xi32, #tpu.memory_space<vmem>> -> memref<128xi32, #tpu.memory_space<vmem>>
      %dma_start3A_215 = arith.constant 0 : i32
      %dma_start3A_216 = arith.constant 0 : i32
      %dma_start3A_217 = tpu.memref_slice %arg11[%dma_start3A_215, %dma_start3A_216] : memref<10112x128xf32, #tpu.memory_space<vmem_shared>> -> memref<10112x128xf32, #tpu.memory_space<vmem_shared>>
      tpu.enqueue_indirect_dma source(%arg9 : memref<128x128xf32, #tpu.memory_space<vmem>>) target(%dma_start3A_217 : memref<10112x128xf32, #tpu.memory_space<vmem_shared>>) offsets(%dma_start3A_214 : memref<128xi32, #tpu.memory_space<vmem>>) semaphore(%run_scoped3A_211 : memref<!tpu.dma_semaphore, #tpu.memory_space<semaphore_mem>>) {add = true}
      %dma_wait3A_218 = arith.constant 0 : i32
      %dma_wait3A_219 = tpu.memref_slice %arg8[%run_scoped3A_197, %dma_wait3A_218] : memref<40x128xi32, #tpu.memory_space<vmem>> -> memref<1x128xi32, #tpu.memory_space<vmem>>
      %dma_wait3A_220 = tpu.memref_squeeze %dma_wait3A_219 : memref<1x128xi32, #tpu.memory_space<vmem>> -> memref<128xi32, #tpu.memory_space<vmem>>
      %dma_wait3A_221 = arith.constant 0 : i32
      %dma_wait3A_222 = arith.constant 0 : i32
      %dma_wait3A_223 = tpu.memref_slice %arg11[%dma_wait3A_221, %dma_wait3A_222] : memref<10112x128xf32, #tpu.memory_space<vmem_shared>> -> memref<10112x128xf32, #tpu.memory_space<vmem_shared>>
      tpu.wait_indirect_dma semaphore(%run_scoped3A_211 : memref<!tpu.dma_semaphore, #tpu.memory_space<semaphore_mem>>) src(%arg9 : memref<128x128xf32, #tpu.memory_space<vmem>>) dst(%dma_wait3A_223 : memref<10112x128xf32, #tpu.memory_space<vmem_shared>>)
      tpu.yield
    }) : () -> ()
    %dma_wait3A_198 = arith.constant 39 : i32
    %dma_wait3A_199 = arith.constant 0 : i32
    %dma_wait3A_200 = tpu.memref_slice %arg7[%dma_wait3A_198, %dma_wait3A_199] : memref<40x128xi32, #tpu.memory_space<vmem>> -> memref<1x128xi32, #tpu.memory_space<vmem>>
    %dma_wait3A_201 = tpu.memref_squeeze %dma_wait3A_200 : memref<1x128xi32, #tpu.memory_space<vmem>> -> memref<128xi32, #tpu.memory_space<vmem>>
    %dma_wait3A_202 = arith.constant 0 : i32
    %dma_wait3A_203 = arith.constant 0 : i32
    %dma_wait3A_204 = tpu.memref_slice %arg2[%add3A_106, %dma_wait3A_202, %dma_wait3A_203] : memref<4x10000x128xf32, #tpu.memory_space<hbm>> -> memref<1x10000x128xf32, #tpu.memory_space<hbm>>
    %dma_wait3A_205 = tpu.memref_squeeze %dma_wait3A_204 : memref<1x10000x128xf32, #tpu.memory_space<hbm>> -> memref<10000x128xf32, #tpu.memory_space<hbm>>
    %dma_wait3A_206 = arith.constant 0 : i32
    %dma_wait3A_207 = arith.constant 0 : i32
    %dma_wait3A_208 = tpu.memref_slice %dma_wait3A_205[%dma_wait3A_206, %dma_wait3A_207] : memref<10000x128xf32, #tpu.memory_space<hbm>> -> memref<10000x128xf32, #tpu.memory_space<hbm>>
    tpu.wait_indirect_dma semaphore(%arg13 : memref<!tpu.dma_semaphore, #tpu.memory_space<semaphore_mem>>) src(%dma_wait3A_208 : memref<10000x128xf32, #tpu.memory_space<hbm>>) dst(%arg10 : memref<128x128xf32, #tpu.memory_space<vmem>>)
    %run_scoped3A_209 = arith.constant 39 : i32
    "tpu.region"() ({
      %run_scoped3A_211 = tpu.sem_alloc : memref<!tpu.dma_semaphore, #tpu.memory_space<semaphore_mem>>
      %dma_start3A_212 = arith.constant 0 : i32
      %dma_start3A_213 = tpu.memref_slice %arg8[%run_scoped3A_209, %dma_start3A_212] : memref<40x128xi32, #tpu.memory_space<vmem>> -> memref<1x128xi32, #tpu.memory_space<vmem>>
      %dma_start3A_214 = tpu.memref_squeeze %dma_start3A_213 : memref<1x128xi32, #tpu.memory_space<vmem>> -> memref<128xi32, #tpu.memory_space<vmem>>
      %dma_start3A_215 = arith.constant 0 : i32
      %dma_start3A_216 = arith.constant 0 : i32
      %dma_start3A_217 = tpu.memref_slice %arg11[%dma_start3A_215, %dma_start3A_216] : memref<10112x128xf32, #tpu.memory_space<vmem_shared>> -> memref<10112x128xf32, #tpu.memory_space<vmem_shared>>
      tpu.enqueue_indirect_dma source(%arg10 : memref<128x128xf32, #tpu.memory_space<vmem>>) target(%dma_start3A_217 : memref<10112x128xf32, #tpu.memory_space<vmem_shared>>) offsets(%dma_start3A_214 : memref<128xi32, #tpu.memory_space<vmem>>) semaphore(%run_scoped3A_211 : memref<!tpu.dma_semaphore, #tpu.memory_space<semaphore_mem>>) {add = true}
      %dma_wait3A_218 = arith.constant 0 : i32
      %dma_wait3A_219 = tpu.memref_slice %arg8[%run_scoped3A_209, %dma_wait3A_218] : memref<40x128xi32, #tpu.memory_space<vmem>> -> memref<1x128xi32, #tpu.memory_space<vmem>>
      %dma_wait3A_220 = tpu.memref_squeeze %dma_wait3A_219 : memref<1x128xi32, #tpu.memory_space<vmem>> -> memref<128xi32, #tpu.memory_space<vmem>>
      %dma_wait3A_221 = arith.constant 0 : i32
      %dma_wait3A_222 = arith.constant 0 : i32
      %dma_wait3A_223 = tpu.memref_slice %arg11[%dma_wait3A_221, %dma_wait3A_222] : memref<10112x128xf32, #tpu.memory_space<vmem_shared>> -> memref<10112x128xf32, #tpu.memory_space<vmem_shared>>
      tpu.wait_indirect_dma semaphore(%run_scoped3A_211 : memref<!tpu.dma_semaphore, #tpu.memory_space<semaphore_mem>>) src(%arg10 : memref<128x128xf32, #tpu.memory_space<vmem>>) dst(%dma_wait3A_223 : memref<10112x128xf32, #tpu.memory_space<vmem_shared>>)
      tpu.yield
    }) : () -> ()
    %barrier3A_210 = arith.constant 0 : index
    tpu.barrier barrier_id(%barrier3A_210)
    "tpu.region"() ({
      %run_scoped3A_211 = tpu.sem_alloc : memref<!tpu.dma_semaphore, #tpu.memory_space<semaphore_mem>>
      %dma_start3A_212 = arith.constant 0 : i32
      %dma_start3A_213 = arith.constant 0 : i32
      %dma_start3A_214 = tpu.memref_slice %arg6[%add3A_106, %dma_start3A_212, %dma_start3A_213] : memref<4x10112x128xf32, #tpu.memory_space<hbm>> -> memref<1x10112x128xf32, #tpu.memory_space<hbm>>
      %dma_start3A_215 = tpu.memref_squeeze %dma_start3A_214 : memref<1x10112x128xf32, #tpu.memory_space<hbm>> -> memref<10112x128xf32, #tpu.memory_space<hbm>>
      %dma_start3A_216 = arith.constant 0 : i32
      %dma_start3A_217 = tpu.memref_slice %dma_start3A_215[%mul3A_0, %dma_start3A_216] : memref<10112x128xf32, #tpu.memory_space<hbm>> -> memref<632x128xf32, #tpu.memory_space<hbm>>
      %dma_start3A_218 = arith.constant 0 : i32
      %dma_start3A_219 = tpu.memref_slice %arg11[%mul3A_0, %dma_start3A_218] : memref<10112x128xf32, #tpu.memory_space<vmem_shared>> -> memref<632x128xf32, #tpu.memory_space<vmem_shared>>
      tpu.enqueue_dma source(%dma_start3A_219 : memref<632x128xf32, #tpu.memory_space<vmem_shared>>) target(%dma_start3A_217 : memref<632x128xf32, #tpu.memory_space<hbm>>) target_semaphore(%run_scoped3A_211 : memref<!tpu.dma_semaphore, #tpu.memory_space<semaphore_mem>>)
      %dma_wait3A_220 = arith.constant 0 : i32
      %dma_wait3A_221 = arith.constant 0 : i32
      %dma_wait3A_222 = tpu.memref_slice %arg6[%add3A_106, %dma_wait3A_220, %dma_wait3A_221] : memref<4x10112x128xf32, #tpu.memory_space<hbm>> -> memref<1x10112x128xf32, #tpu.memory_space<hbm>>
      %dma_wait3A_223 = tpu.memref_squeeze %dma_wait3A_222 : memref<1x10112x128xf32, #tpu.memory_space<hbm>> -> memref<10112x128xf32, #tpu.memory_space<hbm>>
      %dma_wait3A_224 = arith.constant 0 : i32
      %dma_wait3A_225 = tpu.memref_slice %dma_wait3A_223[%mul3A_0, %dma_wait3A_224] : memref<10112x128xf32, #tpu.memory_space<hbm>> -> memref<632x128xf32, #tpu.memory_space<hbm>>
      %dma_wait3A_226 = arith.constant 0 : i32
      %dma_wait3A_227 = tpu.memref_slice %arg11[%mul3A_0, %dma_wait3A_226] : memref<10112x128xf32, #tpu.memory_space<vmem_shared>> -> memref<632x128xf32, #tpu.memory_space<vmem_shared>>
      tpu.wait_dma2 semaphore(%run_scoped3A_211 : memref<!tpu.dma_semaphore, #tpu.memory_space<semaphore_mem>>) src(%dma_wait3A_227 : memref<632x128xf32, #tpu.memory_space<vmem_shared>>) dst(%dma_wait3A_225 : memref<632x128xf32, #tpu.memory_space<hbm>>)
      tpu.yield
    }) : () -> ()
    return
  }
}

#map = affine_map<(d0, d1) -> (0, 0, 0)>
#map1 = affine_map<(d0, d1) -> (0, 0)>
module attributes {stable_mosaic.version = 14 : i64} {
  func.func @k(%arg0: i32, %arg1: i32, %arg2: memref<16x80x128xi32, #tpu.memory_space<hbm>>, %arg3: memref<128x128xf32, #tpu.memory_space<hbm>>, %arg4: memref<632x128xf32, #tpu.memory_space<hbm>>, %arg5: memref<2x10112x128xf32, #tpu.memory_space<hbm>>, %arg6: memref<80x128xi32, #tpu.memory_space<vmem>>, %arg7: memref<128x128xf32, #tpu.memory_space<vmem>>, %arg8: memref<10112x128xf32, #tpu.memory_space<vmem_shared>>, %arg9: memref<!tpu.dma_semaphore, #tpu.memory_space<semaphore_mem>>) attributes {dimension_semantics = [#tpu.dimension_semantics<core_parallel>, #tpu.dimension_semantics<subcore_parallel>], iteration_bounds = array<i64: 2, 16>, scalar_prefetch = 0 : i64, scratch_operands = 4 : i64, tpu.core_type = #tpu.core_type<sc_vector_subcore>, window_params = [{transform_indices = #map}, {transform_indices = #map1}, {transform_indices = #map1}, {transform_indices = #map}]} {
    %mul3A = arith.constant 632 : i32
    %mul3A_0 = arith.muli %arg1, %mul3A : i32
    "tpu.region"() ({
      %run_scoped3A = tpu.sem_alloc : memref<!tpu.dma_semaphore, #tpu.memory_space<semaphore_mem>>
      %dma_start3A = arith.constant 0 : i32
      %dma_start3A_11 = arith.constant 0 : i32
      %dma_start3A_12 = tpu.memref_slice %arg2[%arg1, %dma_start3A, %dma_start3A_11] : memref<16x80x128xi32, #tpu.memory_space<hbm>> -> memref<1x80x128xi32, #tpu.memory_space<hbm>>
      %dma_start3A_13 = tpu.memref_squeeze %dma_start3A_12 : memref<1x80x128xi32, #tpu.memory_space<hbm>> -> memref<80x128xi32, #tpu.memory_space<hbm>>
      %dma_start3A_14 = arith.constant 0 : i32
      %dma_start3A_15 = arith.constant 0 : i32
      %dma_start3A_16 = tpu.memref_slice %arg2[%arg1, %dma_start3A_14, %dma_start3A_15] : memref<16x80x128xi32, #tpu.memory_space<hbm>> -> memref<1x80x128xi32, #tpu.memory_space<hbm>>
      %dma_start3A_17 = tpu.memref_squeeze %dma_start3A_16 : memref<1x80x128xi32, #tpu.memory_space<hbm>> -> memref<80x128xi32, #tpu.memory_space<hbm>>
      tpu.enqueue_dma source(%dma_start3A_17 : memref<80x128xi32, #tpu.memory_space<hbm>>) target(%arg6 : memref<80x128xi32, #tpu.memory_space<vmem>>) target_semaphore(%run_scoped3A : memref<!tpu.dma_semaphore, #tpu.memory_space<semaphore_mem>>)
      %dma_wait3A = arith.constant 0 : i32
      %dma_wait3A_18 = arith.constant 0 : i32
      %dma_wait3A_19 = tpu.memref_slice %arg2[%arg1, %dma_wait3A, %dma_wait3A_18] : memref<16x80x128xi32, #tpu.memory_space<hbm>> -> memref<1x80x128xi32, #tpu.memory_space<hbm>>
      %dma_wait3A_20 = tpu.memref_squeeze %dma_wait3A_19 : memref<1x80x128xi32, #tpu.memory_space<hbm>> -> memref<80x128xi32, #tpu.memory_space<hbm>>
      %dma_wait3A_21 = arith.constant 0 : i32
      %dma_wait3A_22 = arith.constant 0 : i32
      %dma_wait3A_23 = tpu.memref_slice %arg2[%arg1, %dma_wait3A_21, %dma_wait3A_22] : memref<16x80x128xi32, #tpu.memory_space<hbm>> -> memref<1x80x128xi32, #tpu.memory_space<hbm>>
      %dma_wait3A_24 = tpu.memref_squeeze %dma_wait3A_23 : memref<1x80x128xi32, #tpu.memory_space<hbm>> -> memref<80x128xi32, #tpu.memory_space<hbm>>
      tpu.wait_dma2 semaphore(%run_scoped3A : memref<!tpu.dma_semaphore, #tpu.memory_space<semaphore_mem>>) src(%dma_wait3A_24 : memref<80x128xi32, #tpu.memory_space<hbm>>) dst(%arg6 : memref<80x128xi32, #tpu.memory_space<vmem>>)
      tpu.yield
    }) : () -> ()
    "tpu.region"() ({
      %run_scoped3A = tpu.sem_alloc : memref<!tpu.dma_semaphore, #tpu.memory_space<semaphore_mem>>
      tpu.enqueue_dma source(%arg3 : memref<128x128xf32, #tpu.memory_space<hbm>>) target(%arg7 : memref<128x128xf32, #tpu.memory_space<vmem>>) target_semaphore(%run_scoped3A : memref<!tpu.dma_semaphore, #tpu.memory_space<semaphore_mem>>)
      tpu.wait_dma2 semaphore(%run_scoped3A : memref<!tpu.dma_semaphore, #tpu.memory_space<semaphore_mem>>) src(%arg3 : memref<128x128xf32, #tpu.memory_space<hbm>>) dst(%arg7 : memref<128x128xf32, #tpu.memory_space<vmem>>)
      tpu.yield
    }) : () -> ()
    "tpu.region"() ({
      %run_scoped3A = tpu.sem_alloc : memref<!tpu.dma_semaphore, #tpu.memory_space<semaphore_mem>>
      %dma_start3A = arith.constant 0 : i32
      %dma_start3A_11 = tpu.memref_slice %arg8[%mul3A_0, %dma_start3A] : memref<10112x128xf32, #tpu.memory_space<vmem_shared>> -> memref<632x128xf32, #tpu.memory_space<vmem_shared>>
      tpu.enqueue_dma source(%arg4 : memref<632x128xf32, #tpu.memory_space<hbm>>) target(%dma_start3A_11 : memref<632x128xf32, #tpu.memory_space<vmem_shared>>) target_semaphore(%run_scoped3A : memref<!tpu.dma_semaphore, #tpu.memory_space<semaphore_mem>>)
      %dma_wait3A = arith.constant 0 : i32
      %dma_wait3A_12 = tpu.memref_slice %arg8[%mul3A_0, %dma_wait3A] : memref<10112x128xf32, #tpu.memory_space<vmem_shared>> -> memref<632x128xf32, #tpu.memory_space<vmem_shared>>
      tpu.wait_dma2 semaphore(%run_scoped3A : memref<!tpu.dma_semaphore, #tpu.memory_space<semaphore_mem>>) src(%arg4 : memref<632x128xf32, #tpu.memory_space<hbm>>) dst(%dma_wait3A_12 : memref<632x128xf32, #tpu.memory_space<vmem_shared>>)
      tpu.yield
    }) : () -> ()
    %barrier3A = arith.constant 0 : index
    tpu.barrier barrier_id(%barrier3A)
    %scan3A = arith.constant 0 : i32
    %scan3A_1 = arith.constant 40 : i32
    %scan3A_2 = arith.addi %scan3A, %scan3A_1 : i32
    %scan3A_3 = arith.constant 1 : i32
    scf.for %scan3A_11 = %scan3A to %scan3A_2 step %scan3A_3  : i32 {
      %mul3A_12 = arith.constant 1 : i32
      %mul3A_13 = arith.muli %scan3A_11, %mul3A_12 : i32
      %add3A = arith.constant 0 : i32
      %add3A_14 = arith.addi %add3A, %mul3A_13 : i32
      %mul3A_15 = arith.constant 40 : i32
      %mul3A_16 = arith.muli %arg0, %mul3A_15 : i32
      %add3A_17 = arith.addi %mul3A_16, %add3A_14 : i32
      %dma_start3A = arith.constant 0 : i32
      %dma_start3A_18 = tpu.memref_slice %arg6[%add3A_17, %dma_start3A] : memref<80x128xi32, #tpu.memory_space<vmem>> -> memref<1x128xi32, #tpu.memory_space<vmem>>
      %dma_start3A_19 = tpu.memref_squeeze %dma_start3A_18 : memref<1x128xi32, #tpu.memory_space<vmem>> -> memref<128xi32, #tpu.memory_space<vmem>>
      %dma_start3A_20 = arith.constant 0 : i32
      %dma_start3A_21 = arith.constant 0 : i32
      %dma_start3A_22 = tpu.memref_slice %arg8[%dma_start3A_20, %dma_start3A_21] : memref<10112x128xf32, #tpu.memory_space<vmem_shared>> -> memref<10112x128xf32, #tpu.memory_space<vmem_shared>>
      tpu.enqueue_indirect_dma source(%arg7 : memref<128x128xf32, #tpu.memory_space<vmem>>) target(%dma_start3A_22 : memref<10112x128xf32, #tpu.memory_space<vmem_shared>>) offsets(%dma_start3A_19 : memref<128xi32, #tpu.memory_space<vmem>>) semaphore(%arg9 : memref<!tpu.dma_semaphore, #tpu.memory_space<semaphore_mem>>) {add = true}
    }
    %scan3A_4 = arith.constant 40 : i32
    %scan3A_5 = arith.constant 0 : i32
    %scan3A_6 = arith.constant 40 : i32
    %scan3A_7 = arith.addi %scan3A_5, %scan3A_6 : i32
    %scan3A_8 = arith.constant 1 : i32
    scf.for %scan3A_11 = %scan3A_5 to %scan3A_7 step %scan3A_8  : i32 {
      %mul3A_12 = arith.constant 1 : i32
      %mul3A_13 = arith.muli %scan3A_11, %mul3A_12 : i32
      %add3A = arith.constant 0 : i32
      %add3A_14 = arith.addi %add3A, %mul3A_13 : i32
      %dma_wait3A = arith.constant 0 : i32
      %dma_wait3A_15 = arith.constant 0 : i32
      %dma_wait3A_16 = tpu.memref_slice %arg6[%dma_wait3A, %dma_wait3A_15] : memref<80x128xi32, #tpu.memory_space<vmem>> -> memref<1x128xi32, #tpu.memory_space<vmem>>
      %dma_wait3A_17 = tpu.memref_squeeze %dma_wait3A_16 : memref<1x128xi32, #tpu.memory_space<vmem>> -> memref<128xi32, #tpu.memory_space<vmem>>
      %dma_wait3A_18 = arith.constant 0 : i32
      %dma_wait3A_19 = arith.constant 0 : i32
      %dma_wait3A_20 = tpu.memref_slice %arg8[%dma_wait3A_18, %dma_wait3A_19] : memref<10112x128xf32, #tpu.memory_space<vmem_shared>> -> memref<10112x128xf32, #tpu.memory_space<vmem_shared>>
      tpu.wait_indirect_dma semaphore(%arg9 : memref<!tpu.dma_semaphore, #tpu.memory_space<semaphore_mem>>) src(%arg7 : memref<128x128xf32, #tpu.memory_space<vmem>>) dst(%dma_wait3A_20 : memref<10112x128xf32, #tpu.memory_space<vmem_shared>>)
    }
    %scan3A_9 = arith.constant 40 : i32
    %barrier3A_10 = arith.constant 0 : index
    tpu.barrier barrier_id(%barrier3A_10)
    "tpu.region"() ({
      %run_scoped3A = tpu.sem_alloc : memref<!tpu.dma_semaphore, #tpu.memory_space<semaphore_mem>>
      %dma_start3A = arith.constant 0 : i32
      %dma_start3A_11 = arith.constant 0 : i32
      %dma_start3A_12 = tpu.memref_slice %arg5[%arg0, %dma_start3A, %dma_start3A_11] : memref<2x10112x128xf32, #tpu.memory_space<hbm>> -> memref<1x10112x128xf32, #tpu.memory_space<hbm>>
      %dma_start3A_13 = tpu.memref_squeeze %dma_start3A_12 : memref<1x10112x128xf32, #tpu.memory_space<hbm>> -> memref<10112x128xf32, #tpu.memory_space<hbm>>
      %dma_start3A_14 = arith.constant 0 : i32
      %dma_start3A_15 = tpu.memref_slice %dma_start3A_13[%mul3A_0, %dma_start3A_14] : memref<10112x128xf32, #tpu.memory_space<hbm>> -> memref<632x128xf32, #tpu.memory_space<hbm>>
      %dma_start3A_16 = arith.constant 0 : i32
      %dma_start3A_17 = tpu.memref_slice %arg8[%mul3A_0, %dma_start3A_16] : memref<10112x128xf32, #tpu.memory_space<vmem_shared>> -> memref<632x128xf32, #tpu.memory_space<vmem_shared>>
      tpu.enqueue_dma source(%dma_start3A_17 : memref<632x128xf32, #tpu.memory_space<vmem_shared>>) target(%dma_start3A_15 : memref<632x128xf32, #tpu.memory_space<hbm>>) target_semaphore(%run_scoped3A : memref<!tpu.dma_semaphore, #tpu.memory_space<semaphore_mem>>)
      %dma_wait3A = arith.constant 0 : i32
      %dma_wait3A_18 = arith.constant 0 : i32
      %dma_wait3A_19 = tpu.memref_slice %arg5[%arg0, %dma_wait3A, %dma_wait3A_18] : memref<2x10112x128xf32, #tpu.memory_space<hbm>> -> memref<1x10112x128xf32, #tpu.memory_space<hbm>>
      %dma_wait3A_20 = tpu.memref_squeeze %dma_wait3A_19 : memref<1x10112x128xf32, #tpu.memory_space<hbm>> -> memref<10112x128xf32, #tpu.memory_space<hbm>>
      %dma_wait3A_21 = arith.constant 0 : i32
      %dma_wait3A_22 = tpu.memref_slice %dma_wait3A_20[%mul3A_0, %dma_wait3A_21] : memref<10112x128xf32, #tpu.memory_space<hbm>> -> memref<632x128xf32, #tpu.memory_space<hbm>>
      %dma_wait3A_23 = arith.constant 0 : i32
      %dma_wait3A_24 = tpu.memref_slice %arg8[%mul3A_0, %dma_wait3A_23] : memref<10112x128xf32, #tpu.memory_space<vmem_shared>> -> memref<632x128xf32, #tpu.memory_space<vmem_shared>>
      tpu.wait_dma2 semaphore(%run_scoped3A : memref<!tpu.dma_semaphore, #tpu.memory_space<semaphore_mem>>) src(%dma_wait3A_24 : memref<632x128xf32, #tpu.memory_space<vmem_shared>>) dst(%dma_wait3A_22 : memref<632x128xf32, #tpu.memory_space<hbm>>)
      tpu.yield
    }) : () -> ()
    return
  }
}

#map = affine_map<(d0, d1) -> (0, 0, 0)>
#map1 = affine_map<(d0, d1) -> (0, 0)>
module attributes {stable_mosaic.version = 14 : i64} {
  func.func @k(%arg0: i32, %arg1: i32, %arg2: memref<2x10000x128xf32, #tpu.memory_space<hbm>>, %arg3: memref<16x80x128xi32, #tpu.memory_space<hbm>>, %arg4: memref<16x80x128xi32, #tpu.memory_space<hbm>>, %arg5: memref<632x128xf32, #tpu.memory_space<hbm>>, %arg6: memref<2x10112x128xf32, #tpu.memory_space<hbm>>, %arg7: memref<40x128xi32, #tpu.memory_space<vmem>>, %arg8: memref<40x128xi32, #tpu.memory_space<vmem>>, %arg9: memref<128x128xf32, #tpu.memory_space<vmem>>, %arg10: memref<128x128xf32, #tpu.memory_space<vmem>>, %arg11: memref<10112x128xf32, #tpu.memory_space<vmem_shared>>, %arg12: memref<!tpu.dma_semaphore, #tpu.memory_space<semaphore_mem>>, %arg13: memref<!tpu.dma_semaphore, #tpu.memory_space<semaphore_mem>>) attributes {dimension_semantics = [#tpu.dimension_semantics<core_parallel>, #tpu.dimension_semantics<subcore_parallel>], iteration_bounds = array<i64: 2, 16>, scalar_prefetch = 0 : i64, scratch_operands = 7 : i64, tpu.core_type = #tpu.core_type<sc_vector_subcore>, window_params = [{transform_indices = #map}, {transform_indices = #map}, {transform_indices = #map}, {transform_indices = #map1}, {transform_indices = #map}]} {
    %mul3A = arith.constant 632 : i32
    %mul3A_0 = arith.muli %arg1, %mul3A : i32
    %mul3A_1 = arith.constant 1 : i32
    %mul3A_2 = arith.muli %arg0, %mul3A_1 : i32
    %add3A = arith.constant 0 : i32
    %add3A_3 = arith.addi %mul3A_2, %add3A : i32
    "tpu.region"() ({
      %run_scoped3A_103 = tpu.sem_alloc : memref<!tpu.dma_semaphore, #tpu.memory_space<semaphore_mem>>
      %dma_start3A_104 = arith.constant 0 : i32
      %dma_start3A_105 = tpu.memref_slice %arg11[%mul3A_0, %dma_start3A_104] : memref<10112x128xf32, #tpu.memory_space<vmem_shared>> -> memref<632x128xf32, #tpu.memory_space<vmem_shared>>
      tpu.enqueue_dma source(%arg5 : memref<632x128xf32, #tpu.memory_space<hbm>>) target(%dma_start3A_105 : memref<632x128xf32, #tpu.memory_space<vmem_shared>>) target_semaphore(%run_scoped3A_103 : memref<!tpu.dma_semaphore, #tpu.memory_space<semaphore_mem>>)
      %dma_wait3A_106 = arith.constant 0 : i32
      %dma_wait3A_107 = tpu.memref_slice %arg11[%mul3A_0, %dma_wait3A_106] : memref<10112x128xf32, #tpu.memory_space<vmem_shared>> -> memref<632x128xf32, #tpu.memory_space<vmem_shared>>
      tpu.wait_dma2 semaphore(%run_scoped3A_103 : memref<!tpu.dma_semaphore, #tpu.memory_space<semaphore_mem>>) src(%arg5 : memref<632x128xf32, #tpu.memory_space<hbm>>) dst(%dma_wait3A_107 : memref<632x128xf32, #tpu.memory_space<vmem_shared>>)
      tpu.yield
    }) : () -> ()
    %barrier3A = arith.constant 0 : index
    tpu.barrier barrier_id(%barrier3A)
    "tpu.region"() ({
      %run_scoped3A_103 = tpu.sem_alloc : memref<!tpu.dma_semaphore, #tpu.memory_space<semaphore_mem>>
      %dma_start3A_104 = arith.constant 0 : i32
      %dma_start3A_105 = arith.constant 0 : i32
      %dma_start3A_106 = tpu.memref_slice %arg3[%arg1, %dma_start3A_104, %dma_start3A_105] : memref<16x80x128xi32, #tpu.memory_space<hbm>> -> memref<1x80x128xi32, #tpu.memory_space<hbm>>
      %dma_start3A_107 = tpu.memref_squeeze %dma_start3A_106 : memref<1x80x128xi32, #tpu.memory_space<hbm>> -> memref<80x128xi32, #tpu.memory_space<hbm>>
      %dma_start3A_108 = arith.constant 0 : i32
      %dma_start3A_109 = arith.constant 0 : i32
      %dma_start3A_110 = tpu.memref_slice %dma_start3A_107[%dma_start3A_108, %dma_start3A_109] : memref<80x128xi32, #tpu.memory_space<hbm>> -> memref<40x128xi32, #tpu.memory_space<hbm>>
      %dma_start3A_111 = arith.constant 0 : i32
      %dma_start3A_112 = arith.constant 0 : i32
      %dma_start3A_113 = tpu.memref_slice %arg3[%arg1, %dma_start3A_111, %dma_start3A_112] : memref<16x80x128xi32, #tpu.memory_space<hbm>> -> memref<1x80x128xi32, #tpu.memory_space<hbm>>
      %dma_start3A_114 = tpu.memref_squeeze %dma_start3A_113 : memref<1x80x128xi32, #tpu.memory_space<hbm>> -> memref<80x128xi32, #tpu.memory_space<hbm>>
      %dma_start3A_115 = arith.constant 0 : i32
      %dma_start3A_116 = arith.constant 0 : i32
      %dma_start3A_117 = tpu.memref_slice %dma_start3A_114[%dma_start3A_115, %dma_start3A_116] : memref<80x128xi32, #tpu.memory_space<hbm>> -> memref<40x128xi32, #tpu.memory_space<hbm>>
      tpu.enqueue_dma source(%dma_start3A_117 : memref<40x128xi32, #tpu.memory_space<hbm>>) target(%arg7 : memref<40x128xi32, #tpu.memory_space<vmem>>) target_semaphore(%run_scoped3A_103 : memref<!tpu.dma_semaphore, #tpu.memory_space<semaphore_mem>>)
      %dma_wait3A_118 = arith.constant 0 : i32
      %dma_wait3A_119 = arith.constant 0 : i32
      %dma_wait3A_120 = tpu.memref_slice %arg3[%arg1, %dma_wait3A_118, %dma_wait3A_119] : memref<16x80x128xi32, #tpu.memory_space<hbm>> -> memref<1x80x128xi32, #tpu.memory_space<hbm>>
      %dma_wait3A_121 = tpu.memref_squeeze %dma_wait3A_120 : memref<1x80x128xi32, #tpu.memory_space<hbm>> -> memref<80x128xi32, #tpu.memory_space<hbm>>
      %dma_wait3A_122 = arith.constant 0 : i32
      %dma_wait3A_123 = arith.constant 0 : i32
      %dma_wait3A_124 = tpu.memref_slice %dma_wait3A_121[%dma_wait3A_122, %dma_wait3A_123] : memref<80x128xi32, #tpu.memory_space<hbm>> -> memref<40x128xi32, #tpu.memory_space<hbm>>
      %dma_wait3A_125 = arith.constant 0 : i32
      %dma_wait3A_126 = arith.constant 0 : i32
      %dma_wait3A_127 = tpu.memref_slice %arg3[%arg1, %dma_wait3A_125, %dma_wait3A_126] : memref<16x80x128xi32, #tpu.memory_space<hbm>> -> memref<1x80x128xi32, #tpu.memory_space<hbm>>
      %dma_wait3A_128 = tpu.memref_squeeze %dma_wait3A_127 : memref<1x80x128xi32, #tpu.memory_space<hbm>> -> memref<80x128xi32, #tpu.memory_space<hbm>>
      %dma_wait3A_129 = arith.constant 0 : i32
      %dma_wait3A_130 = arith.constant 0 : i32
      %dma_wait3A_131 = tpu.memref_slice %dma_wait3A_128[%dma_wait3A_129, %dma_wait3A_130] : memref<80x128xi32, #tpu.memory_space<hbm>> -> memref<40x128xi32, #tpu.memory_space<hbm>>
      tpu.wait_dma2 semaphore(%run_scoped3A_103 : memref<!tpu.dma_semaphore, #tpu.memory_space<semaphore_mem>>) src(%dma_wait3A_131 : memref<40x128xi32, #tpu.memory_space<hbm>>) dst(%arg7 : memref<40x128xi32, #tpu.memory_space<vmem>>)
      tpu.yield
    }) : () -> ()
    "tpu.region"() ({
      %run_scoped3A_103 = tpu.sem_alloc : memref<!tpu.dma_semaphore, #tpu.memory_space<semaphore_mem>>
      %dma_start3A_104 = arith.constant 0 : i32
      %dma_start3A_105 = arith.constant 0 : i32
      %dma_start3A_106 = tpu.memref_slice %arg4[%arg1, %dma_start3A_104, %dma_start3A_105] : memref<16x80x128xi32, #tpu.memory_space<hbm>> -> memref<1x80x128xi32, #tpu.memory_space<hbm>>
      %dma_start3A_107 = tpu.memref_squeeze %dma_start3A_106 : memref<1x80x128xi32, #tpu.memory_space<hbm>> -> memref<80x128xi32, #tpu.memory_space<hbm>>
      %dma_start3A_108 = arith.constant 0 : i32
      %dma_start3A_109 = arith.constant 0 : i32
      %dma_start3A_110 = tpu.memref_slice %dma_start3A_107[%dma_start3A_108, %dma_start3A_109] : memref<80x128xi32, #tpu.memory_space<hbm>> -> memref<40x128xi32, #tpu.memory_space<hbm>>
      %dma_start3A_111 = arith.constant 0 : i32
      %dma_start3A_112 = arith.constant 0 : i32
      %dma_start3A_113 = tpu.memref_slice %arg4[%arg1, %dma_start3A_111, %dma_start3A_112] : memref<16x80x128xi32, #tpu.memory_space<hbm>> -> memref<1x80x128xi32, #tpu.memory_space<hbm>>
      %dma_start3A_114 = tpu.memref_squeeze %dma_start3A_113 : memref<1x80x128xi32, #tpu.memory_space<hbm>> -> memref<80x128xi32, #tpu.memory_space<hbm>>
      %dma_start3A_115 = arith.constant 0 : i32
      %dma_start3A_116 = arith.constant 0 : i32
      %dma_start3A_117 = tpu.memref_slice %dma_start3A_114[%dma_start3A_115, %dma_start3A_116] : memref<80x128xi32, #tpu.memory_space<hbm>> -> memref<40x128xi32, #tpu.memory_space<hbm>>
      tpu.enqueue_dma source(%dma_start3A_117 : memref<40x128xi32, #tpu.memory_space<hbm>>) target(%arg8 : memref<40x128xi32, #tpu.memory_space<vmem>>) target_semaphore(%run_scoped3A_103 : memref<!tpu.dma_semaphore, #tpu.memory_space<semaphore_mem>>)
      %dma_wait3A_118 = arith.constant 0 : i32
      %dma_wait3A_119 = arith.constant 0 : i32
      %dma_wait3A_120 = tpu.memref_slice %arg4[%arg1, %dma_wait3A_118, %dma_wait3A_119] : memref<16x80x128xi32, #tpu.memory_space<hbm>> -> memref<1x80x128xi32, #tpu.memory_space<hbm>>
      %dma_wait3A_121 = tpu.memref_squeeze %dma_wait3A_120 : memref<1x80x128xi32, #tpu.memory_space<hbm>> -> memref<80x128xi32, #tpu.memory_space<hbm>>
      %dma_wait3A_122 = arith.constant 0 : i32
      %dma_wait3A_123 = arith.constant 0 : i32
      %dma_wait3A_124 = tpu.memref_slice %dma_wait3A_121[%dma_wait3A_122, %dma_wait3A_123] : memref<80x128xi32, #tpu.memory_space<hbm>> -> memref<40x128xi32, #tpu.memory_space<hbm>>
      %dma_wait3A_125 = arith.constant 0 : i32
      %dma_wait3A_126 = arith.constant 0 : i32
      %dma_wait3A_127 = tpu.memref_slice %arg4[%arg1, %dma_wait3A_125, %dma_wait3A_126] : memref<16x80x128xi32, #tpu.memory_space<hbm>> -> memref<1x80x128xi32, #tpu.memory_space<hbm>>
      %dma_wait3A_128 = tpu.memref_squeeze %dma_wait3A_127 : memref<1x80x128xi32, #tpu.memory_space<hbm>> -> memref<80x128xi32, #tpu.memory_space<hbm>>
      %dma_wait3A_129 = arith.constant 0 : i32
      %dma_wait3A_130 = arith.constant 0 : i32
      %dma_wait3A_131 = tpu.memref_slice %dma_wait3A_128[%dma_wait3A_129, %dma_wait3A_130] : memref<80x128xi32, #tpu.memory_space<hbm>> -> memref<40x128xi32, #tpu.memory_space<hbm>>
      tpu.wait_dma2 semaphore(%run_scoped3A_103 : memref<!tpu.dma_semaphore, #tpu.memory_space<semaphore_mem>>) src(%dma_wait3A_131 : memref<40x128xi32, #tpu.memory_space<hbm>>) dst(%arg8 : memref<40x128xi32, #tpu.memory_space<vmem>>)
      tpu.yield
    }) : () -> ()
    %dma_start3A = arith.constant 0 : i32
    %dma_start3A_4 = arith.constant 0 : i32
    %dma_start3A_5 = tpu.memref_slice %arg7[%dma_start3A, %dma_start3A_4] : memref<40x128xi32, #tpu.memory_space<vmem>> -> memref<1x128xi32, #tpu.memory_space<vmem>>
    %dma_start3A_6 = tpu.memref_squeeze %dma_start3A_5 : memref<1x128xi32, #tpu.memory_space<vmem>> -> memref<128xi32, #tpu.memory_space<vmem>>
    %dma_start3A_7 = arith.constant 0 : i32
    %dma_start3A_8 = arith.constant 0 : i32
    %dma_start3A_9 = tpu.memref_slice %arg2[%add3A_3, %dma_start3A_7, %dma_start3A_8] : memref<2x10000x128xf32, #tpu.memory_space<hbm>> -> memref<1x10000x128xf32, #tpu.memory_space<hbm>>
    %dma_start3A_10 = tpu.memref_squeeze %dma_start3A_9 : memref<1x10000x128xf32, #tpu.memory_space<hbm>> -> memref<10000x128xf32, #tpu.memory_space<hbm>>
    %dma_start3A_11 = arith.constant 0 : i32
    %dma_start3A_12 = arith.constant 0 : i32
    %dma_start3A_13 = tpu.memref_slice %dma_start3A_10[%dma_start3A_11, %dma_start3A_12] : memref<10000x128xf32, #tpu.memory_space<hbm>> -> memref<10000x128xf32, #tpu.memory_space<hbm>>
    tpu.enqueue_indirect_dma source(%dma_start3A_13 : memref<10000x128xf32, #tpu.memory_space<hbm>>) target(%arg9 : memref<128x128xf32, #tpu.memory_space<vmem>>) offsets(%dma_start3A_6 : memref<128xi32, #tpu.memory_space<vmem>>) semaphore(%arg12 : memref<!tpu.dma_semaphore, #tpu.memory_space<semaphore_mem>>)
    %dma_start3A_14 = arith.constant 1 : i32
    %dma_start3A_15 = arith.constant 0 : i32
    %dma_start3A_16 = tpu.memref_slice %arg7[%dma_start3A_14, %dma_start3A_15] : memref<40x128xi32, #tpu.memory_space<vmem>> -> memref<1x128xi32, #tpu.memory_space<vmem>>
    %dma_start3A_17 = tpu.memref_squeeze %dma_start3A_16 : memref<1x128xi32, #tpu.memory_space<vmem>> -> memref<128xi32, #tpu.memory_space<vmem>>
    %dma_start3A_18 = arith.constant 0 : i32
    %dma_start3A_19 = arith.constant 0 : i32
    %dma_start3A_20 = tpu.memref_slice %arg2[%add3A_3, %dma_start3A_18, %dma_start3A_19] : memref<2x10000x128xf32, #tpu.memory_space<hbm>> -> memref<1x10000x128xf32, #tpu.memory_space<hbm>>
    %dma_start3A_21 = tpu.memref_squeeze %dma_start3A_20 : memref<1x10000x128xf32, #tpu.memory_space<hbm>> -> memref<10000x128xf32, #tpu.memory_space<hbm>>
    %dma_start3A_22 = arith.constant 0 : i32
    %dma_start3A_23 = arith.constant 0 : i32
    %dma_start3A_24 = tpu.memref_slice %dma_start3A_21[%dma_start3A_22, %dma_start3A_23] : memref<10000x128xf32, #tpu.memory_space<hbm>> -> memref<10000x128xf32, #tpu.memory_space<hbm>>
    tpu.enqueue_indirect_dma source(%dma_start3A_24 : memref<10000x128xf32, #tpu.memory_space<hbm>>) target(%arg10 : memref<128x128xf32, #tpu.memory_space<vmem>>) offsets(%dma_start3A_17 : memref<128xi32, #tpu.memory_space<vmem>>) semaphore(%arg13 : memref<!tpu.dma_semaphore, #tpu.memory_space<semaphore_mem>>)
    %scan3A = arith.constant 0 : i32
    %scan3A_25 = arith.constant 19 : i32
    %scan3A_26 = arith.addi %scan3A, %scan3A_25 : i32
    %scan3A_27 = arith.constant 1 : i32
    scf.for %scan3A_103 = %scan3A to %scan3A_26 step %scan3A_27  : i32 {
      %mul3A_104 = arith.constant 1 : i32
      %mul3A_105 = arith.muli %scan3A_103, %mul3A_104 : i32
      %add3A_106 = arith.constant 0 : i32
      %add3A_107 = arith.addi %add3A_106, %mul3A_105 : i32
      %mul3A_108 = arith.constant 2 : i32
      %mul3A_109 = arith.muli %mul3A_108, %add3A_107 : i32
      %add3A_110 = arith.constant 0 : i32
      %add3A_111 = arith.addi %mul3A_109, %add3A_110 : i32
      %dma_wait3A_112 = arith.constant 0 : i32
      %dma_wait3A_113 = tpu.memref_slice %arg7[%add3A_111, %dma_wait3A_112] : memref<40x128xi32, #tpu.memory_space<vmem>> -> memref<1x128xi32, #tpu.memory_space<vmem>>
      %dma_wait3A_114 = tpu.memref_squeeze %dma_wait3A_113 : memref<1x128xi32, #tpu.memory_space<vmem>> -> memref<128xi32, #tpu.memory_space<vmem>>
      %dma_wait3A_115 = arith.constant 0 : i32
      %dma_wait3A_116 = arith.constant 0 : i32
      %dma_wait3A_117 = tpu.memref_slice %arg2[%add3A_3, %dma_wait3A_115, %dma_wait3A_116] : memref<2x10000x128xf32, #tpu.memory_space<hbm>> -> memref<1x10000x128xf32, #tpu.memory_space<hbm>>
      %dma_wait3A_118 = tpu.memref_squeeze %dma_wait3A_117 : memref<1x10000x128xf32, #tpu.memory_space<hbm>> -> memref<10000x128xf32, #tpu.memory_space<hbm>>
      %dma_wait3A_119 = arith.constant 0 : i32
      %dma_wait3A_120 = arith.constant 0 : i32
      %dma_wait3A_121 = tpu.memref_slice %dma_wait3A_118[%dma_wait3A_119, %dma_wait3A_120] : memref<10000x128xf32, #tpu.memory_space<hbm>> -> memref<10000x128xf32, #tpu.memory_space<hbm>>
      tpu.wait_indirect_dma semaphore(%arg12 : memref<!tpu.dma_semaphore, #tpu.memory_space<semaphore_mem>>) src(%dma_wait3A_121 : memref<10000x128xf32, #tpu.memory_space<hbm>>) dst(%arg9 : memref<128x128xf32, #tpu.memory_space<vmem>>)
      "tpu.region"() ({
        %run_scoped3A_160 = tpu.sem_alloc : memref<!tpu.dma_semaphore, #tpu.memory_space<semaphore_mem>>
        %dma_start3A_161 = arith.constant 0 : i32
        %dma_start3A_162 = tpu.memref_slice %arg8[%add3A_111, %dma_start3A_161] : memref<40x128xi32, #tpu.memory_space<vmem>> -> memref<1x128xi32, #tpu.memory_space<vmem>>
        %dma_start3A_163 = tpu.memref_squeeze %dma_start3A_162 : memref<1x128xi32, #tpu.memory_space<vmem>> -> memref<128xi32, #tpu.memory_space<vmem>>
        %dma_start3A_164 = arith.constant 0 : i32
        %dma_start3A_165 = arith.constant 0 : i32
        %dma_start3A_166 = tpu.memref_slice %arg11[%dma_start3A_164, %dma_start3A_165] : memref<10112x128xf32, #tpu.memory_space<vmem_shared>> -> memref<10112x128xf32, #tpu.memory_space<vmem_shared>>
        tpu.enqueue_indirect_dma source(%arg9 : memref<128x128xf32, #tpu.memory_space<vmem>>) target(%dma_start3A_166 : memref<10112x128xf32, #tpu.memory_space<vmem_shared>>) offsets(%dma_start3A_163 : memref<128xi32, #tpu.memory_space<vmem>>) semaphore(%run_scoped3A_160 : memref<!tpu.dma_semaphore, #tpu.memory_space<semaphore_mem>>) {add = true}
        %dma_wait3A_167 = arith.constant 0 : i32
        %dma_wait3A_168 = tpu.memref_slice %arg8[%add3A_111, %dma_wait3A_167] : memref<40x128xi32, #tpu.memory_space<vmem>> -> memref<1x128xi32, #tpu.memory_space<vmem>>
        %dma_wait3A_169 = tpu.memref_squeeze %dma_wait3A_168 : memref<1x128xi32, #tpu.memory_space<vmem>> -> memref<128xi32, #tpu.memory_space<vmem>>
        %dma_wait3A_170 = arith.constant 0 : i32
        %dma_wait3A_171 = arith.constant 0 : i32
        %dma_wait3A_172 = tpu.memref_slice %arg11[%dma_wait3A_170, %dma_wait3A_171] : memref<10112x128xf32, #tpu.memory_space<vmem_shared>> -> memref<10112x128xf32, #tpu.memory_space<vmem_shared>>
        tpu.wait_indirect_dma semaphore(%run_scoped3A_160 : memref<!tpu.dma_semaphore, #tpu.memory_space<semaphore_mem>>) src(%arg9 : memref<128x128xf32, #tpu.memory_space<vmem>>) dst(%dma_wait3A_172 : memref<10112x128xf32, #tpu.memory_space<vmem_shared>>)
        tpu.yield
      }) : () -> ()
      %add3A_122 = arith.constant 2 : i32
      %add3A_123 = arith.addi %add3A_111, %add3A_122 : i32
      %dma_start3A_124 = arith.constant 0 : i32
      %dma_start3A_125 = tpu.memref_slice %arg7[%add3A_123, %dma_start3A_124] : memref<40x128xi32, #tpu.memory_space<vmem>> -> memref<1x128xi32, #tpu.memory_space<vmem>>
      %dma_start3A_126 = tpu.memref_squeeze %dma_start3A_125 : memref<1x128xi32, #tpu.memory_space<vmem>> -> memref<128xi32, #tpu.memory_space<vmem>>
      %dma_start3A_127 = arith.constant 0 : i32
      %dma_start3A_128 = arith.constant 0 : i32
      %dma_start3A_129 = tpu.memref_slice %arg2[%add3A_3, %dma_start3A_127, %dma_start3A_128] : memref<2x10000x128xf32, #tpu.memory_space<hbm>> -> memref<1x10000x128xf32, #tpu.memory_space<hbm>>
      %dma_start3A_130 = tpu.memref_squeeze %dma_start3A_129 : memref<1x10000x128xf32, #tpu.memory_space<hbm>> -> memref<10000x128xf32, #tpu.memory_space<hbm>>
      %dma_start3A_131 = arith.constant 0 : i32
      %dma_start3A_132 = arith.constant 0 : i32
      %dma_start3A_133 = tpu.memref_slice %dma_start3A_130[%dma_start3A_131, %dma_start3A_132] : memref<10000x128xf32, #tpu.memory_space<hbm>> -> memref<10000x128xf32, #tpu.memory_space<hbm>>
      tpu.enqueue_indirect_dma source(%dma_start3A_133 : memref<10000x128xf32, #tpu.memory_space<hbm>>) target(%arg9 : memref<128x128xf32, #tpu.memory_space<vmem>>) offsets(%dma_start3A_126 : memref<128xi32, #tpu.memory_space<vmem>>) semaphore(%arg12 : memref<!tpu.dma_semaphore, #tpu.memory_space<semaphore_mem>>)
      %mul3A_134 = arith.constant 2 : i32
      %mul3A_135 = arith.muli %mul3A_134, %add3A_107 : i32
      %add3A_136 = arith.constant 1 : i32
      %add3A_137 = arith.addi %mul3A_135, %add3A_136 : i32
      %dma_wait3A_138 = arith.constant 0 : i32
      %dma_wait3A_139 = tpu.memref_slice %arg7[%add3A_137, %dma_wait3A_138] : memref<40x128xi32, #tpu.memory_space<vmem>> -> memref<1x128xi32, #tpu.memory_space<vmem>>
      %dma_wait3A_140 = tpu.memref_squeeze %dma_wait3A_139 : memref<1x128xi32, #tpu.memory_space<vmem>> -> memref<128xi32, #tpu.memory_space<vmem>>
      %dma_wait3A_141 = arith.constant 0 : i32
      %dma_wait3A_142 = arith.constant 0 : i32
      %dma_wait3A_143 = tpu.memref_slice %arg2[%add3A_3, %dma_wait3A_141, %dma_wait3A_142] : memref<2x10000x128xf32, #tpu.memory_space<hbm>> -> memref<1x10000x128xf32, #tpu.memory_space<hbm>>
      %dma_wait3A_144 = tpu.memref_squeeze %dma_wait3A_143 : memref<1x10000x128xf32, #tpu.memory_space<hbm>> -> memref<10000x128xf32, #tpu.memory_space<hbm>>
      %dma_wait3A_145 = arith.constant 0 : i32
      %dma_wait3A_146 = arith.constant 0 : i32
      %dma_wait3A_147 = tpu.memref_slice %dma_wait3A_144[%dma_wait3A_145, %dma_wait3A_146] : memref<10000x128xf32, #tpu.memory_space<hbm>> -> memref<10000x128xf32, #tpu.memory_space<hbm>>
      tpu.wait_indirect_dma semaphore(%arg13 : memref<!tpu.dma_semaphore, #tpu.memory_space<semaphore_mem>>) src(%dma_wait3A_147 : memref<10000x128xf32, #tpu.memory_space<hbm>>) dst(%arg10 : memref<128x128xf32, #tpu.memory_space<vmem>>)
      "tpu.region"() ({
        %run_scoped3A_160 = tpu.sem_alloc : memref<!tpu.dma_semaphore, #tpu.memory_space<semaphore_mem>>
        %dma_start3A_161 = arith.constant 0 : i32
        %dma_start3A_162 = tpu.memref_slice %arg8[%add3A_137, %dma_start3A_161] : memref<40x128xi32, #tpu.memory_space<vmem>> -> memref<1x128xi32, #tpu.memory_space<vmem>>
        %dma_start3A_163 = tpu.memref_squeeze %dma_start3A_162 : memref<1x128xi32, #tpu.memory_space<vmem>> -> memref<128xi32, #tpu.memory_space<vmem>>
        %dma_start3A_164 = arith.constant 0 : i32
        %dma_start3A_165 = arith.constant 0 : i32
        %dma_start3A_166 = tpu.memref_slice %arg11[%dma_start3A_164, %dma_start3A_165] : memref<10112x128xf32, #tpu.memory_space<vmem_shared>> -> memref<10112x128xf32, #tpu.memory_space<vmem_shared>>
        tpu.enqueue_indirect_dma source(%arg10 : memref<128x128xf32, #tpu.memory_space<vmem>>) target(%dma_start3A_166 : memref<10112x128xf32, #tpu.memory_space<vmem_shared>>) offsets(%dma_start3A_163 : memref<128xi32, #tpu.memory_space<vmem>>) semaphore(%run_scoped3A_160 : memref<!tpu.dma_semaphore, #tpu.memory_space<semaphore_mem>>) {add = true}
        %dma_wait3A_167 = arith.constant 0 : i32
        %dma_wait3A_168 = tpu.memref_slice %arg8[%add3A_137, %dma_wait3A_167] : memref<40x128xi32, #tpu.memory_space<vmem>> -> memref<1x128xi32, #tpu.memory_space<vmem>>
        %dma_wait3A_169 = tpu.memref_squeeze %dma_wait3A_168 : memref<1x128xi32, #tpu.memory_space<vmem>> -> memref<128xi32, #tpu.memory_space<vmem>>
        %dma_wait3A_170 = arith.constant 0 : i32
        %dma_wait3A_171 = arith.constant 0 : i32
        %dma_wait3A_172 = tpu.memref_slice %arg11[%dma_wait3A_170, %dma_wait3A_171] : memref<10112x128xf32, #tpu.memory_space<vmem_shared>> -> memref<10112x128xf32, #tpu.memory_space<vmem_shared>>
        tpu.wait_indirect_dma semaphore(%run_scoped3A_160 : memref<!tpu.dma_semaphore, #tpu.memory_space<semaphore_mem>>) src(%arg10 : memref<128x128xf32, #tpu.memory_space<vmem>>) dst(%dma_wait3A_172 : memref<10112x128xf32, #tpu.memory_space<vmem_shared>>)
        tpu.yield
      }) : () -> ()
      %add3A_148 = arith.constant 2 : i32
      %add3A_149 = arith.addi %add3A_137, %add3A_148 : i32
      %dma_start3A_150 = arith.constant 0 : i32
      %dma_start3A_151 = tpu.memref_slice %arg7[%add3A_149, %dma_start3A_150] : memref<40x128xi32, #tpu.memory_space<vmem>> -> memref<1x128xi32, #tpu.memory_space<vmem>>
      %dma_start3A_152 = tpu.memref_squeeze %dma_start3A_151 : memref<1x128xi32, #tpu.memory_space<vmem>> -> memref<128xi32, #tpu.memory_space<vmem>>
      %dma_start3A_153 = arith.constant 0 : i32
      %dma_start3A_154 = arith.constant 0 : i32
      %dma_start3A_155 = tpu.memref_slice %arg2[%add3A_3, %dma_start3A_153, %dma_start3A_154] : memref<2x10000x128xf32, #tpu.memory_space<hbm>> -> memref<1x10000x128xf32, #tpu.memory_space<hbm>>
      %dma_start3A_156 = tpu.memref_squeeze %dma_start3A_155 : memref<1x10000x128xf32, #tpu.memory_space<hbm>> -> memref<10000x128xf32, #tpu.memory_space<hbm>>
      %dma_start3A_157 = arith.constant 0 : i32
      %dma_start3A_158 = arith.constant 0 : i32
      %dma_start3A_159 = tpu.memref_slice %dma_start3A_156[%dma_start3A_157, %dma_start3A_158] : memref<10000x128xf32, #tpu.memory_space<hbm>> -> memref<10000x128xf32, #tpu.memory_space<hbm>>
      tpu.enqueue_indirect_dma source(%dma_start3A_159 : memref<10000x128xf32, #tpu.memory_space<hbm>>) target(%arg10 : memref<128x128xf32, #tpu.memory_space<vmem>>) offsets(%dma_start3A_152 : memref<128xi32, #tpu.memory_space<vmem>>) semaphore(%arg13 : memref<!tpu.dma_semaphore, #tpu.memory_space<semaphore_mem>>)
    }
    %scan3A_28 = arith.constant 19 : i32
    %dma_wait3A = arith.constant 38 : i32
    %dma_wait3A_29 = arith.constant 0 : i32
    %dma_wait3A_30 = tpu.memref_slice %arg7[%dma_wait3A, %dma_wait3A_29] : memref<40x128xi32, #tpu.memory_space<vmem>> -> memref<1x128xi32, #tpu.memory_space<vmem>>
    %dma_wait3A_31 = tpu.memref_squeeze %dma_wait3A_30 : memref<1x128xi32, #tpu.memory_space<vmem>> -> memref<128xi32, #tpu.memory_space<vmem>>
    %dma_wait3A_32 = arith.constant 0 : i32
    %dma_wait3A_33 = arith.constant 0 : i32
    %dma_wait3A_34 = tpu.memref_slice %arg2[%add3A_3, %dma_wait3A_32, %dma_wait3A_33] : memref<2x10000x128xf32, #tpu.memory_space<hbm>> -> memref<1x10000x128xf32, #tpu.memory_space<hbm>>
    %dma_wait3A_35 = tpu.memref_squeeze %dma_wait3A_34 : memref<1x10000x128xf32, #tpu.memory_space<hbm>> -> memref<10000x128xf32, #tpu.memory_space<hbm>>
    %dma_wait3A_36 = arith.constant 0 : i32
    %dma_wait3A_37 = arith.constant 0 : i32
    %dma_wait3A_38 = tpu.memref_slice %dma_wait3A_35[%dma_wait3A_36, %dma_wait3A_37] : memref<10000x128xf32, #tpu.memory_space<hbm>> -> memref<10000x128xf32, #tpu.memory_space<hbm>>
    tpu.wait_indirect_dma semaphore(%arg12 : memref<!tpu.dma_semaphore, #tpu.memory_space<semaphore_mem>>) src(%dma_wait3A_38 : memref<10000x128xf32, #tpu.memory_space<hbm>>) dst(%arg9 : memref<128x128xf32, #tpu.memory_space<vmem>>)
    %run_scoped3A = arith.constant 38 : i32
    "tpu.region"() ({
      %run_scoped3A_103 = tpu.sem_alloc : memref<!tpu.dma_semaphore, #tpu.memory_space<semaphore_mem>>
      %dma_start3A_104 = arith.constant 0 : i32
      %dma_start3A_105 = tpu.memref_slice %arg8[%run_scoped3A, %dma_start3A_104] : memref<40x128xi32, #tpu.memory_space<vmem>> -> memref<1x128xi32, #tpu.memory_space<vmem>>
      %dma_start3A_106 = tpu.memref_squeeze %dma_start3A_105 : memref<1x128xi32, #tpu.memory_space<vmem>> -> memref<128xi32, #tpu.memory_space<vmem>>
      %dma_start3A_107 = arith.constant 0 : i32
      %dma_start3A_108 = arith.constant 0 : i32
      %dma_start3A_109 = tpu.memref_slice %arg11[%dma_start3A_107, %dma_start3A_108] : memref<10112x128xf32, #tpu.memory_space<vmem_shared>> -> memref<10112x128xf32, #tpu.memory_space<vmem_shared>>
      tpu.enqueue_indirect_dma source(%arg9 : memref<128x128xf32, #tpu.memory_space<vmem>>) target(%dma_start3A_109 : memref<10112x128xf32, #tpu.memory_space<vmem_shared>>) offsets(%dma_start3A_106 : memref<128xi32, #tpu.memory_space<vmem>>) semaphore(%run_scoped3A_103 : memref<!tpu.dma_semaphore, #tpu.memory_space<semaphore_mem>>) {add = true}
      %dma_wait3A_110 = arith.constant 0 : i32
      %dma_wait3A_111 = tpu.memref_slice %arg8[%run_scoped3A, %dma_wait3A_110] : memref<40x128xi32, #tpu.memory_space<vmem>> -> memref<1x128xi32, #tpu.memory_space<vmem>>
      %dma_wait3A_112 = tpu.memref_squeeze %dma_wait3A_111 : memref<1x128xi32, #tpu.memory_space<vmem>> -> memref<128xi32, #tpu.memory_space<vmem>>
      %dma_wait3A_113 = arith.constant 0 : i32
      %dma_wait3A_114 = arith.constant 0 : i32
      %dma_wait3A_115 = tpu.memref_slice %arg11[%dma_wait3A_113, %dma_wait3A_114] : memref<10112x128xf32, #tpu.memory_space<vmem_shared>> -> memref<10112x128xf32, #tpu.memory_space<vmem_shared>>
      tpu.wait_indirect_dma semaphore(%run_scoped3A_103 : memref<!tpu.dma_semaphore, #tpu.memory_space<semaphore_mem>>) src(%arg9 : memref<128x128xf32, #tpu.memory_space<vmem>>) dst(%dma_wait3A_115 : memref<10112x128xf32, #tpu.memory_space<vmem_shared>>)
      tpu.yield
    }) : () -> ()
    %dma_wait3A_39 = arith.constant 39 : i32
    %dma_wait3A_40 = arith.constant 0 : i32
    %dma_wait3A_41 = tpu.memref_slice %arg7[%dma_wait3A_39, %dma_wait3A_40] : memref<40x128xi32, #tpu.memory_space<vmem>> -> memref<1x128xi32, #tpu.memory_space<vmem>>
    %dma_wait3A_42 = tpu.memref_squeeze %dma_wait3A_41 : memref<1x128xi32, #tpu.memory_space<vmem>> -> memref<128xi32, #tpu.memory_space<vmem>>
    %dma_wait3A_43 = arith.constant 0 : i32
    %dma_wait3A_44 = arith.constant 0 : i32
    %dma_wait3A_45 = tpu.memref_slice %arg2[%add3A_3, %dma_wait3A_43, %dma_wait3A_44] : memref<2x10000x128xf32, #tpu.memory_space<hbm>> -> memref<1x10000x128xf32, #tpu.memory_space<hbm>>
    %dma_wait3A_46 = tpu.memref_squeeze %dma_wait3A_45 : memref<1x10000x128xf32, #tpu.memory_space<hbm>> -> memref<10000x128xf32, #tpu.memory_space<hbm>>
    %dma_wait3A_47 = arith.constant 0 : i32
    %dma_wait3A_48 = arith.constant 0 : i32
    %dma_wait3A_49 = tpu.memref_slice %dma_wait3A_46[%dma_wait3A_47, %dma_wait3A_48] : memref<10000x128xf32, #tpu.memory_space<hbm>> -> memref<10000x128xf32, #tpu.memory_space<hbm>>
    tpu.wait_indirect_dma semaphore(%arg13 : memref<!tpu.dma_semaphore, #tpu.memory_space<semaphore_mem>>) src(%dma_wait3A_49 : memref<10000x128xf32, #tpu.memory_space<hbm>>) dst(%arg10 : memref<128x128xf32, #tpu.memory_space<vmem>>)
    %run_scoped3A_50 = arith.constant 39 : i32
    "tpu.region"() ({
      %run_scoped3A_103 = tpu.sem_alloc : memref<!tpu.dma_semaphore, #tpu.memory_space<semaphore_mem>>
      %dma_start3A_104 = arith.constant 0 : i32
      %dma_start3A_105 = tpu.memref_slice %arg8[%run_scoped3A_50, %dma_start3A_104] : memref<40x128xi32, #tpu.memory_space<vmem>> -> memref<1x128xi32, #tpu.memory_space<vmem>>
      %dma_start3A_106 = tpu.memref_squeeze %dma_start3A_105 : memref<1x128xi32, #tpu.memory_space<vmem>> -> memref<128xi32, #tpu.memory_space<vmem>>
      %dma_start3A_107 = arith.constant 0 : i32
      %dma_start3A_108 = arith.constant 0 : i32
      %dma_start3A_109 = tpu.memref_slice %arg11[%dma_start3A_107, %dma_start3A_108] : memref<10112x128xf32, #tpu.memory_space<vmem_shared>> -> memref<10112x128xf32, #tpu.memory_space<vmem_shared>>
      tpu.enqueue_indirect_dma source(%arg10 : memref<128x128xf32, #tpu.memory_space<vmem>>) target(%dma_start3A_109 : memref<10112x128xf32, #tpu.memory_space<vmem_shared>>) offsets(%dma_start3A_106 : memref<128xi32, #tpu.memory_space<vmem>>) semaphore(%run_scoped3A_103 : memref<!tpu.dma_semaphore, #tpu.memory_space<semaphore_mem>>) {add = true}
      %dma_wait3A_110 = arith.constant 0 : i32
      %dma_wait3A_111 = tpu.memref_slice %arg8[%run_scoped3A_50, %dma_wait3A_110] : memref<40x128xi32, #tpu.memory_space<vmem>> -> memref<1x128xi32, #tpu.memory_space<vmem>>
      %dma_wait3A_112 = tpu.memref_squeeze %dma_wait3A_111 : memref<1x128xi32, #tpu.memory_space<vmem>> -> memref<128xi32, #tpu.memory_space<vmem>>
      %dma_wait3A_113 = arith.constant 0 : i32
      %dma_wait3A_114 = arith.constant 0 : i32
      %dma_wait3A_115 = tpu.memref_slice %arg11[%dma_wait3A_113, %dma_wait3A_114] : memref<10112x128xf32, #tpu.memory_space<vmem_shared>> -> memref<10112x128xf32, #tpu.memory_space<vmem_shared>>
      tpu.wait_indirect_dma semaphore(%run_scoped3A_103 : memref<!tpu.dma_semaphore, #tpu.memory_space<semaphore_mem>>) src(%arg10 : memref<128x128xf32, #tpu.memory_space<vmem>>) dst(%dma_wait3A_115 : memref<10112x128xf32, #tpu.memory_space<vmem_shared>>)
      tpu.yield
    }) : () -> ()
    "tpu.region"() ({
      %run_scoped3A_103 = tpu.sem_alloc : memref<!tpu.dma_semaphore, #tpu.memory_space<semaphore_mem>>
      %dma_start3A_104 = arith.constant 0 : i32
      %dma_start3A_105 = arith.constant 0 : i32
      %dma_start3A_106 = tpu.memref_slice %arg3[%arg1, %dma_start3A_104, %dma_start3A_105] : memref<16x80x128xi32, #tpu.memory_space<hbm>> -> memref<1x80x128xi32, #tpu.memory_space<hbm>>
      %dma_start3A_107 = tpu.memref_squeeze %dma_start3A_106 : memref<1x80x128xi32, #tpu.memory_space<hbm>> -> memref<80x128xi32, #tpu.memory_space<hbm>>
      %dma_start3A_108 = arith.constant 40 : i32
      %dma_start3A_109 = arith.constant 0 : i32
      %dma_start3A_110 = tpu.memref_slice %dma_start3A_107[%dma_start3A_108, %dma_start3A_109] : memref<80x128xi32, #tpu.memory_space<hbm>> -> memref<40x128xi32, #tpu.memory_space<hbm>>
      %dma_start3A_111 = arith.constant 0 : i32
      %dma_start3A_112 = arith.constant 0 : i32
      %dma_start3A_113 = tpu.memref_slice %arg3[%arg1, %dma_start3A_111, %dma_start3A_112] : memref<16x80x128xi32, #tpu.memory_space<hbm>> -> memref<1x80x128xi32, #tpu.memory_space<hbm>>
      %dma_start3A_114 = tpu.memref_squeeze %dma_start3A_113 : memref<1x80x128xi32, #tpu.memory_space<hbm>> -> memref<80x128xi32, #tpu.memory_space<hbm>>
      %dma_start3A_115 = arith.constant 40 : i32
      %dma_start3A_116 = arith.constant 0 : i32
      %dma_start3A_117 = tpu.memref_slice %dma_start3A_114[%dma_start3A_115, %dma_start3A_116] : memref<80x128xi32, #tpu.memory_space<hbm>> -> memref<40x128xi32, #tpu.memory_space<hbm>>
      tpu.enqueue_dma source(%dma_start3A_117 : memref<40x128xi32, #tpu.memory_space<hbm>>) target(%arg7 : memref<40x128xi32, #tpu.memory_space<vmem>>) target_semaphore(%run_scoped3A_103 : memref<!tpu.dma_semaphore, #tpu.memory_space<semaphore_mem>>)
      %dma_wait3A_118 = arith.constant 0 : i32
      %dma_wait3A_119 = arith.constant 0 : i32
      %dma_wait3A_120 = tpu.memref_slice %arg3[%arg1, %dma_wait3A_118, %dma_wait3A_119] : memref<16x80x128xi32, #tpu.memory_space<hbm>> -> memref<1x80x128xi32, #tpu.memory_space<hbm>>
      %dma_wait3A_121 = tpu.memref_squeeze %dma_wait3A_120 : memref<1x80x128xi32, #tpu.memory_space<hbm>> -> memref<80x128xi32, #tpu.memory_space<hbm>>
      %dma_wait3A_122 = arith.constant 40 : i32
      %dma_wait3A_123 = arith.constant 0 : i32
      %dma_wait3A_124 = tpu.memref_slice %dma_wait3A_121[%dma_wait3A_122, %dma_wait3A_123] : memref<80x128xi32, #tpu.memory_space<hbm>> -> memref<40x128xi32, #tpu.memory_space<hbm>>
      %dma_wait3A_125 = arith.constant 0 : i32
      %dma_wait3A_126 = arith.constant 0 : i32
      %dma_wait3A_127 = tpu.memref_slice %arg3[%arg1, %dma_wait3A_125, %dma_wait3A_126] : memref<16x80x128xi32, #tpu.memory_space<hbm>> -> memref<1x80x128xi32, #tpu.memory_space<hbm>>
      %dma_wait3A_128 = tpu.memref_squeeze %dma_wait3A_127 : memref<1x80x128xi32, #tpu.memory_space<hbm>> -> memref<80x128xi32, #tpu.memory_space<hbm>>
      %dma_wait3A_129 = arith.constant 40 : i32
      %dma_wait3A_130 = arith.constant 0 : i32
      %dma_wait3A_131 = tpu.memref_slice %dma_wait3A_128[%dma_wait3A_129, %dma_wait3A_130] : memref<80x128xi32, #tpu.memory_space<hbm>> -> memref<40x128xi32, #tpu.memory_space<hbm>>
      tpu.wait_dma2 semaphore(%run_scoped3A_103 : memref<!tpu.dma_semaphore, #tpu.memory_space<semaphore_mem>>) src(%dma_wait3A_131 : memref<40x128xi32, #tpu.memory_space<hbm>>) dst(%arg7 : memref<40x128xi32, #tpu.memory_space<vmem>>)
      tpu.yield
    }) : () -> ()
    "tpu.region"() ({
      %run_scoped3A_103 = tpu.sem_alloc : memref<!tpu.dma_semaphore, #tpu.memory_space<semaphore_mem>>
      %dma_start3A_104 = arith.constant 0 : i32
      %dma_start3A_105 = arith.constant 0 : i32
      %dma_start3A_106 = tpu.memref_slice %arg4[%arg1, %dma_start3A_104, %dma_start3A_105] : memref<16x80x128xi32, #tpu.memory_space<hbm>> -> memref<1x80x128xi32, #tpu.memory_space<hbm>>
      %dma_start3A_107 = tpu.memref_squeeze %dma_start3A_106 : memref<1x80x128xi32, #tpu.memory_space<hbm>> -> memref<80x128xi32, #tpu.memory_space<hbm>>
      %dma_start3A_108 = arith.constant 40 : i32
      %dma_start3A_109 = arith.constant 0 : i32
      %dma_start3A_110 = tpu.memref_slice %dma_start3A_107[%dma_start3A_108, %dma_start3A_109] : memref<80x128xi32, #tpu.memory_space<hbm>> -> memref<40x128xi32, #tpu.memory_space<hbm>>
      %dma_start3A_111 = arith.constant 0 : i32
      %dma_start3A_112 = arith.constant 0 : i32
      %dma_start3A_113 = tpu.memref_slice %arg4[%arg1, %dma_start3A_111, %dma_start3A_112] : memref<16x80x128xi32, #tpu.memory_space<hbm>> -> memref<1x80x128xi32, #tpu.memory_space<hbm>>
      %dma_start3A_114 = tpu.memref_squeeze %dma_start3A_113 : memref<1x80x128xi32, #tpu.memory_space<hbm>> -> memref<80x128xi32, #tpu.memory_space<hbm>>
      %dma_start3A_115 = arith.constant 40 : i32
      %dma_start3A_116 = arith.constant 0 : i32
      %dma_start3A_117 = tpu.memref_slice %dma_start3A_114[%dma_start3A_115, %dma_start3A_116] : memref<80x128xi32, #tpu.memory_space<hbm>> -> memref<40x128xi32, #tpu.memory_space<hbm>>
      tpu.enqueue_dma source(%dma_start3A_117 : memref<40x128xi32, #tpu.memory_space<hbm>>) target(%arg8 : memref<40x128xi32, #tpu.memory_space<vmem>>) target_semaphore(%run_scoped3A_103 : memref<!tpu.dma_semaphore, #tpu.memory_space<semaphore_mem>>)
      %dma_wait3A_118 = arith.constant 0 : i32
      %dma_wait3A_119 = arith.constant 0 : i32
      %dma_wait3A_120 = tpu.memref_slice %arg4[%arg1, %dma_wait3A_118, %dma_wait3A_119] : memref<16x80x128xi32, #tpu.memory_space<hbm>> -> memref<1x80x128xi32, #tpu.memory_space<hbm>>
      %dma_wait3A_121 = tpu.memref_squeeze %dma_wait3A_120 : memref<1x80x128xi32, #tpu.memory_space<hbm>> -> memref<80x128xi32, #tpu.memory_space<hbm>>
      %dma_wait3A_122 = arith.constant 40 : i32
      %dma_wait3A_123 = arith.constant 0 : i32
      %dma_wait3A_124 = tpu.memref_slice %dma_wait3A_121[%dma_wait3A_122, %dma_wait3A_123] : memref<80x128xi32, #tpu.memory_space<hbm>> -> memref<40x128xi32, #tpu.memory_space<hbm>>
      %dma_wait3A_125 = arith.constant 0 : i32
      %dma_wait3A_126 = arith.constant 0 : i32
      %dma_wait3A_127 = tpu.memref_slice %arg4[%arg1, %dma_wait3A_125, %dma_wait3A_126] : memref<16x80x128xi32, #tpu.memory_space<hbm>> -> memref<1x80x128xi32, #tpu.memory_space<hbm>>
      %dma_wait3A_128 = tpu.memref_squeeze %dma_wait3A_127 : memref<1x80x128xi32, #tpu.memory_space<hbm>> -> memref<80x128xi32, #tpu.memory_space<hbm>>
      %dma_wait3A_129 = arith.constant 40 : i32
      %dma_wait3A_130 = arith.constant 0 : i32
      %dma_wait3A_131 = tpu.memref_slice %dma_wait3A_128[%dma_wait3A_129, %dma_wait3A_130] : memref<80x128xi32, #tpu.memory_space<hbm>> -> memref<40x128xi32, #tpu.memory_space<hbm>>
      tpu.wait_dma2 semaphore(%run_scoped3A_103 : memref<!tpu.dma_semaphore, #tpu.memory_space<semaphore_mem>>) src(%dma_wait3A_131 : memref<40x128xi32, #tpu.memory_space<hbm>>) dst(%arg8 : memref<40x128xi32, #tpu.memory_space<vmem>>)
      tpu.yield
    }) : () -> ()
    %dma_start3A_51 = arith.constant 0 : i32
    %dma_start3A_52 = arith.constant 0 : i32
    %dma_start3A_53 = tpu.memref_slice %arg7[%dma_start3A_51, %dma_start3A_52] : memref<40x128xi32, #tpu.memory_space<vmem>> -> memref<1x128xi32, #tpu.memory_space<vmem>>
    %dma_start3A_54 = tpu.memref_squeeze %dma_start3A_53 : memref<1x128xi32, #tpu.memory_space<vmem>> -> memref<128xi32, #tpu.memory_space<vmem>>
    %dma_start3A_55 = arith.constant 0 : i32
    %dma_start3A_56 = arith.constant 0 : i32
    %dma_start3A_57 = tpu.memref_slice %arg2[%add3A_3, %dma_start3A_55, %dma_start3A_56] : memref<2x10000x128xf32, #tpu.memory_space<hbm>> -> memref<1x10000x128xf32, #tpu.memory_space<hbm>>
    %dma_start3A_58 = tpu.memref_squeeze %dma_start3A_57 : memref<1x10000x128xf32, #tpu.memory_space<hbm>> -> memref<10000x128xf32, #tpu.memory_space<hbm>>
    %dma_start3A_59 = arith.constant 0 : i32
    %dma_start3A_60 = arith.constant 0 : i32
    %dma_start3A_61 = tpu.memref_slice %dma_start3A_58[%dma_start3A_59, %dma_start3A_60] : memref<10000x128xf32, #tpu.memory_space<hbm>> -> memref<10000x128xf32, #tpu.memory_space<hbm>>
    tpu.enqueue_indirect_dma source(%dma_start3A_61 : memref<10000x128xf32, #tpu.memory_space<hbm>>) target(%arg9 : memref<128x128xf32, #tpu.memory_space<vmem>>) offsets(%dma_start3A_54 : memref<128xi32, #tpu.memory_space<vmem>>) semaphore(%arg12 : memref<!tpu.dma_semaphore, #tpu.memory_space<semaphore_mem>>)
    %dma_start3A_62 = arith.constant 1 : i32
    %dma_start3A_63 = arith.constant 0 : i32
    %dma_start3A_64 = tpu.memref_slice %arg7[%dma_start3A_62, %dma_start3A_63] : memref<40x128xi32, #tpu.memory_space<vmem>> -> memref<1x128xi32, #tpu.memory_space<vmem>>
    %dma_start3A_65 = tpu.memref_squeeze %dma_start3A_64 : memref<1x128xi32, #tpu.memory_space<vmem>> -> memref<128xi32, #tpu.memory_space<vmem>>
    %dma_start3A_66 = arith.constant 0 : i32
    %dma_start3A_67 = arith.constant 0 : i32
    %dma_start3A_68 = tpu.memref_slice %arg2[%add3A_3, %dma_start3A_66, %dma_start3A_67] : memref<2x10000x128xf32, #tpu.memory_space<hbm>> -> memref<1x10000x128xf32, #tpu.memory_space<hbm>>
    %dma_start3A_69 = tpu.memref_squeeze %dma_start3A_68 : memref<1x10000x128xf32, #tpu.memory_space<hbm>> -> memref<10000x128xf32, #tpu.memory_space<hbm>>
    %dma_start3A_70 = arith.constant 0 : i32
    %dma_start3A_71 = arith.constant 0 : i32
    %dma_start3A_72 = tpu.memref_slice %dma_start3A_69[%dma_start3A_70, %dma_start3A_71] : memref<10000x128xf32, #tpu.memory_space<hbm>> -> memref<10000x128xf32, #tpu.memory_space<hbm>>
    tpu.enqueue_indirect_dma source(%dma_start3A_72 : memref<10000x128xf32, #tpu.memory_space<hbm>>) target(%arg10 : memref<128x128xf32, #tpu.memory_space<vmem>>) offsets(%dma_start3A_65 : memref<128xi32, #tpu.memory_space<vmem>>) semaphore(%arg13 : memref<!tpu.dma_semaphore, #tpu.memory_space<semaphore_mem>>)
    %scan3A_73 = arith.constant 0 : i32
    %scan3A_74 = arith.constant 19 : i32
    %scan3A_75 = arith.addi %scan3A_73, %scan3A_74 : i32
    %scan3A_76 = arith.constant 1 : i32
    scf.for %scan3A_103 = %scan3A_73 to %scan3A_75 step %scan3A_76  : i32 {
      %mul3A_104 = arith.constant 1 : i32
      %mul3A_105 = arith.muli %scan3A_103, %mul3A_104 : i32
      %add3A_106 = arith.constant 0 : i32
      %add3A_107 = arith.addi %add3A_106, %mul3A_105 : i32
      %mul3A_108 = arith.constant 2 : i32
      %mul3A_109 = arith.muli %mul3A_108, %add3A_107 : i32
      %add3A_110 = arith.constant 0 : i32
      %add3A_111 = arith.addi %mul3A_109, %add3A_110 : i32
      %dma_wait3A_112 = arith.constant 0 : i32
      %dma_wait3A_113 = tpu.memref_slice %arg7[%add3A_111, %dma_wait3A_112] : memref<40x128xi32, #tpu.memory_space<vmem>> -> memref<1x128xi32, #tpu.memory_space<vmem>>
      %dma_wait3A_114 = tpu.memref_squeeze %dma_wait3A_113 : memref<1x128xi32, #tpu.memory_space<vmem>> -> memref<128xi32, #tpu.memory_space<vmem>>
      %dma_wait3A_115 = arith.constant 0 : i32
      %dma_wait3A_116 = arith.constant 0 : i32
      %dma_wait3A_117 = tpu.memref_slice %arg2[%add3A_3, %dma_wait3A_115, %dma_wait3A_116] : memref<2x10000x128xf32, #tpu.memory_space<hbm>> -> memref<1x10000x128xf32, #tpu.memory_space<hbm>>
      %dma_wait3A_118 = tpu.memref_squeeze %dma_wait3A_117 : memref<1x10000x128xf32, #tpu.memory_space<hbm>> -> memref<10000x128xf32, #tpu.memory_space<hbm>>
      %dma_wait3A_119 = arith.constant 0 : i32
      %dma_wait3A_120 = arith.constant 0 : i32
      %dma_wait3A_121 = tpu.memref_slice %dma_wait3A_118[%dma_wait3A_119, %dma_wait3A_120] : memref<10000x128xf32, #tpu.memory_space<hbm>> -> memref<10000x128xf32, #tpu.memory_space<hbm>>
      tpu.wait_indirect_dma semaphore(%arg12 : memref<!tpu.dma_semaphore, #tpu.memory_space<semaphore_mem>>) src(%dma_wait3A_121 : memref<10000x128xf32, #tpu.memory_space<hbm>>) dst(%arg9 : memref<128x128xf32, #tpu.memory_space<vmem>>)
      "tpu.region"() ({
        %run_scoped3A_160 = tpu.sem_alloc : memref<!tpu.dma_semaphore, #tpu.memory_space<semaphore_mem>>
        %dma_start3A_161 = arith.constant 0 : i32
        %dma_start3A_162 = tpu.memref_slice %arg8[%add3A_111, %dma_start3A_161] : memref<40x128xi32, #tpu.memory_space<vmem>> -> memref<1x128xi32, #tpu.memory_space<vmem>>
        %dma_start3A_163 = tpu.memref_squeeze %dma_start3A_162 : memref<1x128xi32, #tpu.memory_space<vmem>> -> memref<128xi32, #tpu.memory_space<vmem>>
        %dma_start3A_164 = arith.constant 0 : i32
        %dma_start3A_165 = arith.constant 0 : i32
        %dma_start3A_166 = tpu.memref_slice %arg11[%dma_start3A_164, %dma_start3A_165] : memref<10112x128xf32, #tpu.memory_space<vmem_shared>> -> memref<10112x128xf32, #tpu.memory_space<vmem_shared>>
        tpu.enqueue_indirect_dma source(%arg9 : memref<128x128xf32, #tpu.memory_space<vmem>>) target(%dma_start3A_166 : memref<10112x128xf32, #tpu.memory_space<vmem_shared>>) offsets(%dma_start3A_163 : memref<128xi32, #tpu.memory_space<vmem>>) semaphore(%run_scoped3A_160 : memref<!tpu.dma_semaphore, #tpu.memory_space<semaphore_mem>>) {add = true}
        %dma_wait3A_167 = arith.constant 0 : i32
        %dma_wait3A_168 = tpu.memref_slice %arg8[%add3A_111, %dma_wait3A_167] : memref<40x128xi32, #tpu.memory_space<vmem>> -> memref<1x128xi32, #tpu.memory_space<vmem>>
        %dma_wait3A_169 = tpu.memref_squeeze %dma_wait3A_168 : memref<1x128xi32, #tpu.memory_space<vmem>> -> memref<128xi32, #tpu.memory_space<vmem>>
        %dma_wait3A_170 = arith.constant 0 : i32
        %dma_wait3A_171 = arith.constant 0 : i32
        %dma_wait3A_172 = tpu.memref_slice %arg11[%dma_wait3A_170, %dma_wait3A_171] : memref<10112x128xf32, #tpu.memory_space<vmem_shared>> -> memref<10112x128xf32, #tpu.memory_space<vmem_shared>>
        tpu.wait_indirect_dma semaphore(%run_scoped3A_160 : memref<!tpu.dma_semaphore, #tpu.memory_space<semaphore_mem>>) src(%arg9 : memref<128x128xf32, #tpu.memory_space<vmem>>) dst(%dma_wait3A_172 : memref<10112x128xf32, #tpu.memory_space<vmem_shared>>)
        tpu.yield
      }) : () -> ()
      %add3A_122 = arith.constant 2 : i32
      %add3A_123 = arith.addi %add3A_111, %add3A_122 : i32
      %dma_start3A_124 = arith.constant 0 : i32
      %dma_start3A_125 = tpu.memref_slice %arg7[%add3A_123, %dma_start3A_124] : memref<40x128xi32, #tpu.memory_space<vmem>> -> memref<1x128xi32, #tpu.memory_space<vmem>>
      %dma_start3A_126 = tpu.memref_squeeze %dma_start3A_125 : memref<1x128xi32, #tpu.memory_space<vmem>> -> memref<128xi32, #tpu.memory_space<vmem>>
      %dma_start3A_127 = arith.constant 0 : i32
      %dma_start3A_128 = arith.constant 0 : i32
      %dma_start3A_129 = tpu.memref_slice %arg2[%add3A_3, %dma_start3A_127, %dma_start3A_128] : memref<2x10000x128xf32, #tpu.memory_space<hbm>> -> memref<1x10000x128xf32, #tpu.memory_space<hbm>>
      %dma_start3A_130 = tpu.memref_squeeze %dma_start3A_129 : memref<1x10000x128xf32, #tpu.memory_space<hbm>> -> memref<10000x128xf32, #tpu.memory_space<hbm>>
      %dma_start3A_131 = arith.constant 0 : i32
      %dma_start3A_132 = arith.constant 0 : i32
      %dma_start3A_133 = tpu.memref_slice %dma_start3A_130[%dma_start3A_131, %dma_start3A_132] : memref<10000x128xf32, #tpu.memory_space<hbm>> -> memref<10000x128xf32, #tpu.memory_space<hbm>>
      tpu.enqueue_indirect_dma source(%dma_start3A_133 : memref<10000x128xf32, #tpu.memory_space<hbm>>) target(%arg9 : memref<128x128xf32, #tpu.memory_space<vmem>>) offsets(%dma_start3A_126 : memref<128xi32, #tpu.memory_space<vmem>>) semaphore(%arg12 : memref<!tpu.dma_semaphore, #tpu.memory_space<semaphore_mem>>)
      %mul3A_134 = arith.constant 2 : i32
      %mul3A_135 = arith.muli %mul3A_134, %add3A_107 : i32
      %add3A_136 = arith.constant 1 : i32
      %add3A_137 = arith.addi %mul3A_135, %add3A_136 : i32
      %dma_wait3A_138 = arith.constant 0 : i32
      %dma_wait3A_139 = tpu.memref_slice %arg7[%add3A_137, %dma_wait3A_138] : memref<40x128xi32, #tpu.memory_space<vmem>> -> memref<1x128xi32, #tpu.memory_space<vmem>>
      %dma_wait3A_140 = tpu.memref_squeeze %dma_wait3A_139 : memref<1x128xi32, #tpu.memory_space<vmem>> -> memref<128xi32, #tpu.memory_space<vmem>>
      %dma_wait3A_141 = arith.constant 0 : i32
      %dma_wait3A_142 = arith.constant 0 : i32
      %dma_wait3A_143 = tpu.memref_slice %arg2[%add3A_3, %dma_wait3A_141, %dma_wait3A_142] : memref<2x10000x128xf32, #tpu.memory_space<hbm>> -> memref<1x10000x128xf32, #tpu.memory_space<hbm>>
      %dma_wait3A_144 = tpu.memref_squeeze %dma_wait3A_143 : memref<1x10000x128xf32, #tpu.memory_space<hbm>> -> memref<10000x128xf32, #tpu.memory_space<hbm>>
      %dma_wait3A_145 = arith.constant 0 : i32
      %dma_wait3A_146 = arith.constant 0 : i32
      %dma_wait3A_147 = tpu.memref_slice %dma_wait3A_144[%dma_wait3A_145, %dma_wait3A_146] : memref<10000x128xf32, #tpu.memory_space<hbm>> -> memref<10000x128xf32, #tpu.memory_space<hbm>>
      tpu.wait_indirect_dma semaphore(%arg13 : memref<!tpu.dma_semaphore, #tpu.memory_space<semaphore_mem>>) src(%dma_wait3A_147 : memref<10000x128xf32, #tpu.memory_space<hbm>>) dst(%arg10 : memref<128x128xf32, #tpu.memory_space<vmem>>)
      "tpu.region"() ({
        %run_scoped3A_160 = tpu.sem_alloc : memref<!tpu.dma_semaphore, #tpu.memory_space<semaphore_mem>>
        %dma_start3A_161 = arith.constant 0 : i32
        %dma_start3A_162 = tpu.memref_slice %arg8[%add3A_137, %dma_start3A_161] : memref<40x128xi32, #tpu.memory_space<vmem>> -> memref<1x128xi32, #tpu.memory_space<vmem>>
        %dma_start3A_163 = tpu.memref_squeeze %dma_start3A_162 : memref<1x128xi32, #tpu.memory_space<vmem>> -> memref<128xi32, #tpu.memory_space<vmem>>
        %dma_start3A_164 = arith.constant 0 : i32
        %dma_start3A_165 = arith.constant 0 : i32
        %dma_start3A_166 = tpu.memref_slice %arg11[%dma_start3A_164, %dma_start3A_165] : memref<10112x128xf32, #tpu.memory_space<vmem_shared>> -> memref<10112x128xf32, #tpu.memory_space<vmem_shared>>
        tpu.enqueue_indirect_dma source(%arg10 : memref<128x128xf32, #tpu.memory_space<vmem>>) target(%dma_start3A_166 : memref<10112x128xf32, #tpu.memory_space<vmem_shared>>) offsets(%dma_start3A_163 : memref<128xi32, #tpu.memory_space<vmem>>) semaphore(%run_scoped3A_160 : memref<!tpu.dma_semaphore, #tpu.memory_space<semaphore_mem>>) {add = true}
        %dma_wait3A_167 = arith.constant 0 : i32
        %dma_wait3A_168 = tpu.memref_slice %arg8[%add3A_137, %dma_wait3A_167] : memref<40x128xi32, #tpu.memory_space<vmem>> -> memref<1x128xi32, #tpu.memory_space<vmem>>
        %dma_wait3A_169 = tpu.memref_squeeze %dma_wait3A_168 : memref<1x128xi32, #tpu.memory_space<vmem>> -> memref<128xi32, #tpu.memory_space<vmem>>
        %dma_wait3A_170 = arith.constant 0 : i32
        %dma_wait3A_171 = arith.constant 0 : i32
        %dma_wait3A_172 = tpu.memref_slice %arg11[%dma_wait3A_170, %dma_wait3A_171] : memref<10112x128xf32, #tpu.memory_space<vmem_shared>> -> memref<10112x128xf32, #tpu.memory_space<vmem_shared>>
        tpu.wait_indirect_dma semaphore(%run_scoped3A_160 : memref<!tpu.dma_semaphore, #tpu.memory_space<semaphore_mem>>) src(%arg10 : memref<128x128xf32, #tpu.memory_space<vmem>>) dst(%dma_wait3A_172 : memref<10112x128xf32, #tpu.memory_space<vmem_shared>>)
        tpu.yield
      }) : () -> ()
      %add3A_148 = arith.constant 2 : i32
      %add3A_149 = arith.addi %add3A_137, %add3A_148 : i32
      %dma_start3A_150 = arith.constant 0 : i32
      %dma_start3A_151 = tpu.memref_slice %arg7[%add3A_149, %dma_start3A_150] : memref<40x128xi32, #tpu.memory_space<vmem>> -> memref<1x128xi32, #tpu.memory_space<vmem>>
      %dma_start3A_152 = tpu.memref_squeeze %dma_start3A_151 : memref<1x128xi32, #tpu.memory_space<vmem>> -> memref<128xi32, #tpu.memory_space<vmem>>
      %dma_start3A_153 = arith.constant 0 : i32
      %dma_start3A_154 = arith.constant 0 : i32
      %dma_start3A_155 = tpu.memref_slice %arg2[%add3A_3, %dma_start3A_153, %dma_start3A_154] : memref<2x10000x128xf32, #tpu.memory_space<hbm>> -> memref<1x10000x128xf32, #tpu.memory_space<hbm>>
      %dma_start3A_156 = tpu.memref_squeeze %dma_start3A_155 : memref<1x10000x128xf32, #tpu.memory_space<hbm>> -> memref<10000x128xf32, #tpu.memory_space<hbm>>
      %dma_start3A_157 = arith.constant 0 : i32
      %dma_start3A_158 = arith.constant 0 : i32
      %dma_start3A_159 = tpu.memref_slice %dma_start3A_156[%dma_start3A_157, %dma_start3A_158] : memref<10000x128xf32, #tpu.memory_space<hbm>> -> memref<10000x128xf32, #tpu.memory_space<hbm>>
      tpu.enqueue_indirect_dma source(%dma_start3A_159 : memref<10000x128xf32, #tpu.memory_space<hbm>>) target(%arg10 : memref<128x128xf32, #tpu.memory_space<vmem>>) offsets(%dma_start3A_152 : memref<128xi32, #tpu.memory_space<vmem>>) semaphore(%arg13 : memref<!tpu.dma_semaphore, #tpu.memory_space<semaphore_mem>>)
    }
    %scan3A_77 = arith.constant 19 : i32
    %dma_wait3A_78 = arith.constant 38 : i32
    %dma_wait3A_79 = arith.constant 0 : i32
    %dma_wait3A_80 = tpu.memref_slice %arg7[%dma_wait3A_78, %dma_wait3A_79] : memref<40x128xi32, #tpu.memory_space<vmem>> -> memref<1x128xi32, #tpu.memory_space<vmem>>
    %dma_wait3A_81 = tpu.memref_squeeze %dma_wait3A_80 : memref<1x128xi32, #tpu.memory_space<vmem>> -> memref<128xi32, #tpu.memory_space<vmem>>
    %dma_wait3A_82 = arith.constant 0 : i32
    %dma_wait3A_83 = arith.constant 0 : i32
    %dma_wait3A_84 = tpu.memref_slice %arg2[%add3A_3, %dma_wait3A_82, %dma_wait3A_83] : memref<2x10000x128xf32, #tpu.memory_space<hbm>> -> memref<1x10000x128xf32, #tpu.memory_space<hbm>>
    %dma_wait3A_85 = tpu.memref_squeeze %dma_wait3A_84 : memref<1x10000x128xf32, #tpu.memory_space<hbm>> -> memref<10000x128xf32, #tpu.memory_space<hbm>>
    %dma_wait3A_86 = arith.constant 0 : i32
    %dma_wait3A_87 = arith.constant 0 : i32
    %dma_wait3A_88 = tpu.memref_slice %dma_wait3A_85[%dma_wait3A_86, %dma_wait3A_87] : memref<10000x128xf32, #tpu.memory_space<hbm>> -> memref<10000x128xf32, #tpu.memory_space<hbm>>
    tpu.wait_indirect_dma semaphore(%arg12 : memref<!tpu.dma_semaphore, #tpu.memory_space<semaphore_mem>>) src(%dma_wait3A_88 : memref<10000x128xf32, #tpu.memory_space<hbm>>) dst(%arg9 : memref<128x128xf32, #tpu.memory_space<vmem>>)
    %run_scoped3A_89 = arith.constant 38 : i32
    "tpu.region"() ({
      %run_scoped3A_103 = tpu.sem_alloc : memref<!tpu.dma_semaphore, #tpu.memory_space<semaphore_mem>>
      %dma_start3A_104 = arith.constant 0 : i32
      %dma_start3A_105 = tpu.memref_slice %arg8[%run_scoped3A_89, %dma_start3A_104] : memref<40x128xi32, #tpu.memory_space<vmem>> -> memref<1x128xi32, #tpu.memory_space<vmem>>
      %dma_start3A_106 = tpu.memref_squeeze %dma_start3A_105 : memref<1x128xi32, #tpu.memory_space<vmem>> -> memref<128xi32, #tpu.memory_space<vmem>>
      %dma_start3A_107 = arith.constant 0 : i32
      %dma_start3A_108 = arith.constant 0 : i32
      %dma_start3A_109 = tpu.memref_slice %arg11[%dma_start3A_107, %dma_start3A_108] : memref<10112x128xf32, #tpu.memory_space<vmem_shared>> -> memref<10112x128xf32, #tpu.memory_space<vmem_shared>>
      tpu.enqueue_indirect_dma source(%arg9 : memref<128x128xf32, #tpu.memory_space<vmem>>) target(%dma_start3A_109 : memref<10112x128xf32, #tpu.memory_space<vmem_shared>>) offsets(%dma_start3A_106 : memref<128xi32, #tpu.memory_space<vmem>>) semaphore(%run_scoped3A_103 : memref<!tpu.dma_semaphore, #tpu.memory_space<semaphore_mem>>) {add = true}
      %dma_wait3A_110 = arith.constant 0 : i32
      %dma_wait3A_111 = tpu.memref_slice %arg8[%run_scoped3A_89, %dma_wait3A_110] : memref<40x128xi32, #tpu.memory_space<vmem>> -> memref<1x128xi32, #tpu.memory_space<vmem>>
      %dma_wait3A_112 = tpu.memref_squeeze %dma_wait3A_111 : memref<1x128xi32, #tpu.memory_space<vmem>> -> memref<128xi32, #tpu.memory_space<vmem>>
      %dma_wait3A_113 = arith.constant 0 : i32
      %dma_wait3A_114 = arith.constant 0 : i32
      %dma_wait3A_115 = tpu.memref_slice %arg11[%dma_wait3A_113, %dma_wait3A_114] : memref<10112x128xf32, #tpu.memory_space<vmem_shared>> -> memref<10112x128xf32, #tpu.memory_space<vmem_shared>>
      tpu.wait_indirect_dma semaphore(%run_scoped3A_103 : memref<!tpu.dma_semaphore, #tpu.memory_space<semaphore_mem>>) src(%arg9 : memref<128x128xf32, #tpu.memory_space<vmem>>) dst(%dma_wait3A_115 : memref<10112x128xf32, #tpu.memory_space<vmem_shared>>)
      tpu.yield
    }) : () -> ()
    %dma_wait3A_90 = arith.constant 39 : i32
    %dma_wait3A_91 = arith.constant 0 : i32
    %dma_wait3A_92 = tpu.memref_slice %arg7[%dma_wait3A_90, %dma_wait3A_91] : memref<40x128xi32, #tpu.memory_space<vmem>> -> memref<1x128xi32, #tpu.memory_space<vmem>>
    %dma_wait3A_93 = tpu.memref_squeeze %dma_wait3A_92 : memref<1x128xi32, #tpu.memory_space<vmem>> -> memref<128xi32, #tpu.memory_space<vmem>>
    %dma_wait3A_94 = arith.constant 0 : i32
    %dma_wait3A_95 = arith.constant 0 : i32
    %dma_wait3A_96 = tpu.memref_slice %arg2[%add3A_3, %dma_wait3A_94, %dma_wait3A_95] : memref<2x10000x128xf32, #tpu.memory_space<hbm>> -> memref<1x10000x128xf32, #tpu.memory_space<hbm>>
    %dma_wait3A_97 = tpu.memref_squeeze %dma_wait3A_96 : memref<1x10000x128xf32, #tpu.memory_space<hbm>> -> memref<10000x128xf32, #tpu.memory_space<hbm>>
    %dma_wait3A_98 = arith.constant 0 : i32
    %dma_wait3A_99 = arith.constant 0 : i32
    %dma_wait3A_100 = tpu.memref_slice %dma_wait3A_97[%dma_wait3A_98, %dma_wait3A_99] : memref<10000x128xf32, #tpu.memory_space<hbm>> -> memref<10000x128xf32, #tpu.memory_space<hbm>>
    tpu.wait_indirect_dma semaphore(%arg13 : memref<!tpu.dma_semaphore, #tpu.memory_space<semaphore_mem>>) src(%dma_wait3A_100 : memref<10000x128xf32, #tpu.memory_space<hbm>>) dst(%arg10 : memref<128x128xf32, #tpu.memory_space<vmem>>)
    %run_scoped3A_101 = arith.constant 39 : i32
    "tpu.region"() ({
      %run_scoped3A_103 = tpu.sem_alloc : memref<!tpu.dma_semaphore, #tpu.memory_space<semaphore_mem>>
      %dma_start3A_104 = arith.constant 0 : i32
      %dma_start3A_105 = tpu.memref_slice %arg8[%run_scoped3A_101, %dma_start3A_104] : memref<40x128xi32, #tpu.memory_space<vmem>> -> memref<1x128xi32, #tpu.memory_space<vmem>>
      %dma_start3A_106 = tpu.memref_squeeze %dma_start3A_105 : memref<1x128xi32, #tpu.memory_space<vmem>> -> memref<128xi32, #tpu.memory_space<vmem>>
      %dma_start3A_107 = arith.constant 0 : i32
      %dma_start3A_108 = arith.constant 0 : i32
      %dma_start3A_109 = tpu.memref_slice %arg11[%dma_start3A_107, %dma_start3A_108] : memref<10112x128xf32, #tpu.memory_space<vmem_shared>> -> memref<10112x128xf32, #tpu.memory_space<vmem_shared>>
      tpu.enqueue_indirect_dma source(%arg10 : memref<128x128xf32, #tpu.memory_space<vmem>>) target(%dma_start3A_109 : memref<10112x128xf32, #tpu.memory_space<vmem_shared>>) offsets(%dma_start3A_106 : memref<128xi32, #tpu.memory_space<vmem>>) semaphore(%run_scoped3A_103 : memref<!tpu.dma_semaphore, #tpu.memory_space<semaphore_mem>>) {add = true}
      %dma_wait3A_110 = arith.constant 0 : i32
      %dma_wait3A_111 = tpu.memref_slice %arg8[%run_scoped3A_101, %dma_wait3A_110] : memref<40x128xi32, #tpu.memory_space<vmem>> -> memref<1x128xi32, #tpu.memory_space<vmem>>
      %dma_wait3A_112 = tpu.memref_squeeze %dma_wait3A_111 : memref<1x128xi32, #tpu.memory_space<vmem>> -> memref<128xi32, #tpu.memory_space<vmem>>
      %dma_wait3A_113 = arith.constant 0 : i32
      %dma_wait3A_114 = arith.constant 0 : i32
      %dma_wait3A_115 = tpu.memref_slice %arg11[%dma_wait3A_113, %dma_wait3A_114] : memref<10112x128xf32, #tpu.memory_space<vmem_shared>> -> memref<10112x128xf32, #tpu.memory_space<vmem_shared>>
      tpu.wait_indirect_dma semaphore(%run_scoped3A_103 : memref<!tpu.dma_semaphore, #tpu.memory_space<semaphore_mem>>) src(%arg10 : memref<128x128xf32, #tpu.memory_space<vmem>>) dst(%dma_wait3A_115 : memref<10112x128xf32, #tpu.memory_space<vmem_shared>>)
      tpu.yield
    }) : () -> ()
    %barrier3A_102 = arith.constant 0 : index
    tpu.barrier barrier_id(%barrier3A_102)
    "tpu.region"() ({
      %run_scoped3A_103 = tpu.sem_alloc : memref<!tpu.dma_semaphore, #tpu.memory_space<semaphore_mem>>
      %dma_start3A_104 = arith.constant 0 : i32
      %dma_start3A_105 = arith.constant 0 : i32
      %dma_start3A_106 = tpu.memref_slice %arg6[%add3A_3, %dma_start3A_104, %dma_start3A_105] : memref<2x10112x128xf32, #tpu.memory_space<hbm>> -> memref<1x10112x128xf32, #tpu.memory_space<hbm>>
      %dma_start3A_107 = tpu.memref_squeeze %dma_start3A_106 : memref<1x10112x128xf32, #tpu.memory_space<hbm>> -> memref<10112x128xf32, #tpu.memory_space<hbm>>
      %dma_start3A_108 = arith.constant 0 : i32
      %dma_start3A_109 = tpu.memref_slice %dma_start3A_107[%mul3A_0, %dma_start3A_108] : memref<10112x128xf32, #tpu.memory_space<hbm>> -> memref<632x128xf32, #tpu.memory_space<hbm>>
      %dma_start3A_110 = arith.constant 0 : i32
      %dma_start3A_111 = tpu.memref_slice %arg11[%mul3A_0, %dma_start3A_110] : memref<10112x128xf32, #tpu.memory_space<vmem_shared>> -> memref<632x128xf32, #tpu.memory_space<vmem_shared>>
      tpu.enqueue_dma source(%dma_start3A_111 : memref<632x128xf32, #tpu.memory_space<vmem_shared>>) target(%dma_start3A_109 : memref<632x128xf32, #tpu.memory_space<hbm>>) target_semaphore(%run_scoped3A_103 : memref<!tpu.dma_semaphore, #tpu.memory_space<semaphore_mem>>)
      %dma_wait3A_112 = arith.constant 0 : i32
      %dma_wait3A_113 = arith.constant 0 : i32
      %dma_wait3A_114 = tpu.memref_slice %arg6[%add3A_3, %dma_wait3A_112, %dma_wait3A_113] : memref<2x10112x128xf32, #tpu.memory_space<hbm>> -> memref<1x10112x128xf32, #tpu.memory_space<hbm>>
      %dma_wait3A_115 = tpu.memref_squeeze %dma_wait3A_114 : memref<1x10112x128xf32, #tpu.memory_space<hbm>> -> memref<10112x128xf32, #tpu.memory_space<hbm>>
      %dma_wait3A_116 = arith.constant 0 : i32
      %dma_wait3A_117 = tpu.memref_slice %dma_wait3A_115[%mul3A_0, %dma_wait3A_116] : memref<10112x128xf32, #tpu.memory_space<hbm>> -> memref<632x128xf32, #tpu.memory_space<hbm>>
      %dma_wait3A_118 = arith.constant 0 : i32
      %dma_wait3A_119 = tpu.memref_slice %arg11[%mul3A_0, %dma_wait3A_118] : memref<10112x128xf32, #tpu.memory_space<vmem_shared>> -> memref<632x128xf32, #tpu.memory_space<vmem_shared>>
      tpu.wait_dma2 semaphore(%run_scoped3A_103 : memref<!tpu.dma_semaphore, #tpu.memory_space<semaphore_mem>>) src(%dma_wait3A_119 : memref<632x128xf32, #tpu.memory_space<vmem_shared>>) dst(%dma_wait3A_117 : memref<632x128xf32, #tpu.memory_space<hbm>>)
      tpu.yield
    }) : () -> ()
    return
  }
}

module attributes {stable_mosaic.version = 14 : i64} {
  func.func @_dinv_body(%arg0: i32, %arg1: memref<2x1000x128xf32, #tpu.memory_space<vmem>>, %arg2: memref<1000x128xf32, #tpu.memory_space<vmem>>) attributes {dimension_semantics = [#tpu.dimension_semantics<arbitrary>], iteration_bounds = array<i64: 10>, scalar_prefetch = 0 : i64, scratch_operands = 0 : i64, tpu.core_type = #tpu.core_type<tc>, window_params = [{transform_indices = @transform_0, window_bounds = array<i64: 2, 1000, 128>}, {transform_indices = @transform_1, window_bounds = array<i64: 1000, 128>}]} {
    %get3A = arith.constant 0 : index
    %get3A_0 = arith.constant 0 : index
    %get3A_1 = arith.constant 0 : index
    %get3A_2 = vector.load %arg1[%get3A, %get3A_0, %get3A_1] : memref<2x1000x128xf32, #tpu.memory_space<vmem>>, vector<1x1000x1xf32>
    %get3A_3 = vector.shape_cast %get3A_2 : vector<1x1000x1xf32> to vector<1000x1xf32>
    %add3A = arith.constant 1.000000e+00 : f32
    %add3A_4 = vector.broadcast %add3A : f32 to vector<1000x1xf32>
    %add3A_5 = arith.addf %add3A_4, %get3A_3 : vector<1000x1xf32>
    %get3A_6 = arith.constant 1 : index
    %get3A_7 = arith.constant 0 : index
    %get3A_8 = arith.constant 0 : index
    %get3A_9 = vector.load %arg1[%get3A_6, %get3A_7, %get3A_8] : memref<2x1000x128xf32, #tpu.memory_space<vmem>>, vector<1x1000x1xf32>
    %get3A_10 = vector.shape_cast %get3A_9 : vector<1x1000x1xf32> to vector<1000x1xf32>
    %add3A_11 = arith.addf %add3A_5, %get3A_10 : vector<1000x1xf32>
    %rsqrt3A = math.rsqrt %add3A_11 : vector<1000x1xf32>
    %broadcast_in_dim3A = vector.shape_cast %rsqrt3A : vector<1000x1xf32> to vector<1000x1xf32>
    %broadcast_in_dim3A_12 = vector.broadcast %broadcast_in_dim3A : vector<1000x1xf32> to vector<1000x128xf32>
    %swap3A = arith.constant 0 : index
    %swap3A_13 = arith.constant 0 : index
    %swap3A_14 = vector.load %arg2[%swap3A, %swap3A_13] : memref<1000x128xf32, #tpu.memory_space<vmem>>, vector<1000x128xf32>
    tpu.vector_store %arg2[%swap3A, %swap3A_13], %broadcast_in_dim3A_12 {strides = array<i32>} : memref<1000x128xf32, #tpu.memory_space<vmem>>, vector<1000x128xf32>,
    return
  }
  func.func @transform_0(%arg0: i32) -> (i32, i32, i32) {
    %c0_i32 = arith.constant 0 : i32
    %c0_i32_0 = arith.constant 0 : i32
    %c0_i32_1 = arith.constant 0 : i32
    return %c0_i32, %arg0, %c0_i32_0 : i32, i32, i32
  }
  func.func @transform_1(%arg0: i32) -> (i32, i32) {
    %c0_i32 = arith.constant 0 : i32
    %c0_i32_0 = arith.constant 0 : i32
    return %arg0, %c0_i32 : i32, i32
  }
}

module attributes {stable_mosaic.version = 14 : i64} {
  func.func @_mm1_body(%arg0: i32, %arg1: i32, %arg2: memref<1000x256xf32, #tpu.memory_space<vmem>>, %arg3: memref<256x128xf32, #tpu.memory_space<vmem>>, %arg4: memref<1000x128xf32, #tpu.memory_space<vmem>>, %arg5: memref<1x1000x128xf32, #tpu.memory_space<vmem>>) attributes {dimension_semantics = [#tpu.dimension_semantics<arbitrary>, #tpu.dimension_semantics<arbitrary>], iteration_bounds = array<i64: 4, 10>, scalar_prefetch = 0 : i64, scratch_operands = 0 : i64, tpu.core_type = #tpu.core_type<tc>, window_params = [{transform_indices = @transform_0, window_bounds = array<i64: 1000, 256>}, {transform_indices = @transform_1, window_bounds = array<i64: 256, 128>}, {transform_indices = @transform_2, window_bounds = array<i64: 1000, 128>}, {transform_indices = @transform_3, window_bounds = array<i64: 1, 1000, 128>}]} {
    %get3A = arith.constant 0 : index
    %get3A_0 = arith.constant 0 : index
    %get3A_1 = vector.load %arg2[%get3A, %get3A_0] : memref<1000x256xf32, #tpu.memory_space<vmem>>, vector<1000x256xf32>
    %get3A_2 = arith.constant 0 : index
    %get3A_3 = arith.constant 0 : index
    %get3A_4 = vector.load %arg3[%get3A_2, %get3A_3] : memref<256x128xf32, #tpu.memory_space<vmem>>, vector<256x128xf32>
    %dot_general3A = arith.constant dense<0.000000e+00> : vector<1000x128xf32>
    %dot_general3A_5 = tpu.matmul %get3A_1, %get3A_4, %dot_general3A {dimension_numbers = #tpu.dot_dimension_numbers<[1], [0], [0], [1], [0, 0, 1, 1], [], []>, transpose_lhs_hint = false} : vector<1000x256xf32>, vector<256x128xf32>, vector<1000x128xf32> -> vector<1000x128xf32>
    %get3A_6 = arith.constant 0 : index
    %get3A_7 = arith.constant 0 : index
    %get3A_8 = vector.load %arg4[%get3A_6, %get3A_7] : memref<1000x128xf32, #tpu.memory_space<vmem>>, vector<1000x128xf32>
    %mul3A = arith.mulf %get3A_8, %dot_general3A_5 : vector<1000x128xf32>
    %swap3A = arith.constant 0 : index
    %swap3A_9 = arith.constant 0 : index
    %swap3A_10 = arith.constant 0 : index
    %swap3A_11 = vector.load %arg5[%swap3A, %swap3A_9, %swap3A_10] : memref<1x1000x128xf32, #tpu.memory_space<vmem>>, vector<1x1000x128xf32>
    %swap3A_12 = vector.shape_cast %swap3A_11 : vector<1x1000x128xf32> to vector<1000x128xf32>
    %swap3A_13 = vector.shape_cast %mul3A : vector<1000x128xf32> to vector<1x1000x128xf32>
    tpu.vector_store %arg5[%swap3A, %swap3A_9, %swap3A_10], %swap3A_13 {strides = array<i32>} : memref<1x1000x128xf32, #tpu.memory_space<vmem>>, vector<1x1000x128xf32>,
    return
  }
  func.func @transform_0(%arg0: i32, %arg1: i32) -> (i32, i32) {
    %c0_i32 = arith.constant 0 : i32
    %c0_i32_0 = arith.constant 0 : i32
    return %arg1, %c0_i32 : i32, i32
  }
  func.func @transform_1(%arg0: i32, %arg1: i32) -> (i32, i32) {
    %c0_i32 = arith.constant 0 : i32
    %c0_i32_0 = arith.constant 0 : i32
    return %c0_i32, %arg0 : i32, i32
  }
  func.func @transform_2(%arg0: i32, %arg1: i32) -> (i32, i32) {
    %c0_i32 = arith.constant 0 : i32
    %c0_i32_0 = arith.constant 0 : i32
    return %arg1, %c0_i32 : i32, i32
  }
  func.func @transform_3(%arg0: i32, %arg1: i32) -> (i32, i32, i32) {
    %c0_i32 = arith.constant 0 : i32
    %c0_i32_0 = arith.constant 0 : i32
    return %arg0, %arg1, %c0_i32 : i32, i32, i32
  }
}

module attributes {stable_mosaic.version = 14 : i64} {
  func.func @_mm2_body(%arg0: i32, %arg1: i32, %arg2: i32, %arg3: memref<1x1000x128xf32, #tpu.memory_space<vmem>>, %arg4: memref<1x1000x128xf32, #tpu.memory_space<vmem>>, %arg5: memref<128x128xf32, #tpu.memory_space<vmem>>, %arg6: memref<1000x128xf32, #tpu.memory_space<vmem>>, %arg7: memref<1x1x128xf32, #tpu.memory_space<vmem>>, %arg8: memref<1x1000x128xf32, #tpu.memory_space<vmem>>) attributes {dimension_semantics = [#tpu.dimension_semantics<arbitrary>, #tpu.dimension_semantics<arbitrary>, #tpu.dimension_semantics<arbitrary>], iteration_bounds = array<i64: 2, 10, 4>, scalar_prefetch = 0 : i64, scratch_operands = 0 : i64, tpu.core_type = #tpu.core_type<tc>, window_params = [{transform_indices = @transform_0, window_bounds = array<i64: 1, 1000, 128>}, {transform_indices = @transform_1, window_bounds = array<i64: 1, 1000, 128>}, {transform_indices = @transform_2, window_bounds = array<i64: 128, 128>}, {transform_indices = @transform_3, window_bounds = array<i64: 1000, 128>}, {transform_indices = @transform_4, window_bounds = array<i64: 1, 1, 128>}, {transform_indices = @transform_5, window_bounds = array<i64: 1, 1000, 128>}]} {
    %get3A = arith.constant 0 : index
    %get3A_0 = arith.constant 0 : index
    %get3A_1 = vector.load %arg6[%get3A, %get3A_0] : memref<1000x128xf32, #tpu.memory_space<vmem>>, vector<1000x128xf32>
    %get3A_2 = arith.constant 0 : index
    %get3A_3 = arith.constant 0 : index
    %get3A_4 = arith.constant 0 : index
    %get3A_5 = vector.load %arg3[%get3A_2, %get3A_3, %get3A_4] : memref<1x1000x128xf32, #tpu.memory_space<vmem>>, vector<1x1000x128xf32>
    %get3A_6 = vector.shape_cast %get3A_5 : vector<1x1000x128xf32> to vector<1000x128xf32>
    %get3A_7 = arith.constant 0 : index
    %get3A_8 = arith.constant 0 : index
    %get3A_9 = arith.constant 0 : index
    %get3A_10 = vector.load %arg4[%get3A_7, %get3A_8, %get3A_9] : memref<1x1000x128xf32, #tpu.memory_space<vmem>>, vector<1x1000x128xf32>
    %get3A_11 = vector.shape_cast %get3A_10 : vector<1x1000x128xf32> to vector<1000x128xf32>
    %add3A = arith.addf %get3A_6, %get3A_11 : vector<1000x128xf32>
    %mul3A = arith.mulf %get3A_1, %add3A : vector<1000x128xf32>
    %get3A_12 = arith.constant 0 : index
    %get3A_13 = arith.constant 0 : index
    %get3A_14 = arith.constant 0 : index
    %get3A_15 = vector.load %arg7[%get3A_12, %get3A_13, %get3A_14] : memref<1x1x128xf32, #tpu.memory_space<vmem>>, vector<1x1x128xf32>
    %get3A_16 = vector.shape_cast %get3A_15 : vector<1x1x128xf32> to vector<1x128xf32>
    %add3A_17 = vector.broadcast %get3A_16 : vector<1x128xf32> to vector<1000x128xf32>
    %add3A_18 = arith.addf %mul3A, %add3A_17 : vector<1000x128xf32>
    %max3A = arith.constant 0.000000e+00 : f32
    %max3A_19 = vector.broadcast %max3A : f32 to vector<1000x128xf32>
    %max3A_20 = arith.maximumf %add3A_18, %max3A_19 : vector<1000x128xf32>
    %eq3A = arith.constant 0 : i32
    %eq3A_21 = arith.cmpi eq, %arg2, %eq3A : i32
    %convert_element_type3A = arith.extui %eq3A_21 : i1 to i32
    %cond3A = arith.constant 0 : i32
    %cond3A_22 = arith.cmpi ne, %convert_element_type3A, %cond3A : i32
    scf.if %cond3A_22 {
      %broadcast_in_dim3A = arith.constant 0.000000e+00 : f32
      %broadcast_in_dim3A_43 = vector.broadcast %broadcast_in_dim3A : f32 to vector<1000x128xf32>
      %swap3A_44 = arith.constant 0 : index
      %swap3A_45 = arith.constant 0 : index
      %swap3A_46 = arith.constant 0 : index
      %swap3A_47 = vector.load %arg8[%swap3A_44, %swap3A_45, %swap3A_46] : memref<1x1000x128xf32, #tpu.memory_space<vmem>>, vector<1x1000x128xf32>
      %swap3A_48 = vector.shape_cast %swap3A_47 : vector<1x1000x128xf32> to vector<1000x128xf32>
      %swap3A_49 = vector.shape_cast %broadcast_in_dim3A_43 : vector<1000x128xf32> to vector<1x1000x128xf32>
      tpu.vector_store %arg8[%swap3A_44, %swap3A_45, %swap3A_46], %swap3A_49 {strides = array<i32>} : memref<1x1000x128xf32, #tpu.memory_space<vmem>>, vector<1x1000x128xf32>,
    } else {
    }
    %get3A_23 = arith.constant 0 : index
    %get3A_24 = arith.constant 0 : index
    %get3A_25 = arith.constant 0 : index
    %get3A_26 = vector.load %arg8[%get3A_23, %get3A_24, %get3A_25] : memref<1x1000x128xf32, #tpu.memory_space<vmem>>, vector<1x1000x128xf32>
    %get3A_27 = vector.shape_cast %get3A_26 : vector<1x1000x128xf32> to vector<1000x128xf32>
    %get3A_28 = arith.constant 0 : index
    %get3A_29 = arith.constant 0 : index
    %get3A_30 = vector.load %arg5[%get3A_28, %get3A_29] : memref<128x128xf32, #tpu.memory_space<vmem>>, vector<128x128xf32>
    %dot_general3A = arith.constant dense<0.000000e+00> : vector<1000x128xf32>
    %dot_general3A_31 = tpu.matmul %max3A_20, %get3A_30, %dot_general3A {dimension_numbers = #tpu.dot_dimension_numbers<[1], [0], [0], [1], [0, 0, 1, 1], [], []>, transpose_lhs_hint = false} : vector<1000x128xf32>, vector<128x128xf32>, vector<1000x128xf32> -> vector<1000x128xf32>
    %add3A_32 = arith.addf %get3A_27, %dot_general3A_31 : vector<1000x128xf32>
    %swap3A = arith.constant 0 : index
    %swap3A_33 = arith.constant 0 : index
    %swap3A_34 = arith.constant 0 : index
    %swap3A_35 = vector.load %arg8[%swap3A, %swap3A_33, %swap3A_34] : memref<1x1000x128xf32, #tpu.memory_space<vmem>>, vector<1x1000x128xf32>
    %swap3A_36 = vector.shape_cast %swap3A_35 : vector<1x1000x128xf32> to vector<1000x128xf32>
    %swap3A_37 = vector.shape_cast %add3A_32 : vector<1000x128xf32> to vector<1x1000x128xf32>
    tpu.vector_store %arg8[%swap3A, %swap3A_33, %swap3A_34], %swap3A_37 {strides = array<i32>} : memref<1x1000x128xf32, #tpu.memory_space<vmem>>, vector<1x1000x128xf32>,
    %eq3A_38 = arith.constant 3 : i32
    %eq3A_39 = arith.cmpi eq, %arg2, %eq3A_38 : i32
    %convert_element_type3A_40 = arith.extui %eq3A_39 : i1 to i32
    %cond3A_41 = arith.constant 0 : i32
    %cond3A_42 = arith.cmpi ne, %convert_element_type3A_40, %cond3A_41 : i32
    scf.if %cond3A_42 {
      %get3A_43 = arith.constant 0 : index
      %get3A_44 = arith.constant 0 : index
      %get3A_45 = vector.load %arg6[%get3A_43, %get3A_44] : memref<1000x128xf32, #tpu.memory_space<vmem>>, vector<1000x128xf32>
      %get3A_46 = arith.constant 0 : index
      %get3A_47 = arith.constant 0 : index
      %get3A_48 = arith.constant 0 : index
      %get3A_49 = vector.load %arg8[%get3A_46, %get3A_47, %get3A_48] : memref<1x1000x128xf32, #tpu.memory_space<vmem>>, vector<1x1000x128xf32>
      %get3A_50 = vector.shape_cast %get3A_49 : vector<1x1000x128xf32> to vector<1000x128xf32>
      %mul3A_51 = arith.mulf %get3A_45, %get3A_50 : vector<1000x128xf32>
      %swap3A_52 = arith.constant 0 : index
      %swap3A_53 = arith.constant 0 : index
      %swap3A_54 = arith.constant 0 : index
      %swap3A_55 = vector.load %arg8[%swap3A_52, %swap3A_53, %swap3A_54] : memref<1x1000x128xf32, #tpu.memory_space<vmem>>, vector<1x1000x128xf32>
      %swap3A_56 = vector.shape_cast %swap3A_55 : vector<1x1000x128xf32> to vector<1000x128xf32>
      %swap3A_57 = vector.shape_cast %mul3A_51 : vector<1000x128xf32> to vector<1x1000x128xf32>
      tpu.vector_store %arg8[%swap3A_52, %swap3A_53, %swap3A_54], %swap3A_57 {strides = array<i32>} : memref<1x1000x128xf32, #tpu.memory_space<vmem>>, vector<1x1000x128xf32>,
    } else {
    }
    return
  }
  func.func @transform_0(%arg0: i32, %arg1: i32, %arg2: i32) -> (i32, i32, i32) {
    %c0_i32 = arith.constant 0 : i32
    %c0_i32_0 = arith.constant 0 : i32
    return %arg2, %arg1, %c0_i32 : i32, i32, i32
  }
  func.func @transform_1(%arg0: i32, %arg1: i32, %arg2: i32) -> (i32, i32, i32) {
    %c0_i32 = arith.constant 0 : i32
    %c0_i32_0 = arith.constant 0 : i32
    return %arg2, %arg1, %c0_i32 : i32, i32, i32
  }
  func.func @transform_2(%arg0: i32, %arg1: i32, %arg2: i32) -> (i32, i32) {
    %c0_i32 = arith.constant 0 : i32
    return %arg2, %arg0 : i32, i32
  }
  func.func @transform_3(%arg0: i32, %arg1: i32, %arg2: i32) -> (i32, i32) {
    %c0_i32 = arith.constant 0 : i32
    %c0_i32_0 = arith.constant 0 : i32
    return %arg1, %c0_i32 : i32, i32
  }
  func.func @transform_4(%arg0: i32, %arg1: i32, %arg2: i32) -> (i32, i32, i32) {
    %c0_i32 = arith.constant 0 : i32
    %c0_i32_0 = arith.constant 0 : i32
    %c0_i32_1 = arith.constant 0 : i32
    return %arg2, %c0_i32, %c0_i32_0 : i32, i32, i32
  }
  func.func @transform_5(%arg0: i32, %arg1: i32, %arg2: i32) -> (i32, i32, i32) {
    %c0_i32 = arith.constant 0 : i32
    %c0_i32_0 = arith.constant 0 : i32
    return %arg0, %arg1, %c0_i32 : i32, i32, i32
  }
}

module attributes {stable_mosaic.version = 14 : i64} {
  func.func @_final_body(%arg0: i32, %arg1: i32, %arg2: memref<1x1000x128xf32, #tpu.memory_space<vmem>>, %arg3: memref<1x1000x128xf32, #tpu.memory_space<vmem>>, %arg4: memref<1000x128xf32, #tpu.memory_space<vmem>>, %arg5: memref<1x1x128xf32, #tpu.memory_space<vmem>>, %arg6: memref<1000x128xf32, #tpu.memory_space<vmem>>) attributes {dimension_semantics = [#tpu.dimension_semantics<arbitrary>, #tpu.dimension_semantics<arbitrary>], iteration_bounds = array<i64: 2, 10>, scalar_prefetch = 0 : i64, scratch_operands = 0 : i64, tpu.core_type = #tpu.core_type<tc>, window_params = [{transform_indices = @transform_0, window_bounds = array<i64: 1, 1000, 128>}, {transform_indices = @transform_1, window_bounds = array<i64: 1, 1000, 128>}, {transform_indices = @transform_2, window_bounds = array<i64: 1000, 128>}, {transform_indices = @transform_3, window_bounds = array<i64: 1, 1, 128>}, {transform_indices = @transform_4, window_bounds = array<i64: 1000, 128>}]} {
    %get3A = arith.constant 0 : index
    %get3A_0 = arith.constant 0 : index
    %get3A_1 = vector.load %arg4[%get3A, %get3A_0] : memref<1000x128xf32, #tpu.memory_space<vmem>>, vector<1000x128xf32>
    %get3A_2 = arith.constant 0 : index
    %get3A_3 = arith.constant 0 : index
    %get3A_4 = arith.constant 0 : index
    %get3A_5 = vector.load %arg2[%get3A_2, %get3A_3, %get3A_4] : memref<1x1000x128xf32, #tpu.memory_space<vmem>>, vector<1x1000x128xf32>
    %get3A_6 = vector.shape_cast %get3A_5 : vector<1x1000x128xf32> to vector<1000x128xf32>
    %get3A_7 = arith.constant 0 : index
    %get3A_8 = arith.constant 0 : index
    %get3A_9 = arith.constant 0 : index
    %get3A_10 = vector.load %arg3[%get3A_7, %get3A_8, %get3A_9] : memref<1x1000x128xf32, #tpu.memory_space<vmem>>, vector<1x1000x128xf32>
    %get3A_11 = vector.shape_cast %get3A_10 : vector<1x1000x128xf32> to vector<1000x128xf32>
    %add3A = arith.addf %get3A_6, %get3A_11 : vector<1000x128xf32>
    %mul3A = arith.mulf %get3A_1, %add3A : vector<1000x128xf32>
    %get3A_12 = arith.constant 0 : index
    %get3A_13 = arith.constant 0 : index
    %get3A_14 = arith.constant 0 : index
    %get3A_15 = vector.load %arg5[%get3A_12, %get3A_13, %get3A_14] : memref<1x1x128xf32, #tpu.memory_space<vmem>>, vector<1x1x128xf32>
    %get3A_16 = vector.shape_cast %get3A_15 : vector<1x1x128xf32> to vector<1x128xf32>
    %add3A_17 = vector.broadcast %get3A_16 : vector<1x128xf32> to vector<1000x128xf32>
    %add3A_18 = arith.addf %mul3A, %add3A_17 : vector<1000x128xf32>
    %swap3A = arith.constant 0 : index
    %swap3A_19 = arith.constant 0 : index
    %swap3A_20 = vector.load %arg6[%swap3A, %swap3A_19] : memref<1000x128xf32, #tpu.memory_space<vmem>>, vector<1000x128xf32>
    tpu.vector_store %arg6[%swap3A, %swap3A_19], %add3A_18 {strides = array<i32>} : memref<1000x128xf32, #tpu.memory_space<vmem>>, vector<1000x128xf32>,
    return
  }
  func.func @transform_0(%arg0: i32, %arg1: i32) -> (i32, i32, i32) {
    %c0_i32 = arith.constant 0 : i32
    %c0_i32_0 = arith.constant 0 : i32
    return %arg0, %arg1, %c0_i32 : i32, i32, i32
  }
  func.func @transform_1(%arg0: i32, %arg1: i32) -> (i32, i32, i32) {
    %c0_i32 = arith.constant 0 : i32
    %c0_i32_0 = arith.constant 0 : i32
    return %arg0, %arg1, %c0_i32 : i32, i32, i32
  }
  func.func @transform_2(%arg0: i32, %arg1: i32) -> (i32, i32) {
    %c0_i32 = arith.constant 0 : i32
    %c0_i32_0 = arith.constant 0 : i32
    return %arg1, %c0_i32 : i32, i32
  }
  func.func @transform_3(%arg0: i32, %arg1: i32) -> (i32, i32, i32) {
    %c0_i32 = arith.constant 0 : i32
    %c0_i32_0 = arith.constant 0 : i32
    %c0_i32_1 = arith.constant 0 : i32
    return %arg0, %c0_i32, %c0_i32_0 : i32, i32, i32
  }
  func.func @transform_4(%arg0: i32, %arg1: i32) -> (i32, i32) {
    %c0_i32 = arith.constant 0 : i32
    return %arg1, %arg0 : i32, i32
  }
}

</mosaic_0001>

<sc_bundles>
// kernel: kernel.12.cloned.1.call-start
scs
__scs_entry_jumppad:
0x0: {  	(pc) =	sbr.rel $0x88, $3  }
0x1: {  	(tag) =	ssettag $0x0;
	lr =	simm.s32 $0x1  }
0x2: {  	[smem:$0x3F9B] =	sst lr;
	_ =	strace $0xD0000000  }
0x3: {  	_ = 	snop  }
0x4: {  	_ = 	snop  }
0x5: {  	_ = 	snop  }
0x6: {  	_ = 	snop  }
0x7: {  	_ = 	snop  }
__scs_overlays_trampoline_lowered:
0x8: {  	[smem:$0x3FAA] =	sst s0  }
0x9: {  	[smem:$0x3FAB] =	sst s1  }
0xa: {  	[smem:$0x3FAC] =	sst s2  }
0xb: {  	[smem:$0x3FAD] =	sst s3  }
0xc: {  	[smem:$0x3FAE] =	sst s4  }
0xd: {  	[smem:$0x3FAF] =	sst s5  }
0xe: {  	[smem:$0x3FB0] =	sst s6  }
0xf: {  	[smem:$0x3FB1] =	sst s7  }
0x10: {  	[smem:$0x3FB2] =	sst s8  }
0x11: {  	[smem:$0x3FB3] =	sst s9;
	s0 =	simm.s32 @!p0 $0x0  }
0x12: {  	s1 =	sld [smem:$0x3F99];
	s0 =	simm.s32 @p0 $0x1  }
0x13: {  	[smem:$0x3FB4] =	sst s0;
	s0 =	simm.s32 @!p1 $0x0  }
0x14: {  	s2 =	sld [smem:$0x3F98];
	s0 =	simm.s32 @p1 $0x1  }
0x15: {  	[smem:$0x3FB5] =	sst s0;
	s0 =	simm.s32 @!p2 $0x0  }
0x16: {  	s3 =	sld [smem:$0x3FDB];
	s0 =	simm.s32 @p2 $0x1  }
0x17: {  	s4 =	simm.s32 $0x1BF5;
	[smem:$0x3FB7] =	sst s0  }
0x18: {  	s0 =	sld [smem:$0x3F9A];
	_ =	swait.ge [sflag:s4], $0x0  }
0x19: {  	s7 =	sld [smem:$0x3F9B]  }
0x1a: {  	s8 =	sadd.s32 $0xFFFFE003, lr  }
0x1b: {  	s9 =	sadd.s32 $0xFFFFFEF7, lr;
	s5 =	simm.s32 $0xFFFFFFFF;
	p2 =	slt.u32 s8, $0xFFFFF086  }
0x1c: {  	p1 =	slt.u32 s9, $0xF7A;
	s5 =	simm.s32 @!p2 $0x0  }
0x1d: {  	s5 =	simm.s32 @p1 $0x1;
	p0 =	seq.s32 s7, s2  }
0x1e: {  	s7 =	smul.u32 @!p0 $0xF7A, s2;
	p2 =	seq.s32 @!p0 s5, $0x0  }
0x1f: {  	s9 =	smul.u32 $0xF7A, s1;
	s8 =	simm.s32 @!p0 $0x1BF5;
	p2 =	por !p2, p0  }
0x20: {  	[sflag:s8] =	ssyncset.s32 @!p0 $0xFFFFF086;
	s6 =	sadd.s32 @!p0 s3, s7;
	s7 =	simm.s32 @!p0 $0x108  }
0x21: {  	s3 =	sadd.s32 s3, s9;
	s6 =	sadd.s32 @!p0 $0x88, s6;
	s7 =	simm.s32 @p2 $0x1082  }
0x22: {  	[simem:s7], [sflag:s8] =	dma.local @!p0 [hbm:s6], $0xF7A  }
0x23: {  	s9 =	sor.u32 $0xD0000000, s2;
	s6 =	simm.s32 $0x108;
	_ =	swait.ge @!p0 [sflag:s8], $0x0  }
0x24: {  	s3 =	sadd.s32 $0x88, s3;
	s6 =	simm.s32 @!p1 $0x1082;
	[sflag:s4] =	ssyncset.s32 $0xFFFFF086  }
0x25: {  	[simem:s6], [sflag:s4] =	dma.local [hbm:s3], $0xF7A  }
0x26: {  	[smem:$0x3F9B] =	sst s1;
	(tag) =	ssettag s2;
	_ =	strace s9  }
0x27: {  	s1 =	sld [smem:$0x3FAB]  }
0x28: {  	s2 =	sld [smem:$0x3FAC]  }
0x29: {  	s4 =	sld [smem:$0x3FAE]  }
0x2a: {  	p0 =	seq.s32 s5, $0x0;
	s5 =	sld [smem:$0x3FAF]  }
0x2b: {  	s6 =	sld [smem:$0x3FB0]  }
0x2c: {  	s7 =	sld [smem:$0x3FB1]  }
0x2d: {  	s3 =	simm.s32 $0x108;
	s8 =	sld [smem:$0x3FB2]  }
0x2e: {  	s3 =	simm.s32 @!p0 $0x1082;
	s9 =	sld [smem:$0x3FB3]  }
0x2f: {  	lr =	sadd.s32 s0, s3;
	s0 =	sld [smem:$0x3FAA]  }
0x30: {  	s3 =	sld [smem:$0x3FAD]  }
0x31: {  	[smem:$0x3FB6] =	sst s10  }
0x32: {  	s10 =	sld [smem:$0x3FB4];
	_ =	sdelay $0x3  }
0x33: {  	p0 =	seq.s32 s10, $0x1;
	s10 =	sld [smem:$0x3FB6];
	_ =	sdelay $0x3  }
0x34: {  	[smem:$0x3FB6] =	sst s10  }
0x35: {  	s10 =	sld [smem:$0x3FB5];
	_ =	sdelay $0x3  }
0x36: {  	p1 =	seq.s32 s10, $0x1;
	s10 =	sld [smem:$0x3FB6];
	_ =	sdelay $0x3  }
0x37: {  	[smem:$0x3FB6] =	sst s10  }
0x38: {  	s10 =	sld [smem:$0x3FB7]  }
0x39: {  	_ = 	snop;
	(pc) =	sbr.ind lr, $3  }
0x3a: {  	_ = 	snop  }
0x3b: {  	_ = 	snop  }
0x3c: {  	p2 =	seq.s32 s10, $0x1;
	s10 =	sld [smem:$0x3FB6]  }
0x3d: {  	_ =	shalt  }
0x3e: {  	_ =	shalt  }
0x3f: {  	_ =	shalt  }
0x40: {  	_ =	shalt  }
0x41: {  	_ =	shalt  }
0x42: {  	_ =	shalt  }
0x43: {  	_ =	shalt  }
0x44: {  	_ =	shalt  }
0x45: {  	_ =	shalt  }
0x46: {  	_ =	shalt  }
0x47: {  	_ =	shalt  }
0x48: {  	_ =	shalt  }
0x49: {  	_ =	shalt  }
0x4a: {  	_ =	shalt  }
0x4b: {  	_ =	shalt  }
0x4c: {  	_ =	shalt  }
0x4d: {  	_ =	shalt  }
0x4e: {  	_ =	shalt  }
0x4f: {  	_ =	shalt  }
0x50: {  	_ =	shalt  }
0x51: {  	_ =	shalt  }
0x52: {  	_ =	shalt  }
0x53: {  	_ =	shalt  }
0x54: {  	_ =	shalt  }
0x55: {  	_ =	shalt  }
0x56: {  	_ =	shalt  }
0x57: {  	_ =	shalt  }
0x58: {  	_ =	shalt  }
0x59: {  	_ =	shalt  }
0x5a: {  	_ =	shalt  }
0x5b: {  	_ =	shalt  }
0x5c: {  	_ =	shalt  }
0x5d: {  	_ =	shalt  }
0x5e: {  	_ =	shalt  }
0x5f: {  	_ =	shalt  }
0x60: {  	_ =	shalt  }
0x61: {  	_ =	shalt  }
0x62: {  	_ =	shalt  }
0x63: {  	_ =	shalt  }
0x64: {  	_ =	shalt  }
0x65: {  	_ =	shalt  }
0x66: {  	_ =	shalt  }
0x67: {  	_ =	shalt  }
0x68: {  	_ =	shalt  }
0x69: {  	_ =	shalt  }
0x6a: {  	_ =	shalt  }
0x6b: {  	_ =	shalt  }
0x6c: {  	_ =	shalt  }
0x6d: {  	_ =	shalt  }
0x6e: {  	_ =	shalt  }
0x6f: {  	_ =	shalt  }
0x70: {  	_ =	shalt  }
0x71: {  	_ =	shalt  }
0x72: {  	_ =	shalt  }
0x73: {  	_ =	shalt  }
0x74: {  	_ =	shalt  }
0x75: {  	_ =	shalt  }
0x76: {  	_ =	shalt  }
0x77: {  	_ =	shalt  }
0x78: {  	_ =	shalt  }
0x79: {  	_ =	shalt  }
0x7a: {  	_ =	shalt  }
0x7b: {  	_ =	shalt  }
0x7c: {  	_ =	shalt  }
0x7d: {  	_ =	shalt  }
0x7e: {  	_ =	shalt  }
0x7f: {  	_ =	shalt  }
0x80: {  	_ =	shalt  }
0x81: {  	_ =	shalt  }
0x82: {  	_ =	shalt  }
0x83: {  	_ =	shalt  }
0x84: {  	_ =	shalt  }
0x85: {  	_ =	shalt  }
0x86: {  	_ =	shalt  }
0x87: {  	_ =	shalt  }
.Lfunc_end0:
.L_simem_size_0:
called_computation.1_lowered:
.L_overlay_start_0:
0x88: {  	s2 =	sld [smem:$0x3FD9]  }
0x89: {  	s3 =	sld [smem:$0x3FFE];
	_ =	sdelay $0x1  }
0x8a: {  	s1 =	srdreg.scid  }
0x8b: {  	s0 =	sand.u32 $0x1, s1  }
0x8c: {  	s16 =	sshll.u32 s0, $0xA;
	s2 =	sadd.s32 s3, s2  }
0x8d: {  	s2 =	sadd.s32 s2, s16  }
0x8e: {  	[smem:$0x3FC2] =	sst s2  }
0x8f: {  	_ = 	snop  }
0x90: {  	(tm) =	ssettm $0x1  }
0x91: {  	s17 =	sld [smem:$0x3FFB];
	_ =	sdelay $0x3  }
0x92: {  	_ =	strace s17  }
0x93: {  	s2 =	sld [smem:$0x3FFC];
	_ =	sdelay $0x3  }
0x94: {  	_ =	strace s2  }
0x95: {  	s2 =	sld [smem:$0x3FFD];
	_ =	sdelay $0x3  }
0x96: {  	_ =	strace s2  }
0x97: {  	_ =	strace $0x8FFFFFFF  }
0x98: {  	s18 =	sld [smem:$0x3FDB];
	_ =	sdelay $0x1  }
0x99: {  	s19 =	simm.s32 $_scs_section_size  }
0x9a: {  	s4 =	simm.s32 $_size__tile_overlayer_lowered;
	s5 =	simm.s32 $_tile_overlayer_lowered  }
0x9b: {  	s22 =	simm.s32 $0x1BFF;
	s21 =	sshll.u32 s5, $0x1;
	s2 =	sadd.s32 s19, s18  }
0x9c: {  	s6 =	simm.s32 $0x0;
	s20 =	sshll.u32 s4, $0x1;
	s4 =	sadd.s32 s21, s2  }
0x9d: {  	[timem:s6], [sflag:s22] =	dma.local [hbm:s4], s20  }
0x9e: {  	_ =	swait.ge [sflag:s22], s20  }
0x9f: {  	s3 =	ssub.s32 $0x0, s20;
	[sflag:s22] =	ssyncset.done $0x0  }
0xa0: {  	[sflag:s22] =	ssyncadd.s32 s3;
	_ =	sdelay $0x1  }
0xa1: {  	s23 =	simm.s32 $0x1B8B  }
0xa2: {  	_ =	swait.ge [sflag:s23], $0x1  }
0xa3: {  	[sflag:s23] =	ssyncset.done $0x0  }
0xa4: {  	s25 =	simm.s32 $0x1B8E;
	s24 =	sld [smem:$0x3FFE];
	[sflag:s23] =	ssyncadd.s32 $0xFFFFFFFF  }
0xa5: {  	s26 =	simm.s32 $execute0_lowered;
	[smem:$0x3FD2] =	sst s25  }
0xa6: {  	s4 =	sshll.u32 s26, $0x1;
	_ =	strace $0x80000049;
	[dreg:$0x1] =	wrdreg $0xFFFFFFFF  }
0xa7: {  	s28 =	simm.s32 $_size_execute0_lowered;
	s2 =	sadd.s32 s2, s4;
	[dreg:$0x0] =	wrdreg $0x0  }
0xa8: {  	s4 =	sshll.u32 s28, $0x1;
	[dreg:$0x2] =	wrdreg s2  }
0xa9: {  	[dreg:$0x3] =	wrdreg s4  }
0xaa: {  	[dreg:$0x4] =	wrdreg $0xC0  }
0xab: {  	_ =	task [dreg:s6], $0x5FFFF  }
0xac: {  	[dreg:$0x1] =	wrdreg $0xFFFFFFFF  }
0xad: {  	[dreg:$0x0] =	wrdreg $0x60  }
0xae: {  	[dreg:$0x2] =	wrdreg s24  }
0xaf: {  	[dreg:$0x3] =	wrdreg $0xA8000  }
0xb0: {  	[dreg:$0x4] =	wrdreg $0x9  }
0xb1: {  	_ =	task.clear_ibuf [dreg:s6], $0x5FFFF;
	_ =	strace $0x90000049  }
0xb2: {  	s29 =	simm.s32 $0x9;
	_ =	strace $0x8000004B  }
0xb3: {  	_ =	swait.ge [sflag:s29], $0x1  }
0xb4: {  	[sflag:s29] =	ssyncadd.s32 $0xFFFFFFFF  }
0xb5: {  	_ =	strace $0x9000004B  }
0xb6: {  	_ =	sfence  }
0xb7: {  	s30 =	sld [smem:$0x0];
	_ =	sdelay $0x2  }
0xb8: {  	s31 =	sshll.u32 s1, $0xD;
	s1 =	sshrl.u32 s1, $0x2  }
0xb9: {  	s3 =	sand.u32 $0x4000, s31;
	s1 =	sadd.s32 s1, s30  }
0xba: {  	s0 =	sor.u32 s3, s0;
	s1 =	sshll.u32 s1, $0x11  }
0xbb: {  	s0 =	sor.u32 s1, s0  }
0xbc: {  	s0 =	sadd.s32 $0x8F2B, s0  }
0xbd: {  	[sflag:s0] =	ssyncadd.remote.s32 $0x1  }
0xbe: {  	_ =	sfence.sel $0xFFFF  }
0xbf: {  	[dreg:$0x0] =	wrdreg $0xFFFFFFFF;
	(pc) =	sbr.abs _section_cstart, $3  }
0xc0: {  	[dreg:$0x1] =	wrdreg $0xFFFFFFFF  }
0xc1: {  	_ =	task.clear_ibuf [dreg:s6], $0x2FFFF;
	_ =	strace $0x9FFFFFFF  }
0xc2: {  	(tm) =	ssettm $0x7FFFFFFF  }
0xc3: {  	_ =	shalt  }
tec
execute0_lowered:
.L_overlay_start_1:
0x0: {  	(tag) =	ssettag $0x1  }
0x1: {  	s5 =	rddreg [dreg:$0x0]  }
0x2: {  	s2 =	rddreg [dreg:$0x1]  }
0x3: {  	s0 =	rddreg [dreg:$0x2]  }
0x4: {  	s3 =	simm.s32 $0x0;
	s1 =	stileid.u32;
	s6 =	srdreg.scid  }
0x5: {  	s17 =	simm.s32 $0x1;
	s18 =	simm.s32 $0x2;
	s19 =	simm.s32 $0x2700  }
0x6: {  	s20 =	simm.s32 $0x2780;
	[smem:$0x7FF] =	sst s3;
	s4 =	smul.u32 $0x500, s1  }
0x7: {  	s9 =	sadd.s32 $0x5D000, s5;
	s6 =	sand.u32 $0x1, s6;
	s7 =	smul.u32 $0x4F000, s1  }
0x8: {  	s11 =	sadd.s32 $0xF9400, s5;
	s30 =	sshll.u32 s1, $0x6;
	s22 =	smul.u32 $0x2780, s1  }
0x9: {  	_ =	strace $0x8000004A;
	s10 =	ssub.s32 $0x2, s6;
	s13 =	smul.u32 $0x4E200, s6  }
0xa: {  	s14 =	smul.u32 $0x4F000, s6;
	s15 =	sshllo.u32 s6, $0x1;
	s8 =	sadd.s32 s4, s5  }
0xb: {  	s4 =	sadd.s32 $0x6800, s5;
	s29 =	sshrl.u32 s10, $0x1;
	s16 =	smul.u32 $0x27100, s15  }
0xc: {  	s7 =	sshrl.u32 s7, $0x2;
	s5 =	sor.u32 $0x1C03, s30;
	s31 =	smul.u32 $0x27800, s15  }
0xd: {  	s15 =	simm.s32 $0x2800;
	s10 =	ssub.s32 s10, s29;
	s12 =	sadd.s32 s7, s2  }
0xe: {  	s6 =	sadd.s32 $0x58000, s8;
	s7 =	sadd.s32 $0x1800, s8;
	s8 =	sadd.s32 s9, s13  }
0xf: {  	s21 =	sadd.s32 s11, s14;
	s13 =	simm.s32 $0x1400;
	s14 =	simm.s32 $0x80  }
0x10: {  	s9 =	sadd.s32 s9, s16;
	s23 =	sadd.s32 s11, s31;
	s10 =	smax.u32 s10, $0x1  }
0x11: {  	s11 =	sshrl.u32 s12, $0x3;
	s12 =	simm.s32 $0x3;
	s16 =	simm.s32 $0x6800  }
0x12: {  	s21 =	sadd.s32 s22, s21;
	s22 =	sadd.s32 s22, s23;
	s23 =	simm.s32 $0x0  }
.LBB2_1:
0x13: {  	[spmem:s11], [sflag:s5] =	dma.local [hbm:s4], $0x2780  }
0x14: {  	_ =	swait.ge [sflag:s12], $0x2780  }
0x15: {  	[sflag:s12] =	ssyncset.done $0x0  }
0x16: {  	[sflag:s12] =	ssyncadd.s32 $0xFFFFD880  }
0x17: {  	[bflag:$0x0] =	sbarrier.arrive $0xFFFF  }
0x18: {  	[tilespmem:s3], [sflag:$0x3] =	stream.linear.gather [hbm4b:s6+s3], $0x1400, $0x38;
	[tilespmem:$0x1E400] =	vst v63  }
0x19: {  	_ =	swait.ge [sflag:s12], $0x1400  }
0x1a: {  	[sflag:s12] =	ssyncset.done $0x0  }
0x1b: {  	[sflag:s12] =	ssyncadd.s32 $0xFFFFEC00  }
0x1c: {  	[tilespmem:s13], [sflag:$0x3] =	stream.linear.gather [hbm4b:s7+s3], $0x1400, $0x38;
	[tilespmem:$0x1E400] =	vst v63  }
0x1d: {  	_ =	swait.ge [sflag:s12], $0x1400  }
0x1e: {  	[sflag:s12] =	ssyncset.done $0x0  }
0x1f: {  	[sflag:s12] =	ssyncadd.s32 $0xFFFFEC00  }
0x20: {  	[tilespmem:s15], [sflag:$0x1] =	stream.indirect.gather [hbm4b:s8+s14], $0x80, s3, s14, $0xb8;
	[tilespmem:$0x1E400] =	vst v63  }
0x21: {  	_ = 	snop  }
0x22: {  	[tilespmem:s16], [sflag:$0x2] =	stream.indirect.gather [hbm4b:s8+s14], $0x80, s14, s14, $0xb8;
	[tilespmem:$0x1E400] =	vst v63  }
0x23: {  	_ =	swait.ge [sflag:s17], $0x4000  }
0x24: {  	[sflag:s17] =	ssyncset.done $0x0  }
0x25: {  	s24 =	simm.s32 $0x1400;
	[sflag:s17] =	ssyncadd.s32 $0xFFFFC000  }
0x26: {  	[spmem:s2] =	stream.indirect.scatter.add.f32 [tilespmem:s15], [sflag:$0x3], $0x80, s24, s14, $0xb8;
	[tilespmem:$0x1E400] =	vst v63  }
0x27: {  	_ =	swait.ge [sflag:s12], $0x4000  }
0x28: {  	[sflag:s12] =	ssyncset.done $0x0  }
0x29: {  	s30 =	simm.s32 $0x100;
	[sflag:s12] =	ssyncadd.s32 $0xFFFFC000  }
0x2a: {  	[tilespmem:s15], [sflag:$0x1] =	stream.indirect.gather [hbm4b:s8+s14], $0x80, s30, s14, $0xb8;
	[tilespmem:$0x1E400] =	vst v63  }
0x2b: {  	_ =	swait.ge [sflag:s18], $0x4000  }
0x2c: {  	[sflag:s18] =	ssyncset.done $0x0  }
0x2d: {  	s31 =	simm.s32 $0x1480;
	[sflag:s18] =	ssyncadd.s32 $0xFFFFC000  }
0x2e: {  	[spmem:s2] =	stream.indirect.scatter.add.f32 [tilespmem:s16], [sflag:$0x3], $0x80, s31, s14, $0xb8;
	[tilespmem:$0x1E400] =	vst v63  }
0x2f: {  	_ =	swait.ge [sflag:s12], $0x4000  }
0x30: {  	[sflag:s12] =	ssyncset.done $0x0  }
0x31: {  	s25 =	simm.s32 $0x180;
	s24 =	simm.s32 $0x400;
	[sflag:s12] =	ssyncadd.s32 $0xFFFFC000  }
.LBB2_2:
0x32: {  	[tilespmem:s16], [sflag:$0x2] =	stream.indirect.gather [hbm4b:s8+s14], $0x80, s25, s14, $0xb8;
	[tilespmem:$0x1E400] =	vst v63  }
0x33: {  	s25 =	smov.u32 s24  }
0x34: {  	p0 =	sne.s32 s24, $0x4800;
	s24 =	sadd.s32 $0x400, s24;
	_ =	swait.ge [sflag:s17], $0x4000  }
0x35: {  	s25 =	sshra.s32 s25, $0x2;
	[sflag:s17] =	ssyncset.done $0x0  }
0x36: {  	s26 =	sadd.s32 $0x1400, s25;
	[sflag:s17] =	ssyncadd.s32 $0xFFFFC000  }
0x37: {  	[spmem:s2] =	stream.indirect.scatter.add.f32 [tilespmem:s15], [sflag:$0x3], $0x80, s26, s14, $0xb8;
	[tilespmem:$0x1E400] =	vst v63  }
0x38: {  	_ =	swait.ge [sflag:s12], $0x4000  }
0x39: {  	[sflag:s12] =	ssyncset.done $0x0  }
0x3a: {  	s26 =	sadd.s32 $0x100, s25;
	[sflag:s12] =	ssyncadd.s32 $0xFFFFC000  }
0x3b: {  	[tilespmem:s15], [sflag:$0x1] =	stream.indirect.gather [hbm4b:s8+s14], $0x80, s26, s14, $0xb8;
	[tilespmem:$0x1E400] =	vst v63  }
0x3c: {  	_ =	swait.ge [sflag:s18], $0x4000  }
0x3d: {  	[sflag:s18] =	ssyncset.done $0x0  }
.Ltmp0:
0x3e: {  	s26 =	sadd.s32 $0x1480, s25;
	[sflag:s18] =	ssyncadd.s32 $0xFFFFC000;
	(pc) =	sbr.rel @p0 .LBB2_2-.Ltmp0, $4  }
0x3f: {  	[spmem:s2] =	stream.indirect.scatter.add.f32 [tilespmem:s16], [sflag:$0x3], $0x80, s26, s14, $0xb8;
	[tilespmem:$0x1E400] =	vst v63  }
0x40: {  	_ =	swait.ge [sflag:s12], $0x4000  }
0x41: {  	[sflag:s12] =	ssyncset.done $0x0  }
0x42: {  	s25 =	sadd.s32 $0x180, s25;
	[sflag:s12] =	ssyncadd.s32 $0xFFFFC000  }
0x43: {  	[tilespmem:s16], [sflag:$0x2] =	stream.indirect.gather [hbm4b:s8+s14], $0x80, s25, s14, $0xb8;
	[tilespmem:$0x1E400] =	vst v63  }
0x44: {  	_ =	swait.ge [sflag:s17], $0x4000  }
0x45: {  	[sflag:s17] =	ssyncset.done $0x0  }
0x46: {  	[sflag:s17] =	ssyncadd.s32 $0xFFFFC000  }
0x47: {  	[spmem:s2] =	stream.indirect.scatter.add.f32 [tilespmem:s15], [sflag:$0x3], $0x80, s19, s14, $0xb8;
	[tilespmem:$0x1E400] =	vst v63  }
0x48: {  	_ =	swait.ge [sflag:s12], $0x4000  }
0x49: {  	[sflag:s12] =	ssyncset.done $0x0  }
0x4a: {  	[sflag:s12] =	ssyncadd.s32 $0xFFFFC000  }
0x4b: {  	_ =	swait.ge [sflag:s18], $0x4000  }
0x4c: {  	[sflag:s18] =	ssyncset.done $0x0  }
0x4d: {  	[sflag:s18] =	ssyncadd.s32 $0xFFFFC000  }
0x4e: {  	[spmem:s2] =	stream.indirect.scatter.add.f32 [tilespmem:s16], [sflag:$0x3], $0x80, s20, s14, $0xb8;
	[tilespmem:$0x1E400] =	vst v63  }
0x4f: {  	_ =	swait.ge [sflag:s12], $0x4000  }
0x50: {  	[sflag:s12] =	ssyncset.done $0x0  }
0x51: {  	s24 =	sadd.s32 $0x280, s6;
	s26 =	simm.s32 $0x0;
	[sflag:s12] =	ssyncadd.s32 $0xFFFFC000  }
0x52: {  	[tilespmem:s26], [sflag:$0x3] =	stream.linear.gather [hbm4b:s24+s26], $0x1400, $0x38;
	[tilespmem:$0x1E400] =	vst v63  }
0x53: {  	_ =	swait.ge [sflag:s12], $0x1400  }
0x54: {  	[sflag:s12] =	ssyncset.done $0x0  }
0x55: {  	s25 =	sadd.s32 $0x280, s7;
	[sflag:s12] =	ssyncadd.s32 $0xFFFFEC00  }
0x56: {  	[tilespmem:s13], [sflag:$0x3] =	stream.linear.gather [hbm4b:s25+s26], $0x1400, $0x38;
	[tilespmem:$0x1E400] =	vst v63  }
0x57: {  	_ =	swait.ge [sflag:s12], $0x1400  }
0x58: {  	[sflag:s12] =	ssyncset.done $0x0  }
0x59: {  	[sflag:s12] =	ssyncadd.s32 $0xFFFFEC00  }
0x5a: {  	[tilespmem:s15], [sflag:$0x1] =	stream.indirect.gather [hbm4b:s8+s14], $0x80, s26, s14, $0xb8;
	[tilespmem:$0x1E400] =	vst v63  }
0x5b: {  	_ = 	snop  }
0x5c: {  	[tilespmem:s16], [sflag:$0x2] =	stream.indirect.gather [hbm4b:s8+s14], $0x80, s14, s14, $0xb8;
	[tilespmem:$0x1E400] =	vst v63  }
0x5d: {  	_ =	swait.ge [sflag:s17], $0x4000  }
0x5e: {  	[sflag:s17] =	ssyncset.done $0x0  }
0x5f: {  	s29 =	simm.s32 $0x1400;
	[sflag:s17] =	ssyncadd.s32 $0xFFFFC000  }
0x60: {  	[spmem:s2] =	stream.indirect.scatter.add.f32 [tilespmem:s15], [sflag:$0x3], $0x80, s29, s14, $0xb8;
	[tilespmem:$0x1E400] =	vst v63  }
0x61: {  	_ =	swait.ge [sflag:s12], $0x4000  }
0x62: {  	[sflag:s12] =	ssyncset.done $0x0  }
0x63: {  	s30 =	simm.s32 $0x100;
	[sflag:s12] =	ssyncadd.s32 $0xFFFFC000  }
0x64: {  	[tilespmem:s15], [sflag:$0x1] =	stream.indirect.gather [hbm4b:s8+s14], $0x80, s30, s14, $0xb8;
	[tilespmem:$0x1E400] =	vst v63  }
0x65: {  	_ =	swait.ge [sflag:s18], $0x4000  }
0x66: {  	[sflag:s18] =	ssyncset.done $0x0  }
0x67: {  	s31 =	simm.s32 $0x1480;
	[sflag:s18] =	ssyncadd.s32 $0xFFFFC000  }
0x68: {  	[spmem:s2] =	stream.indirect.scatter.add.f32 [tilespmem:s16], [sflag:$0x3], $0x80, s31, s14, $0xb8;
	[tilespmem:$0x1E400] =	vst v63  }
0x69: {  	_ =	swait.ge [sflag:s12], $0x4000  }
0x6a: {  	[sflag:s12] =	ssyncset.done $0x0  }
0x6b: {  	s28 =	simm.s32 $0x180;
	s26 =	simm.s32 $0x400;
	[sflag:s12] =	ssyncadd.s32 $0xFFFFC000  }
.LBB2_4:
0x6c: {  	[tilespmem:s16], [sflag:$0x2] =	stream.indirect.gather [hbm4b:s8+s14], $0x80, s28, s14, $0xb8;
	[tilespmem:$0x1E400] =	vst v63  }
0x6d: {  	s28 =	smov.u32 s26  }
0x6e: {  	p0 =	sne.s32 s26, $0x4800;
	s26 =	sadd.s32 $0x400, s26;
	_ =	swait.ge [sflag:s17], $0x4000  }
0x6f: {  	s28 =	sshra.s32 s28, $0x2;
	[sflag:s17] =	ssyncset.done $0x0  }
0x70: {  	s29 =	sadd.s32 $0x1400, s28;
	[sflag:s17] =	ssyncadd.s32 $0xFFFFC000  }
0x71: {  	[spmem:s2] =	stream.indirect.scatter.add.f32 [tilespmem:s15], [sflag:$0x3], $0x80, s29, s14, $0xb8;
	[tilespmem:$0x1E400] =	vst v63  }
0x72: {  	_ =	swait.ge [sflag:s12], $0x4000  }
0x73: {  	[sflag:s12] =	ssyncset.done $0x0  }
0x74: {  	s29 =	sadd.s32 $0x100, s28;
	[sflag:s12] =	ssyncadd.s32 $0xFFFFC000  }
0x75: {  	[tilespmem:s15], [sflag:$0x1] =	stream.indirect.gather [hbm4b:s8+s14], $0x80, s29, s14, $0xb8;
	[tilespmem:$0x1E400] =	vst v63  }
0x76: {  	_ =	swait.ge [sflag:s18], $0x4000  }
0x77: {  	[sflag:s18] =	ssyncset.done $0x0  }
.Ltmp1:
0x78: {  	s29 =	sadd.s32 $0x1480, s28;
	[sflag:s18] =	ssyncadd.s32 $0xFFFFC000;
	(pc) =	sbr.rel @p0 .LBB2_4-.Ltmp1, $4  }
0x79: {  	[spmem:s2] =	stream.indirect.scatter.add.f32 [tilespmem:s16], [sflag:$0x3], $0x80, s29, s14, $0xb8;
	[tilespmem:$0x1E400] =	vst v63  }
0x7a: {  	_ =	swait.ge [sflag:s12], $0x4000  }
0x7b: {  	[sflag:s12] =	ssyncset.done $0x0  }
0x7c: {  	s28 =	sadd.s32 $0x180, s28;
	[sflag:s12] =	ssyncadd.s32 $0xFFFFC000  }
0x7d: {  	[tilespmem:s16], [sflag:$0x2] =	stream.indirect.gather [hbm4b:s8+s14], $0x80, s28, s14, $0xb8;
	[tilespmem:$0x1E400] =	vst v63  }
0x7e: {  	_ =	swait.ge [sflag:s17], $0x4000  }
0x7f: {  	[sflag:s17] =	ssyncset.done $0x0  }
0x80: {  	[sflag:s17] =	ssyncadd.s32 $0xFFFFC000  }
0x81: {  	[spmem:s2] =	stream.indirect.scatter.add.f32 [tilespmem:s15], [sflag:$0x3], $0x80, s19, s14, $0xb8;
	[tilespmem:$0x1E400] =	vst v63  }
0x82: {  	_ =	swait.ge [sflag:s12], $0x4000  }
0x83: {  	[sflag:s12] =	ssyncset.done $0x0  }
0x84: {  	[sflag:s12] =	ssyncadd.s32 $0xFFFFC000  }
0x85: {  	_ =	swait.ge [sflag:s18], $0x4000  }
0x86: {  	[sflag:s18] =	ssyncset.done $0x0  }
0x87: {  	[sflag:s18] =	ssyncadd.s32 $0xFFFFC000  }
0x88: {  	[spmem:s2] =	stream.indirect.scatter.add.f32 [tilespmem:s16], [sflag:$0x3], $0x80, s20, s14, $0xb8;
	[tilespmem:$0x1E400] =	vst v63  }
0x89: {  	_ =	swait.ge [sflag:s12], $0x4000  }
0x8a: {  	[sflag:s12] =	ssyncset.done $0x0  }
0x8b: {  	[sflag:s12] =	ssyncadd.s32 $0xFFFFC000  }
0x8c: {  	[bflag:$0x0] =	sbarrier.arrive $0xFFFF  }
0x8d: {  	[hbm:s21], [sflag:s5] =	dma.local [spmem:s11], $0x2780  }
0x8e: {  	_ =	swait.ge [sflag:s12], $0x2780  }
0x8f: {  	[sflag:s12] =	ssyncset.done $0x0  }
0x90: {  	[sflag:s12] =	ssyncadd.s32 $0xFFFFD880  }
0x91: {  	[spmem:s11], [sflag:s5] =	dma.local [hbm:s4], $0x2780  }
0x92: {  	_ =	swait.ge [sflag:s12], $0x2780  }
0x93: {  	[sflag:s12] =	ssyncset.done $0x0  }
0x94: {  	[sflag:s12] =	ssyncadd.s32 $0xFFFFD880  }
0x95: {  	s26 =	simm.s32 $0x0;
	[bflag:$0x0] =	sbarrier.arrive $0xFFFF  }
0x96: {  	[tilespmem:s26], [sflag:$0x3] =	stream.linear.gather [hbm4b:s6+s26], $0x1400, $0x38;
	[tilespmem:$0x1E400] =	vst v63  }
0x97: {  	_ =	swait.ge [sflag:s12], $0x1400  }
0x98: {  	[sflag:s12] =	ssyncset.done $0x0  }
0x99: {  	[sflag:s12] =	ssyncadd.s32 $0xFFFFEC00  }
0x9a: {  	[tilespmem:s13], [sflag:$0x3] =	stream.linear.gather [hbm4b:s7+s26], $0x1400, $0x38;
	[tilespmem:$0x1E400] =	vst v63  }
0x9b: {  	_ =	swait.ge [sflag:s12], $0x1400  }
0x9c: {  	[sflag:s12] =	ssyncset.done $0x0  }
0x9d: {  	[sflag:s12] =	ssyncadd.s32 $0xFFFFEC00  }
0x9e: {  	[tilespmem:s15], [sflag:$0x1] =	stream.indirect.gather [hbm4b:s9+s14], $0x80, s26, s14, $0xb8;
	[tilespmem:$0x1E400] =	vst v63  }
0x9f: {  	_ = 	snop  }
0xa0: {  	[tilespmem:s16], [sflag:$0x2] =	stream.indirect.gather [hbm4b:s9+s14], $0x80, s14, s14, $0xb8;
	[tilespmem:$0x1E400] =	vst v63  }
0xa1: {  	_ =	swait.ge [sflag:s17], $0x4000  }
0xa2: {  	[sflag:s17] =	ssyncset.done $0x0  }
0xa3: {  	s29 =	simm.s32 $0x1400;
	[sflag:s17] =	ssyncadd.s32 $0xFFFFC000  }
0xa4: {  	[spmem:s2] =	stream.indirect.scatter.add.f32 [tilespmem:s15], [sflag:$0x3], $0x80, s29, s14, $0xb8;
	[tilespmem:$0x1E400] =	vst v63  }
0xa5: {  	_ =	swait.ge [sflag:s12], $0x4000  }
0xa6: {  	[sflag:s12] =	ssyncset.done $0x0  }
0xa7: {  	s30 =	simm.s32 $0x100;
	[sflag:s12] =	ssyncadd.s32 $0xFFFFC000  }
0xa8: {  	[tilespmem:s15], [sflag:$0x1] =	stream.indirect.gather [hbm4b:s9+s14], $0x80, s30, s14, $0xb8;
	[tilespmem:$0x1E400] =	vst v63  }
0xa9: {  	_ =	swait.ge [sflag:s18], $0x4000  }
0xaa: {  	[sflag:s18] =	ssyncset.done $0x0  }
0xab: {  	s31 =	simm.s32 $0x1480;
	[sflag:s18] =	ssyncadd.s32 $0xFFFFC000  }
0xac: {  	[spmem:s2] =	stream.indirect.scatter.add.f32 [tilespmem:s16], [sflag:$0x3], $0x80, s31, s14, $0xb8;
	[tilespmem:$0x1E400] =	vst v63  }
0xad: {  	_ =	swait.ge [sflag:s12], $0x4000  }
0xae: {  	[sflag:s12] =	ssyncset.done $0x0  }
0xaf: {  	s28 =	simm.s32 $0x180;
	s26 =	simm.s32 $0x400;
	[sflag:s12] =	ssyncadd.s32 $0xFFFFC000  }
.LBB2_6:
0xb0: {  	[tilespmem:s16], [sflag:$0x2] =	stream.indirect.gather [hbm4b:s9+s14], $0x80, s28, s14, $0xb8;
	[tilespmem:$0x1E400] =	vst v63  }
0xb1: {  	s28 =	smov.u32 s26  }
0xb2: {  	p0 =	sne.s32 s26, $0x4800;
	s26 =	sadd.s32 $0x400, s26;
	_ =	swait.ge [sflag:s17], $0x4000  }
0xb3: {  	s28 =	sshra.s32 s28, $0x2;
	[sflag:s17] =	ssyncset.done $0x0  }
0xb4: {  	s29 =	sadd.s32 $0x1400, s28;
	[sflag:s17] =	ssyncadd.s32 $0xFFFFC000  }
0xb5: {  	[spmem:s2] =	stream.indirect.scatter.add.f32 [tilespmem:s15], [sflag:$0x3], $0x80, s29, s14, $0xb8;
	[tilespmem:$0x1E400] =	vst v63  }
0xb6: {  	_ =	swait.ge [sflag:s12], $0x4000  }
0xb7: {  	[sflag:s12] =	ssyncset.done $0x0  }
0xb8: {  	s29 =	sadd.s32 $0x100, s28;
	[sflag:s12] =	ssyncadd.s32 $0xFFFFC000  }
0xb9: {  	[tilespmem:s15], [sflag:$0x1] =	stream.indirect.gather [hbm4b:s9+s14], $0x80, s29, s14, $0xb8;
	[tilespmem:$0x1E400] =	vst v63  }
0xba: {  	_ =	swait.ge [sflag:s18], $0x4000  }
0xbb: {  	[sflag:s18] =	ssyncset.done $0x0  }
.Ltmp2:
0xbc: {  	s29 =	sadd.s32 $0x1480, s28;
	[sflag:s18] =	ssyncadd.s32 $0xFFFFC000;
	(pc) =	sbr.rel @p0 .LBB2_6-.Ltmp2, $4  }
0xbd: {  	[spmem:s2] =	stream.indirect.scatter.add.f32 [tilespmem:s16], [sflag:$0x3], $0x80, s29, s14, $0xb8;
	[tilespmem:$0x1E400] =	vst v63  }
0xbe: {  	_ =	swait.ge [sflag:s12], $0x4000  }
0xbf: {  	[sflag:s12] =	ssyncset.done $0x0  }
0xc0: {  	s28 =	sadd.s32 $0x180, s28;
	[sflag:s12] =	ssyncadd.s32 $0xFFFFC000  }
0xc1: {  	[tilespmem:s16], [sflag:$0x2] =	stream.indirect.gather [hbm4b:s9+s14], $0x80, s28, s14, $0xb8;
	[tilespmem:$0x1E400] =	vst v63  }
0xc2: {  	_ =	swait.ge [sflag:s17], $0x4000  }
0xc3: {  	[sflag:s17] =	ssyncset.done $0x0  }
0xc4: {  	[sflag:s17] =	ssyncadd.s32 $0xFFFFC000  }
0xc5: {  	[spmem:s2] =	stream.indirect.scatter.add.f32 [tilespmem:s15], [sflag:$0x3], $0x80, s19, s14, $0xb8;
	[tilespmem:$0x1E400] =	vst v63  }
0xc6: {  	_ =	swait.ge [sflag:s12], $0x4000  }
0xc7: {  	[sflag:s12] =	ssyncset.done $0x0  }
0xc8: {  	[sflag:s12] =	ssyncadd.s32 $0xFFFFC000  }
0xc9: {  	_ =	swait.ge [sflag:s18], $0x4000  }
0xca: {  	[sflag:s18] =	ssyncset.done $0x0  }
0xcb: {  	[sflag:s18] =	ssyncadd.s32 $0xFFFFC000  }
0xcc: {  	[spmem:s2] =	stream.indirect.scatter.add.f32 [tilespmem:s16], [sflag:$0x3], $0x80, s20, s14, $0xb8;
	[tilespmem:$0x1E400] =	vst v63  }
0xcd: {  	_ =	swait.ge [sflag:s12], $0x4000  }
0xce: {  	[sflag:s12] =	ssyncset.done $0x0  }
0xcf: {  	s26 =	simm.s32 $0x0;
	[sflag:s12] =	ssyncadd.s32 $0xFFFFC000  }
0xd0: {  	[tilespmem:s26], [sflag:$0x3] =	stream.linear.gather [hbm4b:s24+s26], $0x1400, $0x38;
	[tilespmem:$0x1E400] =	vst v63  }
0xd1: {  	_ =	swait.ge [sflag:s12], $0x1400  }
0xd2: {  	[sflag:s12] =	ssyncset.done $0x0  }
0xd3: {  	[sflag:s12] =	ssyncadd.s32 $0xFFFFEC00  }
0xd4: {  	[tilespmem:s13], [sflag:$0x3] =	stream.linear.gather [hbm4b:s25+s26], $0x1400, $0x38;
	[tilespmem:$0x1E400] =	vst v63  }
0xd5: {  	_ =	swait.ge [sflag:s12], $0x1400  }
0xd6: {  	[sflag:s12] =	ssyncset.done $0x0  }
0xd7: {  	[sflag:s12] =	ssyncadd.s32 $0xFFFFEC00  }
0xd8: {  	[tilespmem:s15], [sflag:$0x1] =	stream.indirect.gather [hbm4b:s9+s14], $0x80, s26, s14, $0xb8;
	[tilespmem:$0x1E400] =	vst v63  }
0xd9: {  	_ = 	snop  }
0xda: {  	[tilespmem:s16], [sflag:$0x2] =	stream.indirect.gather [hbm4b:s9+s14], $0x80, s14, s14, $0xb8;
	[tilespmem:$0x1E400] =	vst v63  }
0xdb: {  	_ =	swait.ge [sflag:s17], $0x4000  }
0xdc: {  	[sflag:s17] =	ssyncset.done $0x0  }
0xdd: {  	s29 =	simm.s32 $0x1400;
	[sflag:s17] =	ssyncadd.s32 $0xFFFFC000  }
0xde: {  	[spmem:s2] =	stream.indirect.scatter.add.f32 [tilespmem:s15], [sflag:$0x3], $0x80, s29, s14, $0xb8;
	[tilespmem:$0x1E400] =	vst v63  }
0xdf: {  	_ =	swait.ge [sflag:s12], $0x4000  }
0xe0: {  	[sflag:s12] =	ssyncset.done $0x0  }
0xe1: {  	s30 =	simm.s32 $0x100;
	[sflag:s12] =	ssyncadd.s32 $0xFFFFC000  }
0xe2: {  	[tilespmem:s15], [sflag:$0x1] =	stream.indirect.gather [hbm4b:s9+s14], $0x80, s30, s14, $0xb8;
	[tilespmem:$0x1E400] =	vst v63  }
0xe3: {  	_ =	swait.ge [sflag:s18], $0x4000  }
0xe4: {  	[sflag:s18] =	ssyncset.done $0x0  }
0xe5: {  	s31 =	simm.s32 $0x1480;
	[sflag:s18] =	ssyncadd.s32 $0xFFFFC000  }
0xe6: {  	[spmem:s2] =	stream.indirect.scatter.add.f32 [tilespmem:s16], [sflag:$0x3], $0x80, s31, s14, $0xb8;
	[tilespmem:$0x1E400] =	vst v63  }
0xe7: {  	_ =	swait.ge [sflag:s12], $0x4000  }
0xe8: {  	[sflag:s12] =	ssyncset.done $0x0  }
0xe9: {  	s24 =	simm.s32 $0x400;
	s25 =	simm.s32 $0x180;
	[sflag:s12] =	ssyncadd.s32 $0xFFFFC000  }
.LBB2_8:
0xea: {  	[tilespmem:s16], [sflag:$0x2] =	stream.indirect.gather [hbm4b:s9+s14], $0x80, s25, s14, $0xb8;
	[tilespmem:$0x1E400] =	vst v63  }
0xeb: {  	s25 =	smov.u32 s24  }
0xec: {  	p0 =	sne.s32 s24, $0x4800;
	s24 =	sadd.s32 $0x400, s24;
	_ =	swait.ge [sflag:s17], $0x4000  }
0xed: {  	s25 =	sshra.s32 s25, $0x2;
	[sflag:s17] =	ssyncset.done $0x0  }
0xee: {  	s26 =	sadd.s32 $0x1400, s25;
	[sflag:s17] =	ssyncadd.s32 $0xFFFFC000  }
0xef: {  	[spmem:s2] =	stream.indirect.scatter.add.f32 [tilespmem:s15], [sflag:$0x3], $0x80, s26, s14, $0xb8;
	[tilespmem:$0x1E400] =	vst v63  }
0xf0: {  	_ =	swait.ge [sflag:s12], $0x4000  }
0xf1: {  	[sflag:s12] =	ssyncset.done $0x0  }
0xf2: {  	s26 =	sadd.s32 $0x100, s25;
	[sflag:s12] =	ssyncadd.s32 $0xFFFFC000  }
0xf3: {  	[tilespmem:s15], [sflag:$0x1] =	stream.indirect.gather [hbm4b:s9+s14], $0x80, s26, s14, $0xb8;
	[tilespmem:$0x1E400] =	vst v63  }
0xf4: {  	_ =	swait.ge [sflag:s18], $0x4000  }
0xf5: {  	[sflag:s18] =	ssyncset.done $0x0  }
.Ltmp3:
0xf6: {  	s26 =	sadd.s32 $0x1480, s25;
	[sflag:s18] =	ssyncadd.s32 $0xFFFFC000;
	(pc) =	sbr.rel @p0 .LBB2_8-.Ltmp3, $4  }
0xf7: {  	[spmem:s2] =	stream.indirect.scatter.add.f32 [tilespmem:s16], [sflag:$0x3], $0x80, s26, s14, $0xb8;
	[tilespmem:$0x1E400] =	vst v63  }
0xf8: {  	_ =	swait.ge [sflag:s12], $0x4000  }
0xf9: {  	[sflag:s12] =	ssyncset.done $0x0  }
0xfa: {  	s25 =	sadd.s32 $0x180, s25;
	[sflag:s12] =	ssyncadd.s32 $0xFFFFC000  }
0xfb: {  	[tilespmem:s16], [sflag:$0x2] =	stream.indirect.gather [hbm4b:s9+s14], $0x80, s25, s14, $0xb8;
	[tilespmem:$0x1E400] =	vst v63  }
0xfc: {  	_ =	swait.ge [sflag:s17], $0x4000  }
0xfd: {  	[sflag:s17] =	ssyncset.done $0x0  }
0xfe: {  	[sflag:s17] =	ssyncadd.s32 $0xFFFFC000  }
0xff: {  	[spmem:s2] =	stream.indirect.scatter.add.f32 [tilespmem:s15], [sflag:$0x3], $0x80, s19, s14, $0xb8;
	[tilespmem:$0x1E400] =	vst v63  }
0x100: {  	_ =	swait.ge [sflag:s12], $0x4000  }
0x101: {  	[sflag:s12] =	ssyncset.done $0x0  }
0x102: {  	[sflag:s12] =	ssyncadd.s32 $0xFFFFC000  }
0x103: {  	_ =	swait.ge [sflag:s18], $0x4000  }
0x104: {  	[sflag:s18] =	ssyncset.done $0x0  }
0x105: {  	[sflag:s18] =	ssyncadd.s32 $0xFFFFC000  }
0x106: {  	[spmem:s2] =	stream.indirect.scatter.add.f32 [tilespmem:s16], [sflag:$0x3], $0x80, s20, s14, $0xb8;
	[tilespmem:$0x1E400] =	vst v63  }
0x107: {  	_ =	swait.ge [sflag:s12], $0x4000  }
0x108: {  	s23 =	sadd.s32 $0x1, s23;
	[sflag:s12] =	ssyncset.done $0x0  }
0x109: {  	p0 =	sne.s32 s23, s10;
	[sflag:s12] =	ssyncadd.s32 $0xFFFFC000  }
.Ltmp4:
0x10a: {  	[bflag:$0x0] =	sbarrier.arrive $0xFFFF;
	(pc) =	sbr.rel @p0 .LBB2_1-.Ltmp4, $4  }
0x10b: {  	[hbm:s22], [sflag:s5] =	dma.local [spmem:s11], $0x2780  }
0x10c: {  	_ =	swait.ge [sflag:s12], $0x2780  }
0x10d: {  	[sflag:s12] =	ssyncset.done $0x0  }
0x10e: {  	[sflag:s12] =	ssyncadd.s32 $0xFFFFD880  }
0x10f: {  	_ =	sfence.sel $0x180000  }
0x110: {  	[bflag:$0x0] =	sbarrier.arrive $0xFFFF  }
0x111: {  	p0 =	sne.s32 s1, $0x0;
	_ =	strace $0x9000004A  }
0x112: {  	s0 =	sadd.s32 @!p0 $0x100000, s0;
	[bflag:$0x2] =	sbarrier.arrive $0xFFFF  }
0x113: {  	[sflag:s0] =	ssyncadd.tile.s32 @!p0 $0x1;
	_ =	shalt  }
.Lfunc_end2:
_tile_overlayer_lowered:
.L_overlay_start_2:
0x114: {  	(tag) =	ssettag $0x2  }
0x115: {  	s0 =	rddreg [dreg:$0x0];
	s2 =	stileid.u32  }
0x116: {  	s1 =	rddreg [dreg:$0x1];
	p0 =	sne.s32 s2, $0x0  }
0x117: {  	s3 =	rddreg [dreg:$0x2];
	[bflag:$0x3] =	sbarrier.arrive $0xFFFF;
	s2 =	simm.s32 @!p0 $0x1C03  }
0x118: {  	[timem:s3], [sflag:s2] =	dma.local @!p0 [hbm:s0], s1  }
0x119: {  	s0 =	simm.s32 @!p0 $0x3  }
0x11a: {  	_ =	swait.ge @!p0 [sflag:s0], s1  }
0x11b: {  	s1 =	ssub.s32 @!p0 $0x0, s1;
	[sflag:s0] =	ssyncset.done @!p0 $0x0  }
0x11c: {  	[sflag:s0] =	ssyncadd.s32 @!p0 s1  }
0x11d: {  	[bflag:$0x3] =	sbarrier.arrive $0xFFFF  }
0x11e: {  	_ =	shalt  }

// kernel: kernel.15.cloned.1.call-start
scs
__scs_entry_jumppad:
0x0: {  	(pc) =	sbr.rel $0x88, $3  }
0x1: {  	(tag) =	ssettag $0x0;
	lr =	simm.s32 $0x1  }
0x2: {  	[smem:$0x3F9B] =	sst lr;
	_ =	strace $0xD0000000  }
0x3: {  	_ = 	snop  }
0x4: {  	_ = 	snop  }
0x5: {  	_ = 	snop  }
0x6: {  	_ = 	snop  }
0x7: {  	_ = 	snop  }
__scs_overlays_trampoline_lowered:
0x8: {  	[smem:$0x3FAA] =	sst s0  }
0x9: {  	[smem:$0x3FAB] =	sst s1  }
0xa: {  	[smem:$0x3FAC] =	sst s2  }
0xb: {  	[smem:$0x3FAD] =	sst s3  }
0xc: {  	[smem:$0x3FAE] =	sst s4  }
0xd: {  	[smem:$0x3FAF] =	sst s5  }
0xe: {  	[smem:$0x3FB0] =	sst s6  }
0xf: {  	[smem:$0x3FB1] =	sst s7  }
0x10: {  	[smem:$0x3FB2] =	sst s8  }
0x11: {  	[smem:$0x3FB3] =	sst s9;
	s0 =	simm.s32 @!p0 $0x0  }
0x12: {  	s1 =	sld [smem:$0x3F99];
	s0 =	simm.s32 @p0 $0x1  }
0x13: {  	[smem:$0x3FB4] =	sst s0;
	s0 =	simm.s32 @!p1 $0x0  }
0x14: {  	s2 =	sld [smem:$0x3F98];
	s0 =	simm.s32 @p1 $0x1  }
0x15: {  	[smem:$0x3FB5] =	sst s0;
	s0 =	simm.s32 @!p2 $0x0  }
0x16: {  	s3 =	sld [smem:$0x3FDB];
	s0 =	simm.s32 @p2 $0x1  }
0x17: {  	s4 =	simm.s32 $0x1BF5;
	[smem:$0x3FB7] =	sst s0  }
0x18: {  	s0 =	sld [smem:$0x3F9A];
	_ =	swait.ge [sflag:s4], $0x0  }
0x19: {  	s7 =	sld [smem:$0x3F9B]  }
0x1a: {  	s8 =	sadd.s32 $0xFFFFE003, lr  }
0x1b: {  	s9 =	sadd.s32 $0xFFFFFEF7, lr;
	s5 =	simm.s32 $0xFFFFFFFF;
	p2 =	slt.u32 s8, $0xFFFFF086  }
0x1c: {  	p1 =	slt.u32 s9, $0xF7A;
	s5 =	simm.s32 @!p2 $0x0  }
0x1d: {  	s5 =	simm.s32 @p1 $0x1;
	p0 =	seq.s32 s7, s2  }
0x1e: {  	s7 =	smul.u32 @!p0 $0xF7A, s2;
	p2 =	seq.s32 @!p0 s5, $0x0  }
0x1f: {  	s9 =	smul.u32 $0xF7A, s1;
	s8 =	simm.s32 @!p0 $0x1BF5;
	p2 =	por !p2, p0  }
0x20: {  	[sflag:s8] =	ssyncset.s32 @!p0 $0xFFFFF086;
	s6 =	sadd.s32 @!p0 s3, s7;
	s7 =	simm.s32 @!p0 $0x108  }
0x21: {  	s3 =	sadd.s32 s3, s9;
	s6 =	sadd.s32 @!p0 $0x88, s6;
	s7 =	simm.s32 @p2 $0x1082  }
0x22: {  	[simem:s7], [sflag:s8] =	dma.local @!p0 [hbm:s6], $0xF7A  }
0x23: {  	s9 =	sor.u32 $0xD0000000, s2;
	s6 =	simm.s32 $0x108;
	_ =	swait.ge @!p0 [sflag:s8], $0x0  }
0x24: {  	s3 =	sadd.s32 $0x88, s3;
	s6 =	simm.s32 @!p1 $0x1082;
	[sflag:s4] =	ssyncset.s32 $0xFFFFF086  }
0x25: {  	[simem:s6], [sflag:s4] =	dma.local [hbm:s3], $0xF7A  }
0x26: {  	[smem:$0x3F9B] =	sst s1;
	(tag) =	ssettag s2;
	_ =	strace s9  }
0x27: {  	s1 =	sld [smem:$0x3FAB]  }
0x28: {  	s2 =	sld [smem:$0x3FAC]  }
0x29: {  	s4 =	sld [smem:$0x3FAE]  }
0x2a: {  	p0 =	seq.s32 s5, $0x0;
	s5 =	sld [smem:$0x3FAF]  }
0x2b: {  	s6 =	sld [smem:$0x3FB0]  }
0x2c: {  	s7 =	sld [smem:$0x3FB1]  }
0x2d: {  	s3 =	simm.s32 $0x108;
	s8 =	sld [smem:$0x3FB2]  }
0x2e: {  	s3 =	simm.s32 @!p0 $0x1082;
	s9 =	sld [smem:$0x3FB3]  }
0x2f: {  	lr =	sadd.s32 s0, s3;
	s0 =	sld [smem:$0x3FAA]  }
0x30: {  	s3 =	sld [smem:$0x3FAD]  }
0x31: {  	[smem:$0x3FB6] =	sst s10  }
0x32: {  	s10 =	sld [smem:$0x3FB4];
	_ =	sdelay $0x3  }
0x33: {  	p0 =	seq.s32 s10, $0x1;
	s10 =	sld [smem:$0x3FB6];
	_ =	sdelay $0x3  }
0x34: {  	[smem:$0x3FB6] =	sst s10  }
0x35: {  	s10 =	sld [smem:$0x3FB5];
	_ =	sdelay $0x3  }
0x36: {  	p1 =	seq.s32 s10, $0x1;
	s10 =	sld [smem:$0x3FB6];
	_ =	sdelay $0x3  }
0x37: {  	[smem:$0x3FB6] =	sst s10  }
0x38: {  	s10 =	sld [smem:$0x3FB7]  }
0x39: {  	_ = 	snop;
	(pc) =	sbr.ind lr, $3  }
0x3a: {  	_ = 	snop  }
0x3b: {  	_ = 	snop  }
0x3c: {  	p2 =	seq.s32 s10, $0x1;
	s10 =	sld [smem:$0x3FB6]  }
0x3d: {  	_ =	shalt  }
0x3e: {  	_ =	shalt  }
0x3f: {  	_ =	shalt  }
0x40: {  	_ =	shalt  }
0x41: {  	_ =	shalt  }
0x42: {  	_ =	shalt  }
0x43: {  	_ =	shalt  }
0x44: {  	_ =	shalt  }
0x45: {  	_ =	shalt  }
0x46: {  	_ =	shalt  }
0x47: {  	_ =	shalt  }
0x48: {  	_ =	shalt  }
0x49: {  	_ =	shalt  }
0x4a: {  	_ =	shalt  }
0x4b: {  	_ =	shalt  }
0x4c: {  	_ =	shalt  }
0x4d: {  	_ =	shalt  }
0x4e: {  	_ =	shalt  }
0x4f: {  	_ =	shalt  }
0x50: {  	_ =	shalt  }
0x51: {  	_ =	shalt  }
0x52: {  	_ =	shalt  }
0x53: {  	_ =	shalt  }
0x54: {  	_ =	shalt  }
0x55: {  	_ =	shalt  }
0x56: {  	_ =	shalt  }
0x57: {  	_ =	shalt  }
0x58: {  	_ =	shalt  }
0x59: {  	_ =	shalt  }
0x5a: {  	_ =	shalt  }
0x5b: {  	_ =	shalt  }
0x5c: {  	_ =	shalt  }
0x5d: {  	_ =	shalt  }
0x5e: {  	_ =	shalt  }
0x5f: {  	_ =	shalt  }
0x60: {  	_ =	shalt  }
0x61: {  	_ =	shalt  }
0x62: {  	_ =	shalt  }
0x63: {  	_ =	shalt  }
0x64: {  	_ =	shalt  }
0x65: {  	_ =	shalt  }
0x66: {  	_ =	shalt  }
0x67: {  	_ =	shalt  }
0x68: {  	_ =	shalt  }
0x69: {  	_ =	shalt  }
0x6a: {  	_ =	shalt  }
0x6b: {  	_ =	shalt  }
0x6c: {  	_ =	shalt  }
0x6d: {  	_ =	shalt  }
0x6e: {  	_ =	shalt  }
0x6f: {  	_ =	shalt  }
0x70: {  	_ =	shalt  }
0x71: {  	_ =	shalt  }
0x72: {  	_ =	shalt  }
0x73: {  	_ =	shalt  }
0x74: {  	_ =	shalt  }
0x75: {  	_ =	shalt  }
0x76: {  	_ =	shalt  }
0x77: {  	_ =	shalt  }
0x78: {  	_ =	shalt  }
0x79: {  	_ =	shalt  }
0x7a: {  	_ =	shalt  }
0x7b: {  	_ =	shalt  }
0x7c: {  	_ =	shalt  }
0x7d: {  	_ =	shalt  }
0x7e: {  	_ =	shalt  }
0x7f: {  	_ =	shalt  }
0x80: {  	_ =	shalt  }
0x81: {  	_ =	shalt  }
0x82: {  	_ =	shalt  }
0x83: {  	_ =	shalt  }
0x84: {  	_ =	shalt  }
0x85: {  	_ =	shalt  }
0x86: {  	_ =	shalt  }
0x87: {  	_ =	shalt  }
.Lfunc_end0:
.L_simem_size_0:
called_computation.2_lowered:
.L_overlay_start_0:
0x88: {  	s2 =	sld [smem:$0x3FD9]  }
0x89: {  	s3 =	sld [smem:$0x3FFE];
	_ =	sdelay $0x1  }
0x8a: {  	s1 =	srdreg.scid  }
0x8b: {  	s0 =	sand.u32 $0x1, s1  }
0x8c: {  	s17 =	sshll.u32 s0, $0xA;
	s2 =	sadd.s32 s3, s2  }
0x8d: {  	s2 =	sadd.s32 s2, s17  }
0x8e: {  	[smem:$0x3FC2] =	sst s2  }
0x8f: {  	_ = 	snop  }
0x90: {  	s2 =	sld [smem:$0x3FD0];
	(tm) =	ssettm $0x1  }
0x91: {  	s18 =	sld [smem:$0x3FFB];
	_ =	sdelay $0x3  }
0x92: {  	_ =	strace s18  }
0x93: {  	s3 =	sld [smem:$0x3FFC];
	_ =	sdelay $0x3  }
0x94: {  	_ =	strace s3  }
0x95: {  	s3 =	sld [smem:$0x3FFD];
	_ =	sdelay $0x3  }
0x96: {  	_ =	strace s3  }
0x97: {  	_ =	strace $0x8FFFFFFF  }
0x98: {  	s19 =	sld [smem:$0x3FDB];
	_ =	sdelay $0x1  }
0x99: {  	s4 =	simm.s32 $_scs_section_size  }
0x9a: {  	s5 =	simm.s32 $_size__tile_overlayer_lowered;
	s6 =	simm.s32 $_tile_overlayer_lowered  }
0x9b: {  	s22 =	simm.s32 $0x1BFF;
	s21 =	sshll.u32 s6, $0x1;
	s3 =	sadd.s32 s4, s19  }
0x9c: {  	s7 =	simm.s32 $0x0;
	s20 =	sshll.u32 s5, $0x1;
	s5 =	sadd.s32 s21, s3  }
0x9d: {  	[timem:s7], [sflag:s22] =	dma.local [hbm:s5], s20  }
0x9e: {  	_ =	swait.ge [sflag:s22], s20  }
0x9f: {  	s4 =	ssub.s32 $0x0, s20;
	[sflag:s22] =	ssyncset.done $0x0  }
0xa0: {  	[sflag:s22] =	ssyncadd.s32 s4;
	_ =	sdelay $0x1  }
0xa1: {  	s23 =	simm.s32 $0x1B8B  }
0xa2: {  	_ =	swait.ge [sflag:s23], $0x1  }
0xa3: {  	[sflag:s23] =	ssyncset.done $0x0  }
0xa4: {  	s25 =	simm.s32 $0x1B8E;
	s24 =	sld [smem:$0x3FFE];
	[sflag:s23] =	ssyncadd.s32 $0xFFFFFFFF  }
0xa5: {  	s26 =	simm.s32 $execute0_lowered;
	[smem:$0x3FD2] =	sst s25  }
0xa6: {  	s5 =	sshll.u32 s26, $0x1;
	_ =	strace $0x8000004C;
	[dreg:$0x1] =	wrdreg $0xFFFFFFFF  }
0xa7: {  	s28 =	simm.s32 $_size_execute0_lowered;
	s3 =	sadd.s32 s3, s5;
	[dreg:$0x0] =	wrdreg $0x0  }
0xa8: {  	s5 =	sshll.u32 s28, $0x1;
	[dreg:$0x2] =	wrdreg s3  }
0xa9: {  	[dreg:$0x3] =	wrdreg s5  }
0xaa: {  	[dreg:$0x4] =	wrdreg $0xC0  }
0xab: {  	_ =	task [dreg:s7], $0x5FFFF  }
0xac: {  	[dreg:$0x1] =	wrdreg $0xFFFFFFFF  }
0xad: {  	[dreg:$0x0] =	wrdreg $0x60  }
0xae: {  	[dreg:$0x2] =	wrdreg s2  }
0xaf: {  	[dreg:$0x3] =	wrdreg s24  }
0xb0: {  	[dreg:$0x4] =	wrdreg $0xA8000  }
0xb1: {  	[dreg:$0x5] =	wrdreg $0x9  }
0xb2: {  	_ =	task.clear_ibuf [dreg:s7], $0x6FFFF;
	_ =	strace $0x9000004C  }
0xb3: {  	s29 =	simm.s32 $0x9;
	_ =	strace $0x8000004E  }
0xb4: {  	_ =	swait.ge [sflag:s29], $0x1  }
0xb5: {  	[sflag:s29] =	ssyncadd.s32 $0xFFFFFFFF  }
0xb6: {  	_ =	strace $0x9000004E  }
0xb7: {  	_ =	sfence  }
0xb8: {  	s30 =	sld [smem:$0x0];
	_ =	sdelay $0x2  }
0xb9: {  	s31 =	sshll.u32 s1, $0xD;
	s1 =	sshrl.u32 s1, $0x2  }
0xba: {  	s3 =	sand.u32 $0x4000, s31;
	s1 =	sadd.s32 s1, s30  }
0xbb: {  	s0 =	sor.u32 s3, s0;
	s1 =	sshll.u32 s1, $0x11  }
0xbc: {  	s0 =	sor.u32 s1, s0  }
0xbd: {  	s0 =	sadd.s32 $0x8F2B, s0  }
0xbe: {  	[sflag:s0] =	ssyncadd.remote.s32 $0x1  }
0xbf: {  	_ =	sfence.sel $0xFFFF  }
0xc0: {  	[dreg:$0x0] =	wrdreg $0xFFFFFFFF;
	(pc) =	sbr.abs _section_cstart, $3  }
0xc1: {  	[dreg:$0x1] =	wrdreg $0xFFFFFFFF  }
0xc2: {  	_ =	task.clear_ibuf [dreg:s7], $0x2FFFF;
	_ =	strace $0x9FFFFFFF  }
0xc3: {  	(tm) =	ssettm $0x7FFFFFFF  }
tec
execute0_lowered:
.L_overlay_start_1:
0x0: {  	(tag) =	ssettag $0x1  }
0x1: {  	s8 =	rddreg [dreg:$0x0]  }
0x2: {  	s5 =	rddreg [dreg:$0x1]  }
0x3: {  	s2 =	rddreg [dreg:$0x2]  }
0x4: {  	s0 =	rddreg [dreg:$0x3];
	s1 =	stileid.u32  }
0x5: {  	s4 =	srdreg.scid;
	s3 =	simm.s32 $0x0;
	s14 =	simm.s32 $0x2800  }
0x6: {  	s15 =	simm.s32 $0x6800;
	s16 =	simm.s32 $0x1;
	s17 =	simm.s32 $0x2  }
0x7: {  	s18 =	simm.s32 $0x2700;
	s19 =	simm.s32 $0x2780;
	s6 =	smul.u32 $0x500, s1  }
0x8: {  	s7 =	sand.u32 $0x1, s4;
	[smem:$0x7FF] =	sst s3;
	s11 =	smul.u32 $0x4F000, s1  }
0x9: {  	s4 =	sadd.s32 $0x6800, s5;
	s31 =	sshll.u32 s1, $0x6;
	s23 =	smul.u32 $0x2780, s1  }
0xa: {  	s9 =	smul.u32 $0x27800, s7;
	_ =	strace $0x8000004D;
	s10 =	ssub.s32 $0x2, s7  }
0xb: {  	s13 =	smul.u32 $0x27100, s7;
	s12 =	sadd.s32 s6, s5;
	s29 =	sshrl.u32 s10, $0x1  }
0xc: {  	s30 =	sshrl.u32 s11, $0x2;
	s9 =	sadd.s32 s9, s5;
	s10 =	ssub.s32 s10, s29  }
0xd: {  	s11 =	sadd.s32 s30, s2;
	s5 =	sor.u32 $0x1C03, s31;
	s6 =	sadd.s32 $0x58000, s12  }
0xe: {  	s7 =	sadd.s32 $0x1800, s12;
	s8 =	sadd.s32 s8, s13;
	s12 =	simm.s32 $0x1400  }
0xf: {  	s13 =	simm.s32 $0x80;
	s22 =	sadd.s32 $0x9000, s9;
	s9 =	smax.u32 s10, $0x1  }
0x10: {  	s10 =	sshrl.u32 s11, $0x3;
	s11 =	simm.s32 $0x3;
	s20 =	sadd.s32 $0x280, s6  }
0x11: {  	s21 =	sadd.s32 $0x280, s7;
	s22 =	sadd.s32 s23, s22;
	s23 =	simm.s32 $0x0  }
.LBB2_1:
0x12: {  	[spmem:s10], [sflag:s5] =	dma.local [hbm:s4], $0x2780  }
0x13: {  	_ =	swait.ge [sflag:s11], $0x2780  }
0x14: {  	[sflag:s11] =	ssyncset.done $0x0  }
0x15: {  	[sflag:s11] =	ssyncadd.s32 $0xFFFFD880  }
0x16: {  	[bflag:$0x0] =	sbarrier.arrive $0xFFFF  }
0x17: {  	[tilespmem:s3], [sflag:$0x3] =	stream.linear.gather [hbm4b:s6+s3], $0x1400, $0x38;
	[tilespmem:$0x1E400] =	vst v63  }
0x18: {  	_ =	swait.ge [sflag:s11], $0x1400  }
0x19: {  	[sflag:s11] =	ssyncset.done $0x0  }
0x1a: {  	[sflag:s11] =	ssyncadd.s32 $0xFFFFEC00  }
0x1b: {  	[tilespmem:s12], [sflag:$0x3] =	stream.linear.gather [hbm4b:s7+s3], $0x1400, $0x38;
	[tilespmem:$0x1E400] =	vst v63  }
0x1c: {  	_ =	swait.ge [sflag:s11], $0x1400  }
0x1d: {  	[sflag:s11] =	ssyncset.done $0x0  }
0x1e: {  	[sflag:s11] =	ssyncadd.s32 $0xFFFFEC00  }
0x1f: {  	[tilespmem:s14], [sflag:$0x1] =	stream.indirect.gather [hbm4b:s8+s13], $0x80, s3, s13, $0xb8;
	[tilespmem:$0x1E400] =	vst v63  }
0x20: {  	_ = 	snop  }
0x21: {  	[tilespmem:s15], [sflag:$0x2] =	stream.indirect.gather [hbm4b:s8+s13], $0x80, s13, s13, $0xb8;
	[tilespmem:$0x1E400] =	vst v63  }
0x22: {  	_ =	swait.ge [sflag:s16], $0x4000  }
0x23: {  	[sflag:s16] =	ssyncset.done $0x0  }
0x24: {  	s24 =	simm.s32 $0x1400;
	[sflag:s16] =	ssyncadd.s32 $0xFFFFC000  }
0x25: {  	[spmem:s2] =	stream.indirect.scatter.add.f32 [tilespmem:s14], [sflag:$0x3], $0x80, s24, s13, $0xb8;
	[tilespmem:$0x1E400] =	vst v63  }
0x26: {  	_ =	swait.ge [sflag:s11], $0x4000  }
0x27: {  	[sflag:s11] =	ssyncset.done $0x0  }
0x28: {  	s30 =	simm.s32 $0x100;
	[sflag:s11] =	ssyncadd.s32 $0xFFFFC000  }
0x29: {  	[tilespmem:s14], [sflag:$0x1] =	stream.indirect.gather [hbm4b:s8+s13], $0x80, s30, s13, $0xb8;
	[tilespmem:$0x1E400] =	vst v63  }
0x2a: {  	_ =	swait.ge [sflag:s17], $0x4000  }
0x2b: {  	[sflag:s17] =	ssyncset.done $0x0  }
0x2c: {  	s31 =	simm.s32 $0x1480;
	[sflag:s17] =	ssyncadd.s32 $0xFFFFC000  }
0x2d: {  	[spmem:s2] =	stream.indirect.scatter.add.f32 [tilespmem:s15], [sflag:$0x3], $0x80, s31, s13, $0xb8;
	[tilespmem:$0x1E400] =	vst v63  }
0x2e: {  	_ =	swait.ge [sflag:s11], $0x4000  }
0x2f: {  	[sflag:s11] =	ssyncset.done $0x0  }
0x30: {  	s25 =	simm.s32 $0x180;
	s24 =	simm.s32 $0x400;
	[sflag:s11] =	ssyncadd.s32 $0xFFFFC000  }
.LBB2_2:
0x31: {  	[tilespmem:s15], [sflag:$0x2] =	stream.indirect.gather [hbm4b:s8+s13], $0x80, s25, s13, $0xb8;
	[tilespmem:$0x1E400] =	vst v63  }
0x32: {  	s25 =	smov.u32 s24  }
0x33: {  	p0 =	sne.s32 s24, $0x4800;
	s24 =	sadd.s32 $0x400, s24;
	_ =	swait.ge [sflag:s16], $0x4000  }
0x34: {  	s25 =	sshra.s32 s25, $0x2;
	[sflag:s16] =	ssyncset.done $0x0  }
0x35: {  	s26 =	sadd.s32 $0x1400, s25;
	[sflag:s16] =	ssyncadd.s32 $0xFFFFC000  }
0x36: {  	[spmem:s2] =	stream.indirect.scatter.add.f32 [tilespmem:s14], [sflag:$0x3], $0x80, s26, s13, $0xb8;
	[tilespmem:$0x1E400] =	vst v63  }
0x37: {  	_ =	swait.ge [sflag:s11], $0x4000  }
0x38: {  	[sflag:s11] =	ssyncset.done $0x0  }
0x39: {  	s26 =	sadd.s32 $0x100, s25;
	[sflag:s11] =	ssyncadd.s32 $0xFFFFC000  }
0x3a: {  	[tilespmem:s14], [sflag:$0x1] =	stream.indirect.gather [hbm4b:s8+s13], $0x80, s26, s13, $0xb8;
	[tilespmem:$0x1E400] =	vst v63  }
0x3b: {  	_ =	swait.ge [sflag:s17], $0x4000  }
0x3c: {  	[sflag:s17] =	ssyncset.done $0x0  }
.Ltmp0:
0x3d: {  	s26 =	sadd.s32 $0x1480, s25;
	[sflag:s17] =	ssyncadd.s32 $0xFFFFC000;
	(pc) =	sbr.rel @p0 .LBB2_2-.Ltmp0, $4  }
0x3e: {  	[spmem:s2] =	stream.indirect.scatter.add.f32 [tilespmem:s15], [sflag:$0x3], $0x80, s26, s13, $0xb8;
	[tilespmem:$0x1E400] =	vst v63  }
0x3f: {  	_ =	swait.ge [sflag:s11], $0x4000  }
0x40: {  	[sflag:s11] =	ssyncset.done $0x0  }
0x41: {  	s25 =	sadd.s32 $0x180, s25;
	[sflag:s11] =	ssyncadd.s32 $0xFFFFC000  }
0x42: {  	[tilespmem:s15], [sflag:$0x2] =	stream.indirect.gather [hbm4b:s8+s13], $0x80, s25, s13, $0xb8;
	[tilespmem:$0x1E400] =	vst v63  }
0x43: {  	_ =	swait.ge [sflag:s16], $0x4000  }
0x44: {  	[sflag:s16] =	ssyncset.done $0x0  }
0x45: {  	[sflag:s16] =	ssyncadd.s32 $0xFFFFC000  }
0x46: {  	[spmem:s2] =	stream.indirect.scatter.add.f32 [tilespmem:s14], [sflag:$0x3], $0x80, s18, s13, $0xb8;
	[tilespmem:$0x1E400] =	vst v63  }
0x47: {  	_ =	swait.ge [sflag:s11], $0x4000  }
0x48: {  	[sflag:s11] =	ssyncset.done $0x0  }
0x49: {  	[sflag:s11] =	ssyncadd.s32 $0xFFFFC000  }
0x4a: {  	_ =	swait.ge [sflag:s17], $0x4000  }
0x4b: {  	[sflag:s17] =	ssyncset.done $0x0  }
0x4c: {  	[sflag:s17] =	ssyncadd.s32 $0xFFFFC000  }
0x4d: {  	[spmem:s2] =	stream.indirect.scatter.add.f32 [tilespmem:s15], [sflag:$0x3], $0x80, s19, s13, $0xb8;
	[tilespmem:$0x1E400] =	vst v63  }
0x4e: {  	_ =	swait.ge [sflag:s11], $0x4000  }
0x4f: {  	[sflag:s11] =	ssyncset.done $0x0  }
0x50: {  	s24 =	simm.s32 $0x0;
	[sflag:s11] =	ssyncadd.s32 $0xFFFFC000  }
0x51: {  	[tilespmem:s24], [sflag:$0x3] =	stream.linear.gather [hbm4b:s20+s24], $0x1400, $0x38;
	[tilespmem:$0x1E400] =	vst v63  }
0x52: {  	_ =	swait.ge [sflag:s11], $0x1400  }
0x53: {  	[sflag:s11] =	ssyncset.done $0x0  }
0x54: {  	[sflag:s11] =	ssyncadd.s32 $0xFFFFEC00  }
0x55: {  	[tilespmem:s12], [sflag:$0x3] =	stream.linear.gather [hbm4b:s21+s24], $0x1400, $0x38;
	[tilespmem:$0x1E400] =	vst v63  }
0x56: {  	_ =	swait.ge [sflag:s11], $0x1400  }
0x57: {  	[sflag:s11] =	ssyncset.done $0x0  }
0x58: {  	[sflag:s11] =	ssyncadd.s32 $0xFFFFEC00  }
0x59: {  	[tilespmem:s14], [sflag:$0x1] =	stream.indirect.gather [hbm4b:s8+s13], $0x80, s24, s13, $0xb8;
	[tilespmem:$0x1E400] =	vst v63  }
0x5a: {  	_ = 	snop  }
0x5b: {  	[tilespmem:s15], [sflag:$0x2] =	stream.indirect.gather [hbm4b:s8+s13], $0x80, s13, s13, $0xb8;
	[tilespmem:$0x1E400] =	vst v63  }
0x5c: {  	_ =	swait.ge [sflag:s16], $0x4000  }
0x5d: {  	[sflag:s16] =	ssyncset.done $0x0  }
0x5e: {  	s29 =	simm.s32 $0x1400;
	[sflag:s16] =	ssyncadd.s32 $0xFFFFC000  }
0x5f: {  	[spmem:s2] =	stream.indirect.scatter.add.f32 [tilespmem:s14], [sflag:$0x3], $0x80, s29, s13, $0xb8;
	[tilespmem:$0x1E400] =	vst v63  }
0x60: {  	_ =	swait.ge [sflag:s11], $0x4000  }
0x61: {  	[sflag:s11] =	ssyncset.done $0x0  }
0x62: {  	s30 =	simm.s32 $0x100;
	[sflag:s11] =	ssyncadd.s32 $0xFFFFC000  }
0x63: {  	[tilespmem:s14], [sflag:$0x1] =	stream.indirect.gather [hbm4b:s8+s13], $0x80, s30, s13, $0xb8;
	[tilespmem:$0x1E400] =	vst v63  }
0x64: {  	_ =	swait.ge [sflag:s17], $0x4000  }
0x65: {  	[sflag:s17] =	ssyncset.done $0x0  }
0x66: {  	s31 =	simm.s32 $0x1480;
	[sflag:s17] =	ssyncadd.s32 $0xFFFFC000  }
0x67: {  	[spmem:s2] =	stream.indirect.scatter.add.f32 [tilespmem:s15], [sflag:$0x3], $0x80, s31, s13, $0xb8;
	[tilespmem:$0x1E400] =	vst v63  }
0x68: {  	_ =	swait.ge [sflag:s11], $0x4000  }
0x69: {  	[sflag:s11] =	ssyncset.done $0x0  }
0x6a: {  	s25 =	simm.s32 $0x180;
	s24 =	simm.s32 $0x400;
	[sflag:s11] =	ssyncadd.s32 $0xFFFFC000  }
.LBB2_4:
0x6b: {  	[tilespmem:s15], [sflag:$0x2] =	stream.indirect.gather [hbm4b:s8+s13], $0x80, s25, s13, $0xb8;
	[tilespmem:$0x1E400] =	vst v63  }
0x6c: {  	s25 =	smov.u32 s24  }
0x6d: {  	p0 =	sne.s32 s24, $0x4800;
	s24 =	sadd.s32 $0x400, s24;
	_ =	swait.ge [sflag:s16], $0x4000  }
0x6e: {  	s25 =	sshra.s32 s25, $0x2;
	[sflag:s16] =	ssyncset.done $0x0  }
0x6f: {  	s26 =	sadd.s32 $0x1400, s25;
	[sflag:s16] =	ssyncadd.s32 $0xFFFFC000  }
0x70: {  	[spmem:s2] =	stream.indirect.scatter.add.f32 [tilespmem:s14], [sflag:$0x3], $0x80, s26, s13, $0xb8;
	[tilespmem:$0x1E400] =	vst v63  }
0x71: {  	_ =	swait.ge [sflag:s11], $0x4000  }
0x72: {  	[sflag:s11] =	ssyncset.done $0x0  }
0x73: {  	s26 =	sadd.s32 $0x100, s25;
	[sflag:s11] =	ssyncadd.s32 $0xFFFFC000  }
0x74: {  	[tilespmem:s14], [sflag:$0x1] =	stream.indirect.gather [hbm4b:s8+s13], $0x80, s26, s13, $0xb8;
	[tilespmem:$0x1E400] =	vst v63  }
0x75: {  	_ =	swait.ge [sflag:s17], $0x4000  }
0x76: {  	[sflag:s17] =	ssyncset.done $0x0  }
.Ltmp1:
0x77: {  	s26 =	sadd.s32 $0x1480, s25;
	[sflag:s17] =	ssyncadd.s32 $0xFFFFC000;
	(pc) =	sbr.rel @p0 .LBB2_4-.Ltmp1, $4  }
0x78: {  	[spmem:s2] =	stream.indirect.scatter.add.f32 [tilespmem:s15], [sflag:$0x3], $0x80, s26, s13, $0xb8;
	[tilespmem:$0x1E400] =	vst v63  }
0x79: {  	_ =	swait.ge [sflag:s11], $0x4000  }
0x7a: {  	[sflag:s11] =	ssyncset.done $0x0  }
0x7b: {  	s25 =	sadd.s32 $0x180, s25;
	[sflag:s11] =	ssyncadd.s32 $0xFFFFC000  }
0x7c: {  	[tilespmem:s15], [sflag:$0x2] =	stream.indirect.gather [hbm4b:s8+s13], $0x80, s25, s13, $0xb8;
	[tilespmem:$0x1E400] =	vst v63  }
0x7d: {  	_ =	swait.ge [sflag:s16], $0x4000  }
0x7e: {  	[sflag:s16] =	ssyncset.done $0x0  }
0x7f: {  	[sflag:s16] =	ssyncadd.s32 $0xFFFFC000  }
0x80: {  	[spmem:s2] =	stream.indirect.scatter.add.f32 [tilespmem:s14], [sflag:$0x3], $0x80, s18, s13, $0xb8;
	[tilespmem:$0x1E400] =	vst v63  }
0x81: {  	_ =	swait.ge [sflag:s11], $0x4000  }
0x82: {  	[sflag:s11] =	ssyncset.done $0x0  }
0x83: {  	[sflag:s11] =	ssyncadd.s32 $0xFFFFC000  }
0x84: {  	_ =	swait.ge [sflag:s17], $0x4000  }
0x85: {  	[sflag:s17] =	ssyncset.done $0x0  }
0x86: {  	[sflag:s17] =	ssyncadd.s32 $0xFFFFC000  }
0x87: {  	[spmem:s2] =	stream.indirect.scatter.add.f32 [tilespmem:s15], [sflag:$0x3], $0x80, s19, s13, $0xb8;
	[tilespmem:$0x1E400] =	vst v63  }
0x88: {  	_ =	swait.ge [sflag:s11], $0x4000  }
0x89: {  	s23 =	sadd.s32 $0x1, s23;
	[sflag:s11] =	ssyncset.done $0x0  }
0x8a: {  	p0 =	sne.s32 s23, s9;
	[sflag:s11] =	ssyncadd.s32 $0xFFFFC000  }
.Ltmp2:
0x8b: {  	[bflag:$0x0] =	sbarrier.arrive $0xFFFF;
	(pc) =	sbr.rel @p0 .LBB2_1-.Ltmp2, $4  }
0x8c: {  	[hbm:s22], [sflag:s5] =	dma.local [spmem:s10], $0x2780  }
0x8d: {  	_ =	swait.ge [sflag:s11], $0x2780  }
0x8e: {  	[sflag:s11] =	ssyncset.done $0x0  }
0x8f: {  	[sflag:s11] =	ssyncadd.s32 $0xFFFFD880  }
0x90: {  	_ =	sfence.sel $0x180000  }
0x91: {  	[bflag:$0x0] =	sbarrier.arrive $0xFFFF  }
0x92: {  	p0 =	sne.s32 s1, $0x0;
	_ =	strace $0x9000004D  }
0x93: {  	s0 =	sadd.s32 @!p0 $0x100000, s0;
	[bflag:$0x2] =	sbarrier.arrive $0xFFFF  }
0x94: {  	[sflag:s0] =	ssyncadd.tile.s32 @!p0 $0x1;
	_ =	shalt  }
.Lfunc_end2:
_tile_overlayer_lowered:
.L_overlay_start_2:
0x95: {  	(tag) =	ssettag $0x2  }
0x96: {  	s0 =	rddreg [dreg:$0x0];
	s2 =	stileid.u32  }
0x97: {  	s1 =	rddreg [dreg:$0x1];
	p0 =	sne.s32 s2, $0x0  }
0x98: {  	s3 =	rddreg [dreg:$0x2];
	[bflag:$0x3] =	sbarrier.arrive $0xFFFF;
	s2 =	simm.s32 @!p0 $0x1C03  }
0x99: {  	[timem:s3], [sflag:s2] =	dma.local @!p0 [hbm:s0], s1  }
0x9a: {  	s0 =	simm.s32 @!p0 $0x3  }
0x9b: {  	_ =	swait.ge @!p0 [sflag:s0], s1  }
0x9c: {  	s1 =	ssub.s32 @!p0 $0x0, s1;
	[sflag:s0] =	ssyncset.done @!p0 $0x0  }
0x9d: {  	[sflag:s0] =	ssyncadd.s32 @!p0 s1  }
0x9e: {  	[bflag:$0x3] =	sbarrier.arrive $0xFFFF  }
0x9f: {  	_ =	shalt  }

// kernel: kernel.9.cloned.1.call-start
scs
__scs_entry_jumppad:
0x0: {  	(pc) =	sbr.rel $0x88, $3  }
0x1: {  	(tag) =	ssettag $0x0;
	lr =	simm.s32 $0x1  }
0x2: {  	[smem:$0x3F9B] =	sst lr;
	_ =	strace $0xD0000000  }
0x3: {  	_ = 	snop  }
0x4: {  	_ = 	snop  }
0x5: {  	_ = 	snop  }
0x6: {  	_ = 	snop  }
0x7: {  	_ = 	snop  }
__scs_overlays_trampoline_lowered:
0x8: {  	[smem:$0x3FAA] =	sst s0  }
0x9: {  	[smem:$0x3FAB] =	sst s1  }
0xa: {  	[smem:$0x3FAC] =	sst s2  }
0xb: {  	[smem:$0x3FAD] =	sst s3  }
0xc: {  	[smem:$0x3FAE] =	sst s4  }
0xd: {  	[smem:$0x3FAF] =	sst s5  }
0xe: {  	[smem:$0x3FB0] =	sst s6  }
0xf: {  	[smem:$0x3FB1] =	sst s7  }
0x10: {  	[smem:$0x3FB2] =	sst s8  }
0x11: {  	[smem:$0x3FB3] =	sst s9;
	s0 =	simm.s32 @!p0 $0x0  }
0x12: {  	s1 =	sld [smem:$0x3F99];
	s0 =	simm.s32 @p0 $0x1  }
0x13: {  	[smem:$0x3FB4] =	sst s0;
	s0 =	simm.s32 @!p1 $0x0  }
0x14: {  	s2 =	sld [smem:$0x3F98];
	s0 =	simm.s32 @p1 $0x1  }
0x15: {  	[smem:$0x3FB5] =	sst s0;
	s0 =	simm.s32 @!p2 $0x0  }
0x16: {  	s3 =	sld [smem:$0x3FDB];
	s0 =	simm.s32 @p2 $0x1  }
0x17: {  	s4 =	simm.s32 $0x1BF5;
	[smem:$0x3FB7] =	sst s0  }
0x18: {  	s0 =	sld [smem:$0x3F9A];
	_ =	swait.ge [sflag:s4], $0x0  }
0x19: {  	s7 =	sld [smem:$0x3F9B]  }
0x1a: {  	s8 =	sadd.s32 $0xFFFFE003, lr  }
0x1b: {  	s9 =	sadd.s32 $0xFFFFFEF7, lr;
	s5 =	simm.s32 $0xFFFFFFFF;
	p2 =	slt.u32 s8, $0xFFFFF086  }
0x1c: {  	p1 =	slt.u32 s9, $0xF7A;
	s5 =	simm.s32 @!p2 $0x0  }
0x1d: {  	s5 =	simm.s32 @p1 $0x1;
	p0 =	seq.s32 s7, s2  }
0x1e: {  	s7 =	smul.u32 @!p0 $0xF7A, s2;
	p2 =	seq.s32 @!p0 s5, $0x0  }
0x1f: {  	s9 =	smul.u32 $0xF7A, s1;
	s8 =	simm.s32 @!p0 $0x1BF5;
	p2 =	por !p2, p0  }
0x20: {  	[sflag:s8] =	ssyncset.s32 @!p0 $0xFFFFF086;
	s6 =	sadd.s32 @!p0 s3, s7;
	s7 =	simm.s32 @!p0 $0x108  }
0x21: {  	s3 =	sadd.s32 s3, s9;
	s6 =	sadd.s32 @!p0 $0x88, s6;
	s7 =	simm.s32 @p2 $0x1082  }
0x22: {  	[simem:s7], [sflag:s8] =	dma.local @!p0 [hbm:s6], $0xF7A  }
0x23: {  	s9 =	sor.u32 $0xD0000000, s2;
	s6 =	simm.s32 $0x108;
	_ =	swait.ge @!p0 [sflag:s8], $0x0  }
0x24: {  	s3 =	sadd.s32 $0x88, s3;
	s6 =	simm.s32 @!p1 $0x1082;
	[sflag:s4] =	ssyncset.s32 $0xFFFFF086  }
0x25: {  	[simem:s6], [sflag:s4] =	dma.local [hbm:s3], $0xF7A  }
0x26: {  	[smem:$0x3F9B] =	sst s1;
	(tag) =	ssettag s2;
	_ =	strace s9  }
0x27: {  	s1 =	sld [smem:$0x3FAB]  }
0x28: {  	s2 =	sld [smem:$0x3FAC]  }
0x29: {  	s4 =	sld [smem:$0x3FAE]  }
0x2a: {  	p0 =	seq.s32 s5, $0x0;
	s5 =	sld [smem:$0x3FAF]  }
0x2b: {  	s6 =	sld [smem:$0x3FB0]  }
0x2c: {  	s7 =	sld [smem:$0x3FB1]  }
0x2d: {  	s3 =	simm.s32 $0x108;
	s8 =	sld [smem:$0x3FB2]  }
0x2e: {  	s3 =	simm.s32 @!p0 $0x1082;
	s9 =	sld [smem:$0x3FB3]  }
0x2f: {  	lr =	sadd.s32 s0, s3;
	s0 =	sld [smem:$0x3FAA]  }
0x30: {  	s3 =	sld [smem:$0x3FAD]  }
0x31: {  	[smem:$0x3FB6] =	sst s10  }
0x32: {  	s10 =	sld [smem:$0x3FB4];
	_ =	sdelay $0x3  }
0x33: {  	p0 =	seq.s32 s10, $0x1;
	s10 =	sld [smem:$0x3FB6];
	_ =	sdelay $0x3  }
0x34: {  	[smem:$0x3FB6] =	sst s10  }
0x35: {  	s10 =	sld [smem:$0x3FB5];
	_ =	sdelay $0x3  }
0x36: {  	p1 =	seq.s32 s10, $0x1;
	s10 =	sld [smem:$0x3FB6];
	_ =	sdelay $0x3  }
0x37: {  	[smem:$0x3FB6] =	sst s10  }
0x38: {  	s10 =	sld [smem:$0x3FB7]  }
0x39: {  	_ = 	snop;
	(pc) =	sbr.ind lr, $3  }
0x3a: {  	_ = 	snop  }
0x3b: {  	_ = 	snop  }
0x3c: {  	p2 =	seq.s32 s10, $0x1;
	s10 =	sld [smem:$0x3FB6]  }
0x3d: {  	_ =	shalt  }
0x3e: {  	_ =	shalt  }
0x3f: {  	_ =	shalt  }
0x40: {  	_ =	shalt  }
0x41: {  	_ =	shalt  }
0x42: {  	_ =	shalt  }
0x43: {  	_ =	shalt  }
0x44: {  	_ =	shalt  }
0x45: {  	_ =	shalt  }
0x46: {  	_ =	shalt  }
0x47: {  	_ =	shalt  }
0x48: {  	_ =	shalt  }
0x49: {  	_ =	shalt  }
0x4a: {  	_ =	shalt  }
0x4b: {  	_ =	shalt  }
0x4c: {  	_ =	shalt  }
0x4d: {  	_ =	shalt  }
0x4e: {  	_ =	shalt  }
0x4f: {  	_ =	shalt  }
0x50: {  	_ =	shalt  }
0x51: {  	_ =	shalt  }
0x52: {  	_ =	shalt  }
0x53: {  	_ =	shalt  }
0x54: {  	_ =	shalt  }
0x55: {  	_ =	shalt  }
0x56: {  	_ =	shalt  }
0x57: {  	_ =	shalt  }
0x58: {  	_ =	shalt  }
0x59: {  	_ =	shalt  }
0x5a: {  	_ =	shalt  }
0x5b: {  	_ =	shalt  }
0x5c: {  	_ =	shalt  }
0x5d: {  	_ =	shalt  }
0x5e: {  	_ =	shalt  }
0x5f: {  	_ =	shalt  }
0x60: {  	_ =	shalt  }
0x61: {  	_ =	shalt  }
0x62: {  	_ =	shalt  }
0x63: {  	_ =	shalt  }
0x64: {  	_ =	shalt  }
0x65: {  	_ =	shalt  }
0x66: {  	_ =	shalt  }
0x67: {  	_ =	shalt  }
0x68: {  	_ =	shalt  }
0x69: {  	_ =	shalt  }
0x6a: {  	_ =	shalt  }
0x6b: {  	_ =	shalt  }
0x6c: {  	_ =	shalt  }
0x6d: {  	_ =	shalt  }
0x6e: {  	_ =	shalt  }
0x6f: {  	_ =	shalt  }
0x70: {  	_ =	shalt  }
0x71: {  	_ =	shalt  }
0x72: {  	_ =	shalt  }
0x73: {  	_ =	shalt  }
0x74: {  	_ =	shalt  }
0x75: {  	_ =	shalt  }
0x76: {  	_ =	shalt  }
0x77: {  	_ =	shalt  }
0x78: {  	_ =	shalt  }
0x79: {  	_ =	shalt  }
0x7a: {  	_ =	shalt  }
0x7b: {  	_ =	shalt  }
0x7c: {  	_ =	shalt  }
0x7d: {  	_ =	shalt  }
0x7e: {  	_ =	shalt  }
0x7f: {  	_ =	shalt  }
0x80: {  	_ =	shalt  }
0x81: {  	_ =	shalt  }
0x82: {  	_ =	shalt  }
0x83: {  	_ =	shalt  }
0x84: {  	_ =	shalt  }
0x85: {  	_ =	shalt  }
0x86: {  	_ =	shalt  }
0x87: {  	_ =	shalt  }
.Lfunc_end0:
.L_simem_size_0:
called_computation_lowered:
.L_overlay_start_0:
0x88: {  	s2 =	sld [smem:$0x3FD9]  }
0x89: {  	s3 =	sld [smem:$0x3FFE];
	_ =	sdelay $0x1  }
0x8a: {  	s1 =	srdreg.scid  }
0x8b: {  	s0 =	sand.u32 $0x1, s1  }
0x8c: {  	s17 =	sshll.u32 s0, $0xA;
	s2 =	sadd.s32 s3, s2  }
0x8d: {  	s2 =	sadd.s32 s2, s17  }
0x8e: {  	[smem:$0x3FC2] =	sst s2  }
0x8f: {  	_ = 	snop  }
0x90: {  	s2 =	sld [smem:$0x3FD0];
	(tm) =	ssettm $0x1  }
0x91: {  	s18 =	sld [smem:$0x3FFB];
	_ =	sdelay $0x3  }
0x92: {  	_ =	strace s18  }
0x93: {  	s3 =	sld [smem:$0x3FFC];
	_ =	sdelay $0x3  }
0x94: {  	_ =	strace s3  }
0x95: {  	s3 =	sld [smem:$0x3FFD];
	_ =	sdelay $0x3  }
0x96: {  	_ =	strace s3  }
0x97: {  	_ =	strace $0x8FFFFFFF  }
0x98: {  	s19 =	sld [smem:$0x3FDB];
	_ =	sdelay $0x1  }
0x99: {  	s4 =	simm.s32 $_scs_section_size  }
0x9a: {  	s5 =	simm.s32 $_size__tile_overlayer_lowered;
	s6 =	simm.s32 $_tile_overlayer_lowered  }
0x9b: {  	s22 =	simm.s32 $0x1BFF;
	s21 =	sshll.u32 s6, $0x1;
	s3 =	sadd.s32 s4, s19  }
0x9c: {  	s7 =	simm.s32 $0x0;
	s20 =	sshll.u32 s5, $0x1;
	s5 =	sadd.s32 s21, s3  }
0x9d: {  	[timem:s7], [sflag:s22] =	dma.local [hbm:s5], s20  }
0x9e: {  	_ =	swait.ge [sflag:s22], s20  }
0x9f: {  	s4 =	ssub.s32 $0x0, s20;
	[sflag:s22] =	ssyncset.done $0x0  }
0xa0: {  	[sflag:s22] =	ssyncadd.s32 s4;
	_ =	sdelay $0x1  }
0xa1: {  	s23 =	simm.s32 $0x1B8B  }
0xa2: {  	_ =	swait.ge [sflag:s23], $0x1  }
0xa3: {  	[sflag:s23] =	ssyncset.done $0x0  }
0xa4: {  	s25 =	simm.s32 $0x1B8E;
	s24 =	sld [smem:$0x3FFE];
	[sflag:s23] =	ssyncadd.s32 $0xFFFFFFFF  }
0xa5: {  	s26 =	simm.s32 $execute0_lowered;
	[smem:$0x3FD2] =	sst s25  }
0xa6: {  	s5 =	sshll.u32 s26, $0x1;
	_ =	strace $0x80000046;
	[dreg:$0x1] =	wrdreg $0xFFFFFFFF  }
0xa7: {  	s28 =	simm.s32 $_size_execute0_lowered;
	s3 =	sadd.s32 s3, s5;
	[dreg:$0x0] =	wrdreg $0x0  }
0xa8: {  	s5 =	sshll.u32 s28, $0x1;
	[dreg:$0x2] =	wrdreg s3  }
0xa9: {  	[dreg:$0x3] =	wrdreg s5  }
0xaa: {  	[dreg:$0x4] =	wrdreg $0xC0  }
0xab: {  	_ =	task [dreg:s7], $0x5FFFF  }
0xac: {  	[dreg:$0x1] =	wrdreg $0xFFFFFFFF  }
0xad: {  	[dreg:$0x0] =	wrdreg $0x60  }
0xae: {  	[dreg:$0x2] =	wrdreg s24  }
0xaf: {  	[dreg:$0x3] =	wrdreg s2  }
0xb0: {  	[dreg:$0x4] =	wrdreg $0x68000  }
0xb1: {  	[dreg:$0x5] =	wrdreg $0x9  }
0xb2: {  	_ =	task.clear_ibuf [dreg:s7], $0x6FFFF;
	_ =	strace $0x90000046  }
0xb3: {  	s29 =	simm.s32 $0x9;
	_ =	strace $0x80000048  }
0xb4: {  	_ =	swait.ge [sflag:s29], $0x1  }
0xb5: {  	[sflag:s29] =	ssyncadd.s32 $0xFFFFFFFF  }
0xb6: {  	_ =	strace $0x90000048  }
0xb7: {  	_ =	sfence  }
0xb8: {  	s30 =	sld [smem:$0x0];
	_ =	sdelay $0x2  }
0xb9: {  	s31 =	sshll.u32 s1, $0xD;
	s1 =	sshrl.u32 s1, $0x2  }
0xba: {  	s3 =	sand.u32 $0x4000, s31;
	s1 =	sadd.s32 s1, s30  }
0xbb: {  	s0 =	sor.u32 s3, s0;
	s1 =	sshll.u32 s1, $0x11  }
0xbc: {  	s0 =	sor.u32 s1, s0  }
0xbd: {  	s0 =	sadd.s32 $0x8F2B, s0  }
0xbe: {  	[sflag:s0] =	ssyncadd.remote.s32 $0x1  }
0xbf: {  	_ =	sfence.sel $0xFFFF  }
0xc0: {  	[dreg:$0x0] =	wrdreg $0xFFFFFFFF;
	(pc) =	sbr.abs _section_cstart, $3  }
0xc1: {  	[dreg:$0x1] =	wrdreg $0xFFFFFFFF  }
0xc2: {  	_ =	task.clear_ibuf [dreg:s7], $0x2FFFF;
	_ =	strace $0x9FFFFFFF  }
0xc3: {  	(tm) =	ssettm $0x7FFFFFFF  }
tec
execute0_lowered:
.L_overlay_start_1:
0x0: {  	(tag) =	ssettag $0x1  }
0x1: {  	s6 =	rddreg [dreg:$0x0]  }
0x2: {  	s2 =	rddreg [dreg:$0x1]  }
0x3: {  	s3 =	rddreg [dreg:$0x2]  }
0x4: {  	s0 =	rddreg [dreg:$0x3];
	s4 =	simm.s32 $0x0;
	s1 =	stileid.u32  }
0x5: {  	s5 =	srdreg.scid;
	s13 =	simm.s32 $0x80;
	s7 =	smul.u32 $0x500, s1  }
0x6: {  	s14 =	simm.s32 $0x1;
	[smem:$0x7FF] =	sst s4;
	s11 =	smul.u32 $0x4F000, s1  }
0x7: {  	s8 =	sand.u32 $0x1, s5;
	s5 =	sadd.s32 $0x6800, s6;
	s16 =	smul.u32 $0x2780, s1  }
0x8: {  	s31 =	sshll.u32 s1, $0x6;
	_ =	strace $0x80000047;
	s9 =	smul.u32 $0x27800, s8  }
0x9: {  	s10 =	ssub.s32 $0x2, s8;
	s8 =	smul.u32 $0x5000, s8;
	s7 =	sadd.s32 s7, s6  }
0xa: {  	s30 =	sshrl.u32 s10, $0x1;
	s11 =	sshrl.u32 s11, $0x2;
	s9 =	sadd.s32 s9, s6  }
0xb: {  	s10 =	ssub.s32 s10, s30;
	s6 =	sadd.s32 $0x1800, s7;
	s12 =	sadd.s32 s11, s3  }
0xc: {  	s8 =	sshrl.u32 s8, $0x2;
	s11 =	sor.u32 $0x1C02, s31;
	s15 =	sadd.s32 $0x9000, s9  }
0xd: {  	s7 =	smax.u32 s10, $0x1;
	s9 =	simm.s32 $0x2;
	s10 =	simm.s32 $0x2800  }
0xe: {  	s12 =	sshrl.u32 s12, $0x3;
	s15 =	sadd.s32 s16, s15;
	s16 =	simm.s32 $0x0  }
.LBB2_1:
0xf: {  	[tilespmem:s4], [sflag:$0x2] =	stream.linear.gather [hbm4b:s6+s4], $0x2800, $0x38;
	[tilespmem:$0x1A400] =	vst v63  }
0x10: {  	_ =	swait.ge [sflag:s9], $0x2800  }
0x11: {  	[sflag:s9] =	ssyncset.done $0x0  }
0x12: {  	[sflag:s9] =	ssyncadd.s32 $0xFFFFD800  }
0x13: {  	[tilespmem:s10], [sflag:$0x2] =	stream.linear.gather [hbm4b:s2+s4], $0x4000, $0x38;
	[tilespmem:$0x1A400] =	vst v63  }
0x14: {  	_ =	swait.ge [sflag:s9], $0x4000  }
0x15: {  	[sflag:s9] =	ssyncset.done $0x0  }
0x16: {  	[sflag:s9] =	ssyncadd.s32 $0xFFFFC000  }
0x17: {  	[spmem:s12], [sflag:s11] =	dma.local [hbm:s5], $0x2780  }
0x18: {  	_ =	swait.ge [sflag:s9], $0x2780  }
0x19: {  	[sflag:s9] =	ssyncset.done $0x0  }
0x1a: {  	[sflag:s9] =	ssyncadd.s32 $0xFFFFD880  }
0x1b: {  	s17 =	simm.s32 $0x0;
	[bflag:$0x0] =	sbarrier.arrive $0xFFFF  }
.LBB2_2:
0x1c: {  	p0 =	sne.s32 s17, $0x4E00  }
.Ltmp0:
0x1d: {  	_ = 	snop;
	(pc) =	sbr.rel @p0 .LBB2_2-.Ltmp0, $4  }
0x1e: {  	_ = 	snop  }
0x1f: {  	s18 =	sshra.s32 s17, $0x2  }
0x20: {  	s17 =	sadd.s32 $0x200, s17;
	s18 =	sadd.s32 s18, s8  }
0x21: {  	[spmem:s3] =	stream.indirect.scatter.add.f32 [tilespmem:s10], [sflag:$0x1], $0x80, s18, s13, $0xb8;
	[tilespmem:$0x1A400] =	vst v63  }
0x22: {  	_ =	swait.ge [sflag:s14], $0x4000  }
0x23: {  	s17 =	simm.s32 $0x27;
	[sflag:s14] =	ssyncset.done $0x0  }
.LBB2_4:
0x24: {  	p0 =	sne.s32 s17, $0x1;
	s17 =	sadd.s32 $0xFFFFFFFF, s17;
	[sflag:s14] =	ssyncadd.s32 $0xFFFFC000  }
.Ltmp1:
0x25: {  	(pc) =	sbr.rel @p0 .LBB2_4-.Ltmp1, $3  }
0x26: {  	_ =	sdelay $0x1  }
0x27: {  	_ =	swait.ge [sflag:s14], $0x4000  }
0x28: {  	[sflag:s14] =	ssyncset.done $0x0  }
0x29: {  	s16 =	sadd.s32 $0x1, s16  }
0x2a: {  	[sflag:s14] =	ssyncadd.s32 $0xFFFFC000;
	p0 =	sne.s32 s16, s7  }
.Ltmp2:
0x2b: {  	[bflag:$0x0] =	sbarrier.arrive $0xFFFF;
	(pc) =	sbr.rel @p0 .LBB2_1-.Ltmp2, $4  }
0x2c: {  	[hbm:s15], [sflag:s11] =	dma.local [spmem:s12], $0x2780  }
0x2d: {  	_ =	swait.ge [sflag:s9], $0x2780  }
0x2e: {  	[sflag:s9] =	ssyncset.done $0x0  }
0x2f: {  	[sflag:s9] =	ssyncadd.s32 $0xFFFFD880  }
0x30: {  	_ =	sfence.sel $0x180000  }
0x31: {  	[bflag:$0x0] =	sbarrier.arrive $0xFFFF  }
0x32: {  	p0 =	sne.s32 s1, $0x0;
	_ =	strace $0x90000047  }
0x33: {  	s0 =	sadd.s32 @!p0 $0x100000, s0;
	[bflag:$0x2] =	sbarrier.arrive $0xFFFF  }
0x34: {  	[sflag:s0] =	ssyncadd.tile.s32 @!p0 $0x1;
	_ =	shalt  }
.Lfunc_end2:
_tile_overlayer_lowered:
.L_overlay_start_2:
0x35: {  	(tag) =	ssettag $0x2  }
0x36: {  	s0 =	rddreg [dreg:$0x0];
	s2 =	stileid.u32  }
0x37: {  	s1 =	rddreg [dreg:$0x1];
	p0 =	sne.s32 s2, $0x0  }
0x38: {  	s3 =	rddreg [dreg:$0x2];
	[bflag:$0x3] =	sbarrier.arrive $0xFFFF;
	s2 =	simm.s32 @!p0 $0x1C02  }
0x39: {  	[timem:s3], [sflag:s2] =	dma.local @!p0 [hbm:s0], s1  }
0x3a: {  	s0 =	simm.s32 @!p0 $0x2  }
0x3b: {  	_ =	swait.ge @!p0 [sflag:s0], s1  }
0x3c: {  	s1 =	ssub.s32 @!p0 $0x0, s1;
	[sflag:s0] =	ssyncset.done @!p0 $0x0  }
0x3d: {  	[sflag:s0] =	ssyncadd.s32 @!p0 s1  }
0x3e: {  	[bflag:$0x3] =	sbarrier.arrive $0xFFFF  }
0x3f: {  	_ =	shalt  }

</sc_bundles>
